<compile_context>
chip_gen: v7x
topology: tpu7x:2x2x1
jax: 0.10.2.dev20260603
libtpu: 0.0.44.dev20260713+nightly
codegen_flags: <defaults>
</compile_context>

<pallas_src>
import functools

import jax
import jax.numpy as jnp
from jax import lax
from jax.experimental import pallas as pl
from jax.experimental.pallas import tpu as pltpu
from jax.experimental.pallas import tpu_sc as plsc

N = 10000
E = 320000
F_IN = 128
H = 64
G = 64
EPS = 1e-5

N_PAD = 10240
CHUNK = 128
NC, NS = 2, 16
NW = NC * NS
CH_PER_TILE = 80
E_PAD = NW * CH_PER_TILE * CHUNK
ROWS_PER_TILE = N_PAD // NS
KDEPTH = 8

_mesh = plsc.VectorSubcoreMesh(core_axis_name="c", subcore_axis_name="s")



DEGW = 16


@functools.partial(
    pl.kernel,
    out_type=jax.ShapeDtypeStruct((NC, N_PAD, DEGW), jnp.float32),
    mesh=_mesh,
    scratch_types=[
        pltpu.VMEM((CH_PER_TILE, CHUNK), jnp.int32),
        pltpu.VMEM((CHUNK, DEGW), jnp.float32),
        pltpu.VMEM((CHUNK, DEGW), jnp.float32),
        pltpu.VMEM_SHARED((N_PAD, DEGW), jnp.float32),
    ],
    compiler_params=pltpu.CompilerParams(use_tc_tiling_on_sc=False),
)
def _sc_degree(dst_hbm, out_hbm, idx_v, ones_v, zero_v, acc):
    c = lax.axis_index("c")
    s = lax.axis_index("s")
    w = c * NS + s
    pltpu.sync_copy(dst_hbm.at[pl.ds(w * CH_PER_TILE, CH_PER_TILE)], idx_v)

    def fill(i, carry):
        ones_v[i, :] = jnp.full((DEGW,), 1.0, jnp.float32)
        zero_v[i, :] = jnp.zeros((DEGW,), jnp.float32)
        return carry

    lax.fori_loop(0, CHUNK, fill, 0)
    for k in range(ROWS_PER_TILE // CHUNK):
        pltpu.sync_copy(zero_v,
                        acc.at[pl.ds(s * ROWS_PER_TILE + k * CHUNK, CHUNK)])
    plsc.subcore_barrier()

    def body(j, carry):
        pltpu.sync_copy(ones_v, acc.at[idx_v.at[j]], add=True)
        return carry

    lax.fori_loop(0, CH_PER_TILE, body, 0)
    plsc.subcore_barrier()
    pltpu.sync_copy(acc.at[pl.ds(s * ROWS_PER_TILE, ROWS_PER_TILE)],
                    out_hbm.at[c, pl.ds(s * ROWS_PER_TILE, ROWS_PER_TILE)])


@functools.partial(
    pl.kernel,
    out_type=jax.ShapeDtypeStruct((NC, N_PAD, H), jnp.float32),
    mesh=_mesh,
    scratch_types=[
        pltpu.VMEM((CH_PER_TILE + KDEPTH, CHUNK), jnp.int32),
        pltpu.VMEM((CH_PER_TILE, CHUNK), jnp.int32),
        [pltpu.VMEM((CHUNK, H), jnp.float32)] * KDEPTH,
        pltpu.VMEM_SHARED((N_PAD, H), jnp.float32),
        [pltpu.SemaphoreType.DMA] * KDEPTH,
        [pltpu.SemaphoreType.DMA] * KDEPTH,
    ],
    compiler_params=pltpu.CompilerParams(use_tc_tiling_on_sc=False),
)
def _sc_aggregate(u_hbm, src_hbm, dst_hbm, out_hbm,
                  src_v, dst_v, bufs, acc, gsems, ssems):
    c = lax.axis_index("c")
    s = lax.axis_index("s")
    w = c * NS + s
    pltpu.sync_copy(src_hbm.at[pl.ds(w * CH_PER_TILE, CH_PER_TILE)],
                    src_v.at[pl.ds(0, CH_PER_TILE)])
    pltpu.sync_copy(src_hbm.at[pl.ds(w * CH_PER_TILE, KDEPTH)],
                    src_v.at[pl.ds(CH_PER_TILE, KDEPTH)])
    pltpu.sync_copy(dst_hbm.at[pl.ds(w * CH_PER_TILE, CH_PER_TILE)], dst_v)

    def zfill(i, carry):
        for q in range(H // 16):
            bufs[0][i, pl.ds(q * 16, 16)] = jnp.zeros((16,), jnp.float32)
        return carry

    lax.fori_loop(0, CHUNK, zfill, 0)
    for k in range(ROWS_PER_TILE // CHUNK):
        pltpu.sync_copy(bufs[0],
                        acc.at[pl.ds(s * ROWS_PER_TILE + k * CHUNK, CHUNK)])
    gprime = [
        pltpu.async_copy(u_hbm.at[src_v.at[i]], bufs[i], gsems[i])
        for i in range(KDEPTH)
    ]
    plsc.subcore_barrier()

    def body(j, carry):
        base = j * KDEPTH
        scats = []
        for i in range(KDEPTH):
            pltpu.make_async_copy(u_hbm.at[src_v.at[base + i]], bufs[i],
                                  gsems[i]).wait()
            scats.append(pltpu.async_copy(
                bufs[i], acc.at[dst_v.at[base + i]], ssems[i], add=True))
        for i in range(KDEPTH):
            scats[i].wait()
            pltpu.async_copy(u_hbm.at[src_v.at[base + KDEPTH + i]], bufs[i],
                             gsems[i])
        return carry

    lax.fori_loop(0, CH_PER_TILE // KDEPTH, body, 0)
    for i in range(KDEPTH):
        pltpu.make_async_copy(u_hbm.at[src_v.at[CH_PER_TILE + i]], bufs[i],
                              gsems[i]).wait()
    plsc.subcore_barrier()
    pltpu.sync_copy(acc.at[pl.ds(s * ROWS_PER_TILE, ROWS_PER_TILE)],
                    out_hbm.at[c, pl.ds(s * ROWS_PER_TILE, ROWS_PER_TILE)])



FLAT = N_PAD * H // 128


def _tc_lin1(x_ref, w_ref, o_ref):
    o_ref[...] = jnp.dot(x_ref[...], w_ref[...],
                         preferred_element_type=jnp.float32)


def _tc_scale(degf_ref, lin_ref, u_ref):
    u_ref[...] = lin_ref[...] * lax.rsqrt(degf_ref[...] + 1.0)


def _tc_mid(aggf_ref, u_ref, degf_ref, b_ref, g_ref, be_ref, rm_ref,
            rv_ref, w2_ref, o_ref):
    dinv = lax.rsqrt(degf_ref[...] + 1.0)
    conv = dinv * (aggf_ref[0] + aggf_ref[1] + u_ref[...]) + b_ref[...]
    scale = g_ref[...] * lax.rsqrt(rv_ref[...] + EPS)
    h = jnp.maximum((conv - rm_ref[...]) * scale + be_ref[...], 0.0)
    o_ref[...] = jnp.dot(h, w2_ref[...],
                         preferred_element_type=jnp.float32) * dinv


def _tc_head(aggf_ref, u_ref, degf_ref, b_ref, g_ref, be_ref, rm_ref,
             rv_ref, be_ref2, bo_ref, l1w_ref, l1b_ref, l2w_ref, l2b_ref,
             o_ref):
    dinv = lax.rsqrt(degf_ref[...] + 1.0)
    conv = dinv * (aggf_ref[0] + aggf_ref[1] + u_ref[...]) + b_ref[...]
    scale = g_ref[...] * lax.rsqrt(rv_ref[...] + EPS)
    h = jnp.maximum((conv - rm_ref[...]) * scale + be_ref[...], 0.0)
    seg = lax.broadcasted_iota(jnp.int32, (G, FLAT), 0)
    ohe = (seg == be_ref2[...]).astype(jnp.float32)
    oho = (seg == bo_ref[...]).astype(jnp.float32)
    sums = (jnp.dot(ohe, h[:, 0:H], preferred_element_type=jnp.float32)
            + jnp.dot(oho, h[:, H:2 * H],
                      preferred_element_type=jnp.float32))
    ones = jnp.ones((FLAT, 1), jnp.float32)
    cnt = (jnp.dot(ohe, ones, preferred_element_type=jnp.float32)
           + jnp.dot(oho, ones, preferred_element_type=jnp.float32))
    pooled = sums / jnp.maximum(cnt, 1.0)
    z = jnp.maximum(jnp.dot(pooled, l1w_ref[...],
                            preferred_element_type=jnp.float32) + l1b_ref[...],
                    0.0)
    o_ref[...] = jnp.dot(z, l2w_ref[...],
                         preferred_element_type=jnp.float32) + l2b_ref[...]


def _call(body, out_shape, *args):
    return pl.pallas_call(body, out_shape=out_shape)(*args)



def kernel(x, edge_index, batch, W1, b1, W2, b2, g1, be1, rm1, rv1,
           g2, be2, rm2, rv2, l1w, l1b, l2w, l2b):
    f32 = jnp.float32
    src, dst = edge_index[0], edge_index[1]
    dummy = N + jnp.arange(E_PAD - E, dtype=jnp.int32) % (N_PAD - N)
    ei_p = jnp.concatenate([edge_index, jnp.tile(dummy, (2, 1))], axis=1)
    src_p = ei_p[0].reshape(NW * CH_PER_TILE, CHUNK)
    dst_p = ei_p[1].reshape(NW * CH_PER_TILE, CHUNK)
    x_p = jnp.pad(x, ((0, N_PAD - N), (0, 0)))
    batch_row = jnp.pad(batch, (0, N_PAD - N), constant_values=G).reshape(1, N_PAD)

    w1t = W1.T
    w2t = W2.T
    l1wt = l1w.T
    l2wt = l2w.T
    row = lambda v: v.reshape(1, -1)
    row2 = lambda v: jnp.concatenate([v, v]).reshape(1, 2 * H)
    zf = jnp.zeros((F_IN, H), f32)
    w1blk = jnp.concatenate(
        [jnp.concatenate([w1t, zf], axis=1),
         jnp.concatenate([zf, w1t], axis=1)], axis=0)
    zh = jnp.zeros((H, H), f32)
    w2blk = jnp.concatenate(
        [jnp.concatenate([w2t, zh], axis=1),
         jnp.concatenate([zh, w2t], axis=1)], axis=0)
    x_flat = x_p.reshape(FLAT, 2 * F_IN)
    batch_e = batch_row[0, 0::2].reshape(1, FLAT)
    batch_o = batch_row[0, 1::2].reshape(1, FLAT)

    deg_parts = _sc_degree(dst_p)
    lin1 = _call(_tc_lin1, jax.ShapeDtypeStruct((FLAT, 128), f32),
                 x_flat, w1blk)
    degsum = deg_parts[0, :, 0:1] + deg_parts[1, :, 0:1]
    deg_flat = jnp.broadcast_to(degsum, (N_PAD, H)).reshape(FLAT, 128)
    u1 = _call(_tc_scale, jax.ShapeDtypeStruct((FLAT, 128), f32),
               deg_flat, lin1)
    agg1 = _sc_aggregate(u1.reshape(N_PAD, H), src_p, dst_p)
    u2 = _call(_tc_mid, jax.ShapeDtypeStruct((FLAT, 128), f32),
               agg1.reshape(NC, FLAT, 128), u1, deg_flat, row2(b1),
               row2(g1), row2(be1), row2(rm1), row2(rv1), w2blk)
    agg2 = _sc_aggregate(u2.reshape(N_PAD, H), src_p, dst_p)
    out = _call(_tc_head, jax.ShapeDtypeStruct((G, 1), f32),
                agg2.reshape(NC, FLAT, 128), u2, deg_flat, row2(b2),
                row2(g2), row2(be2), row2(rm2), row2(rv2), batch_e, batch_o,
                l1wt, row(l1b), l2wt, l2b.reshape(1, 1))
    return out

# --- scband reference (transcript-rebuilt; emitter-appended) ---
"""Pipeline reference for scband-gcn-41248865911240 (READ-ONLY COPY).

The authoritative reference and input builder live on the scoring server;
editing this copy changes nothing except your own understanding.
"""

import jax, jax.numpy as jnp
import numpy as np

N = 10000
E = 320000
F_IN = 128
H = 64
NUM_GRAPHS = 64
EPS = 1e-5


def setup_inputs(seed: int = 0) -> dict:
    key = jax.random.key(seed)
    ks = jax.random.split(key, 8)
    x = jax.random.normal(ks[0], (N, F_IN), dtype=jnp.float32)
    edge_index = jax.random.randint(ks[1], (2, E), 0, N, dtype=jnp.int32)
    batch = jnp.sort(jax.random.randint(ks[2], (N,), 0, NUM_GRAPHS, dtype=jnp.int32))
    W1 = jax.random.normal(ks[3], (H, F_IN), dtype=jnp.float32) / np.sqrt(F_IN)
    b1 = jnp.zeros((H,), jnp.float32)
    W2 = jax.random.normal(ks[4], (H, H), dtype=jnp.float32) / np.sqrt(H)
    b2 = jnp.zeros((H,), jnp.float32)
    g1 = jnp.ones((H,), jnp.float32)
    be1 = jnp.zeros((H,), jnp.float32)
    rm1 = jnp.zeros((H,), jnp.float32)
    rv1 = jnp.ones((H,), jnp.float32)
    g2 = jnp.ones((H,), jnp.float32)
    be2 = jnp.zeros((H,), jnp.float32)
    rm2 = jnp.zeros((H,), jnp.float32)
    rv2 = jnp.ones((H,), jnp.float32)
    l1w = jax.random.normal(ks[5], (H // 2, H), dtype=jnp.float32) / np.sqrt(H)
    l1b = jnp.zeros((H // 2,), jnp.float32)
    l2w = jax.random.normal(ks[6], (1, H // 2), dtype=jnp.float32) / np.sqrt(H // 2)
    l2b = jnp.zeros((1,), jnp.float32)
    return {"x": x, "edge_index": edge_index, "batch": batch,
            "W1": W1, "b1": b1, "W2": W2, "b2": b2,
            "g1": g1, "be1": be1, "rm1": rm1, "rv1": rv1,
            "g2": g2, "be2": be2, "rm2": rm2, "rv2": rv2,
            "l1w": l1w, "l1b": l1b, "l2w": l2w, "l2b": l2b}


def _gcn_conv(x, W, b, src, dst):
    # GCNConv: lin -> add self loops -> symmetric norm -> scatter-add -> + bias
    h = x @ W.T
    loop = jnp.arange(N, dtype=src.dtype)
    s = jnp.concatenate([src, loop])
    d = jnp.concatenate([dst, loop])
    deg = jnp.zeros((N,), h.dtype).at[d].add(1.0)
    dinv = jnp.where(deg > 0, jax.lax.rsqrt(deg), 0.0)
    norm = dinv[s] * dinv[d]
    out = jnp.zeros((N, h.shape[1]), h.dtype).at[d].add(h[s] * norm[:, None])
    return out + b


def _bn_eval(x, g, b, rm, rv):
    return (x - rm) * jax.lax.rsqrt(rv + EPS) * g + b


def reference(x, edge_index, batch, W1, b1, W2, b2, g1, be1, rm1, rv1, g2, be2, rm2, rv2, l1w, l1b, l2w, l2b):
    src, dst = edge_index[0], edge_index[1]
    h = _gcn_conv(x, W1, b1, src, dst)
    h = jax.nn.relu(_bn_eval(h, g1, be1, rm1, rv1))
    # dropout is identity in eval mode
    h = _gcn_conv(h, W2, b2, src, dst)
    h = jax.nn.relu(_bn_eval(h, g2, be2, rm2, rv2))
    sums = jax.ops.segment_sum(h, batch, num_segments=NUM_GRAPHS)
    cnt = jax.ops.segment_sum(jnp.ones((N,), h.dtype), batch, num_segments=NUM_GRAPHS)
    pooled = sums / jnp.maximum(cnt, 1.0)[:, None]
    z = jax.nn.relu(pooled @ l1w.T + l1b)
    return z @ l2w.T + l2b

if __name__ == "__main__":
    import jax
    _d = setup_inputs()
    print(jax.jit(kernel)(*tuple(_d.values())))

</pallas_src>

<mosaic_0001>
#map = affine_map<(d0, d1) -> (0, 0)>
#map1 = affine_map<(d0, d1) -> (0, 0, 0)>
module attributes {stable_mosaic.version = 14 : i64} {
  func.func @_sc_degree(%arg0: i32, %arg1: i32, %arg2: memref<2560x128xi32, #tpu.memory_space<hbm>>, %arg3: memref<2x10240x16xf32, #tpu.memory_space<hbm>>, %arg4: memref<80x128xi32, #tpu.memory_space<vmem>>, %arg5: memref<128x16xf32, #tpu.memory_space<vmem>>, %arg6: memref<128x16xf32, #tpu.memory_space<vmem>>, %arg7: memref<10240x16xf32, #tpu.memory_space<vmem_shared>>) attributes {dimension_semantics = [#tpu.dimension_semantics<core_parallel>, #tpu.dimension_semantics<subcore_parallel>], iteration_bounds = array<i64: 2, 16>, scalar_prefetch = 0 : i64, scratch_operands = 4 : i64, tpu.core_type = #tpu.core_type<sc_vector_subcore>, window_params = [{transform_indices = #map}, {transform_indices = #map1}]} {
    %mul3A = arith.constant 16 : i32
    %mul3A_0 = arith.muli %arg0, %mul3A : i32
    %add3A = arith.addi %mul3A_0, %arg1 : i32
    %mul3A_1 = arith.constant 80 : i32
    %mul3A_2 = arith.muli %add3A, %mul3A_1 : i32
    "tpu.region"() ({
      %run_scoped3A = tpu.sem_alloc : memref<!tpu.dma_semaphore, #tpu.memory_space<semaphore_mem>>
      %dma_start3A = arith.constant 0 : i32
      %dma_start3A_39 = tpu.memref_slice %arg2[%mul3A_2, %dma_start3A] : memref<2560x128xi32, #tpu.memory_space<hbm>> -> memref<80x128xi32, #tpu.memory_space<hbm>>
      %dma_start3A_40 = arith.constant 0 : i32
      %dma_start3A_41 = tpu.memref_slice %arg2[%mul3A_2, %dma_start3A_40] : memref<2560x128xi32, #tpu.memory_space<hbm>> -> memref<80x128xi32, #tpu.memory_space<hbm>>
      tpu.enqueue_dma source(%dma_start3A_41 : memref<80x128xi32, #tpu.memory_space<hbm>>) target(%arg4 : memref<80x128xi32, #tpu.memory_space<vmem>>) target_semaphore(%run_scoped3A : memref<!tpu.dma_semaphore, #tpu.memory_space<semaphore_mem>>)
      %dma_wait3A = arith.constant 0 : i32
      %dma_wait3A_42 = tpu.memref_slice %arg2[%mul3A_2, %dma_wait3A] : memref<2560x128xi32, #tpu.memory_space<hbm>> -> memref<80x128xi32, #tpu.memory_space<hbm>>
      %dma_wait3A_43 = arith.constant 0 : i32
      %dma_wait3A_44 = tpu.memref_slice %arg2[%mul3A_2, %dma_wait3A_43] : memref<2560x128xi32, #tpu.memory_space<hbm>> -> memref<80x128xi32, #tpu.memory_space<hbm>>
      tpu.wait_dma2 semaphore(%run_scoped3A : memref<!tpu.dma_semaphore, #tpu.memory_space<semaphore_mem>>) src(%dma_wait3A_44 : memref<80x128xi32, #tpu.memory_space<hbm>>) dst(%arg4 : memref<80x128xi32, #tpu.memory_space<vmem>>)
      tpu.yield
    }) : () -> ()
    %scan3A = arith.constant 0 : i32
    %scan3A_3 = arith.constant 0 : i32
    %scan3A_4 = arith.constant 128 : i32
    %scan3A_5 = arith.addi %scan3A_3, %scan3A_4 : i32
    %scan3A_6 = arith.constant 1 : i32
    scf.for %scan3A_39 = %scan3A_3 to %scan3A_5 step %scan3A_6  : i32 {
      %broadcast_in_dim3A = arith.constant 1.000000e+00 : f32
      %broadcast_in_dim3A_40 = vector.broadcast %broadcast_in_dim3A : f32 to vector<16xf32>
      %swap3A = arith.index_cast %scan3A_39 : i32 to index
      %swap3A_41 = arith.constant 0 : index
      %swap3A_42 = tpu.vector_load %arg5[%swap3A, %swap3A_41] {strides = array<i32>} : memref<128x16xf32, #tpu.memory_space<vmem>>, vector<1x16xf32>,
      %swap3A_43 = vector.shape_cast %swap3A_42 : vector<1x16xf32> to vector<16xf32>
      %swap3A_44 = vector.shape_cast %broadcast_in_dim3A_40 : vector<16xf32> to vector<1x16xf32>
      tpu.vector_store %arg5[%swap3A, %swap3A_41], %swap3A_44 {strides = array<i32>} : memref<128x16xf32, #tpu.memory_space<vmem>>, vector<1x16xf32>,
      %broadcast_in_dim3A_45 = arith.constant 0.000000e+00 : f32
      %broadcast_in_dim3A_46 = vector.broadcast %broadcast_in_dim3A_45 : f32 to vector<16xf32>
      %swap3A_47 = arith.index_cast %scan3A_39 : i32 to index
      %swap3A_48 = arith.constant 0 : index
      %swap3A_49 = tpu.vector_load %arg6[%swap3A_47, %swap3A_48] {strides = array<i32>} : memref<128x16xf32, #tpu.memory_space<vmem>>, vector<1x16xf32>,
      %swap3A_50 = vector.shape_cast %swap3A_49 : vector<1x16xf32> to vector<16xf32>
      %swap3A_51 = vector.shape_cast %broadcast_in_dim3A_46 : vector<16xf32> to vector<1x16xf32>
      tpu.vector_store %arg6[%swap3A_47, %swap3A_48], %swap3A_51 {strides = array<i32>} : memref<128x16xf32, #tpu.memory_space<vmem>>, vector<1x16xf32>,
    }
    %scan3A_7 = arith.constant 128 : i32
    %mul3A_8 = arith.constant 640 : i32
    %mul3A_9 = arith.muli %arg1, %mul3A_8 : i32
    %add3A_10 = arith.constant 0 : i32
    %add3A_11 = arith.addi %mul3A_9, %add3A_10 : i32
    "tpu.region"() ({
      %run_scoped3A = tpu.sem_alloc : memref<!tpu.dma_semaphore, #tpu.memory_space<semaphore_mem>>
      %dma_start3A = arith.constant 0 : i32
      %dma_start3A_39 = tpu.memref_slice %arg7[%add3A_11, %dma_start3A] : memref<10240x16xf32, #tpu.memory_space<vmem_shared>> -> memref<128x16xf32, #tpu.memory_space<vmem_shared>>
      %dma_start3A_40 = arith.constant 0 : i32
      %dma_start3A_41 = tpu.memref_slice %arg7[%add3A_11, %dma_start3A_40] : memref<10240x16xf32, #tpu.memory_space<vmem_shared>> -> memref<128x16xf32, #tpu.memory_space<vmem_shared>>
      tpu.enqueue_dma source(%arg6 : memref<128x16xf32, #tpu.memory_space<vmem>>) target(%dma_start3A_41 : memref<128x16xf32, #tpu.memory_space<vmem_shared>>) target_semaphore(%run_scoped3A : memref<!tpu.dma_semaphore, #tpu.memory_space<semaphore_mem>>)
      %dma_wait3A = arith.constant 0 : i32
      %dma_wait3A_42 = tpu.memref_slice %arg7[%add3A_11, %dma_wait3A] : memref<10240x16xf32, #tpu.memory_space<vmem_shared>> -> memref<128x16xf32, #tpu.memory_space<vmem_shared>>
      %dma_wait3A_43 = arith.constant 0 : i32
      %dma_wait3A_44 = tpu.memref_slice %arg7[%add3A_11, %dma_wait3A_43] : memref<10240x16xf32, #tpu.memory_space<vmem_shared>> -> memref<128x16xf32, #tpu.memory_space<vmem_shared>>
      tpu.wait_dma2 semaphore(%run_scoped3A : memref<!tpu.dma_semaphore, #tpu.memory_space<semaphore_mem>>) src(%arg6 : memref<128x16xf32, #tpu.memory_space<vmem>>) dst(%dma_wait3A_44 : memref<128x16xf32, #tpu.memory_space<vmem_shared>>)
      tpu.yield
    }) : () -> ()
    %mul3A_12 = arith.constant 640 : i32
    %mul3A_13 = arith.muli %arg1, %mul3A_12 : i32
    %add3A_14 = arith.constant 128 : i32
    %add3A_15 = arith.addi %mul3A_13, %add3A_14 : i32
    "tpu.region"() ({
      %run_scoped3A = tpu.sem_alloc : memref<!tpu.dma_semaphore, #tpu.memory_space<semaphore_mem>>
      %dma_start3A = arith.constant 0 : i32
      %dma_start3A_39 = tpu.memref_slice %arg7[%add3A_15, %dma_start3A] : memref<10240x16xf32, #tpu.memory_space<vmem_shared>> -> memref<128x16xf32, #tpu.memory_space<vmem_shared>>
      %dma_start3A_40 = arith.constant 0 : i32
      %dma_start3A_41 = tpu.memref_slice %arg7[%add3A_15, %dma_start3A_40] : memref<10240x16xf32, #tpu.memory_space<vmem_shared>> -> memref<128x16xf32, #tpu.memory_space<vmem_shared>>
      tpu.enqueue_dma source(%arg6 : memref<128x16xf32, #tpu.memory_space<vmem>>) target(%dma_start3A_41 : memref<128x16xf32, #tpu.memory_space<vmem_shared>>) target_semaphore(%run_scoped3A : memref<!tpu.dma_semaphore, #tpu.memory_space<semaphore_mem>>)
      %dma_wait3A = arith.constant 0 : i32
      %dma_wait3A_42 = tpu.memref_slice %arg7[%add3A_15, %dma_wait3A] : memref<10240x16xf32, #tpu.memory_space<vmem_shared>> -> memref<128x16xf32, #tpu.memory_space<vmem_shared>>
      %dma_wait3A_43 = arith.constant 0 : i32
      %dma_wait3A_44 = tpu.memref_slice %arg7[%add3A_15, %dma_wait3A_43] : memref<10240x16xf32, #tpu.memory_space<vmem_shared>> -> memref<128x16xf32, #tpu.memory_space<vmem_shared>>
      tpu.wait_dma2 semaphore(%run_scoped3A : memref<!tpu.dma_semaphore, #tpu.memory_space<semaphore_mem>>) src(%arg6 : memref<128x16xf32, #tpu.memory_space<vmem>>) dst(%dma_wait3A_44 : memref<128x16xf32, #tpu.memory_space<vmem_shared>>)
      tpu.yield
    }) : () -> ()
    %mul3A_16 = arith.constant 640 : i32
    %mul3A_17 = arith.muli %arg1, %mul3A_16 : i32
    %add3A_18 = arith.constant 256 : i32
    %add3A_19 = arith.addi %mul3A_17, %add3A_18 : i32
    "tpu.region"() ({
      %run_scoped3A = tpu.sem_alloc : memref<!tpu.dma_semaphore, #tpu.memory_space<semaphore_mem>>
      %dma_start3A = arith.constant 0 : i32
      %dma_start3A_39 = tpu.memref_slice %arg7[%add3A_19, %dma_start3A] : memref<10240x16xf32, #tpu.memory_space<vmem_shared>> -> memref<128x16xf32, #tpu.memory_space<vmem_shared>>
      %dma_start3A_40 = arith.constant 0 : i32
      %dma_start3A_41 = tpu.memref_slice %arg7[%add3A_19, %dma_start3A_40] : memref<10240x16xf32, #tpu.memory_space<vmem_shared>> -> memref<128x16xf32, #tpu.memory_space<vmem_shared>>
      tpu.enqueue_dma source(%arg6 : memref<128x16xf32, #tpu.memory_space<vmem>>) target(%dma_start3A_41 : memref<128x16xf32, #tpu.memory_space<vmem_shared>>) target_semaphore(%run_scoped3A : memref<!tpu.dma_semaphore, #tpu.memory_space<semaphore_mem>>)
      %dma_wait3A = arith.constant 0 : i32
      %dma_wait3A_42 = tpu.memref_slice %arg7[%add3A_19, %dma_wait3A] : memref<10240x16xf32, #tpu.memory_space<vmem_shared>> -> memref<128x16xf32, #tpu.memory_space<vmem_shared>>
      %dma_wait3A_43 = arith.constant 0 : i32
      %dma_wait3A_44 = tpu.memref_slice %arg7[%add3A_19, %dma_wait3A_43] : memref<10240x16xf32, #tpu.memory_space<vmem_shared>> -> memref<128x16xf32, #tpu.memory_space<vmem_shared>>
      tpu.wait_dma2 semaphore(%run_scoped3A : memref<!tpu.dma_semaphore, #tpu.memory_space<semaphore_mem>>) src(%arg6 : memref<128x16xf32, #tpu.memory_space<vmem>>) dst(%dma_wait3A_44 : memref<128x16xf32, #tpu.memory_space<vmem_shared>>)
      tpu.yield
    }) : () -> ()
    %mul3A_20 = arith.constant 640 : i32
    %mul3A_21 = arith.muli %arg1, %mul3A_20 : i32
    %add3A_22 = arith.constant 384 : i32
    %add3A_23 = arith.addi %mul3A_21, %add3A_22 : i32
    "tpu.region"() ({
      %run_scoped3A = tpu.sem_alloc : memref<!tpu.dma_semaphore, #tpu.memory_space<semaphore_mem>>
      %dma_start3A = arith.constant 0 : i32
      %dma_start3A_39 = tpu.memref_slice %arg7[%add3A_23, %dma_start3A] : memref<10240x16xf32, #tpu.memory_space<vmem_shared>> -> memref<128x16xf32, #tpu.memory_space<vmem_shared>>
      %dma_start3A_40 = arith.constant 0 : i32
      %dma_start3A_41 = tpu.memref_slice %arg7[%add3A_23, %dma_start3A_40] : memref<10240x16xf32, #tpu.memory_space<vmem_shared>> -> memref<128x16xf32, #tpu.memory_space<vmem_shared>>
      tpu.enqueue_dma source(%arg6 : memref<128x16xf32, #tpu.memory_space<vmem>>) target(%dma_start3A_41 : memref<128x16xf32, #tpu.memory_space<vmem_shared>>) target_semaphore(%run_scoped3A : memref<!tpu.dma_semaphore, #tpu.memory_space<semaphore_mem>>)
      %dma_wait3A = arith.constant 0 : i32
      %dma_wait3A_42 = tpu.memref_slice %arg7[%add3A_23, %dma_wait3A] : memref<10240x16xf32, #tpu.memory_space<vmem_shared>> -> memref<128x16xf32, #tpu.memory_space<vmem_shared>>
      %dma_wait3A_43 = arith.constant 0 : i32
      %dma_wait3A_44 = tpu.memref_slice %arg7[%add3A_23, %dma_wait3A_43] : memref<10240x16xf32, #tpu.memory_space<vmem_shared>> -> memref<128x16xf32, #tpu.memory_space<vmem_shared>>
      tpu.wait_dma2 semaphore(%run_scoped3A : memref<!tpu.dma_semaphore, #tpu.memory_space<semaphore_mem>>) src(%arg6 : memref<128x16xf32, #tpu.memory_space<vmem>>) dst(%dma_wait3A_44 : memref<128x16xf32, #tpu.memory_space<vmem_shared>>)
      tpu.yield
    }) : () -> ()
    %mul3A_24 = arith.constant 640 : i32
    %mul3A_25 = arith.muli %arg1, %mul3A_24 : i32
    %add3A_26 = arith.constant 512 : i32
    %add3A_27 = arith.addi %mul3A_25, %add3A_26 : i32
    "tpu.region"() ({
      %run_scoped3A = tpu.sem_alloc : memref<!tpu.dma_semaphore, #tpu.memory_space<semaphore_mem>>
      %dma_start3A = arith.constant 0 : i32
      %dma_start3A_39 = tpu.memref_slice %arg7[%add3A_27, %dma_start3A] : memref<10240x16xf32, #tpu.memory_space<vmem_shared>> -> memref<128x16xf32, #tpu.memory_space<vmem_shared>>
      %dma_start3A_40 = arith.constant 0 : i32
      %dma_start3A_41 = tpu.memref_slice %arg7[%add3A_27, %dma_start3A_40] : memref<10240x16xf32, #tpu.memory_space<vmem_shared>> -> memref<128x16xf32, #tpu.memory_space<vmem_shared>>
      tpu.enqueue_dma source(%arg6 : memref<128x16xf32, #tpu.memory_space<vmem>>) target(%dma_start3A_41 : memref<128x16xf32, #tpu.memory_space<vmem_shared>>) target_semaphore(%run_scoped3A : memref<!tpu.dma_semaphore, #tpu.memory_space<semaphore_mem>>)
      %dma_wait3A = arith.constant 0 : i32
      %dma_wait3A_42 = tpu.memref_slice %arg7[%add3A_27, %dma_wait3A] : memref<10240x16xf32, #tpu.memory_space<vmem_shared>> -> memref<128x16xf32, #tpu.memory_space<vmem_shared>>
      %dma_wait3A_43 = arith.constant 0 : i32
      %dma_wait3A_44 = tpu.memref_slice %arg7[%add3A_27, %dma_wait3A_43] : memref<10240x16xf32, #tpu.memory_space<vmem_shared>> -> memref<128x16xf32, #tpu.memory_space<vmem_shared>>
      tpu.wait_dma2 semaphore(%run_scoped3A : memref<!tpu.dma_semaphore, #tpu.memory_space<semaphore_mem>>) src(%arg6 : memref<128x16xf32, #tpu.memory_space<vmem>>) dst(%dma_wait3A_44 : memref<128x16xf32, #tpu.memory_space<vmem_shared>>)
      tpu.yield
    }) : () -> ()
    %barrier3A = arith.constant 0 : index
    tpu.barrier barrier_id(%barrier3A)
    %scan3A_28 = arith.constant 0 : i32
    %scan3A_29 = arith.constant 0 : i32
    %scan3A_30 = arith.constant 80 : i32
    %scan3A_31 = arith.addi %scan3A_29, %scan3A_30 : i32
    %scan3A_32 = arith.constant 1 : i32
    scf.for %scan3A_39 = %scan3A_29 to %scan3A_31 step %scan3A_32  : i32 {
      "tpu.region"() ({
        %run_scoped3A = tpu.sem_alloc : memref<!tpu.dma_semaphore, #tpu.memory_space<semaphore_mem>>
        %dma_start3A = arith.constant 0 : i32
        %dma_start3A_40 = tpu.memref_slice %arg4[%scan3A_39, %dma_start3A] : memref<80x128xi32, #tpu.memory_space<vmem>> -> memref<1x128xi32, #tpu.memory_space<vmem>>
        %dma_start3A_41 = tpu.memref_squeeze %dma_start3A_40 : memref<1x128xi32, #tpu.memory_space<vmem>> -> memref<128xi32, #tpu.memory_space<vmem>>
        %dma_start3A_42 = arith.constant 0 : i32
        %dma_start3A_43 = arith.constant 0 : i32
        %dma_start3A_44 = tpu.memref_slice %arg7[%dma_start3A_42, %dma_start3A_43] : memref<10240x16xf32, #tpu.memory_space<vmem_shared>> -> memref<10240x16xf32, #tpu.memory_space<vmem_shared>>
        tpu.enqueue_indirect_dma source(%arg5 : memref<128x16xf32, #tpu.memory_space<vmem>>) target(%dma_start3A_44 : memref<10240x16xf32, #tpu.memory_space<vmem_shared>>) offsets(%dma_start3A_41 : memref<128xi32, #tpu.memory_space<vmem>>) semaphore(%run_scoped3A : memref<!tpu.dma_semaphore, #tpu.memory_space<semaphore_mem>>) {add = true}
        %dma_wait3A = arith.constant 0 : i32
        %dma_wait3A_45 = tpu.memref_slice %arg4[%scan3A_39, %dma_wait3A] : memref<80x128xi32, #tpu.memory_space<vmem>> -> memref<1x128xi32, #tpu.memory_space<vmem>>
        %dma_wait3A_46 = tpu.memref_squeeze %dma_wait3A_45 : memref<1x128xi32, #tpu.memory_space<vmem>> -> memref<128xi32, #tpu.memory_space<vmem>>
        %dma_wait3A_47 = arith.constant 0 : i32
        %dma_wait3A_48 = arith.constant 0 : i32
        %dma_wait3A_49 = tpu.memref_slice %arg7[%dma_wait3A_47, %dma_wait3A_48] : memref<10240x16xf32, #tpu.memory_space<vmem_shared>> -> memref<10240x16xf32, #tpu.memory_space<vmem_shared>>
        tpu.wait_indirect_dma semaphore(%run_scoped3A : memref<!tpu.dma_semaphore, #tpu.memory_space<semaphore_mem>>) src(%arg5 : memref<128x16xf32, #tpu.memory_space<vmem>>) dst(%dma_wait3A_49 : memref<10240x16xf32, #tpu.memory_space<vmem_shared>>)
        tpu.yield
      }) : () -> ()
    }
    %scan3A_33 = arith.constant 80 : i32
    %barrier3A_34 = arith.constant 0 : index
    tpu.barrier barrier_id(%barrier3A_34)
    %mul3A_35 = arith.constant 640 : i32
    %mul3A_36 = arith.muli %arg1, %mul3A_35 : i32
    %mul3A_37 = arith.constant 640 : i32
    %mul3A_38 = arith.muli %arg1, %mul3A_37 : i32
    "tpu.region"() ({
      %run_scoped3A = tpu.sem_alloc : memref<!tpu.dma_semaphore, #tpu.memory_space<semaphore_mem>>
      %dma_start3A = arith.constant 0 : i32
      %dma_start3A_39 = tpu.memref_slice %arg3[%arg0, %mul3A_38, %dma_start3A] : memref<2x10240x16xf32, #tpu.memory_space<hbm>> -> memref<1x640x16xf32, #tpu.memory_space<hbm>>
      %dma_start3A_40 = tpu.memref_squeeze %dma_start3A_39 : memref<1x640x16xf32, #tpu.memory_space<hbm>> -> memref<640x16xf32, #tpu.memory_space<hbm>>
      %dma_start3A_41 = arith.constant 0 : i32
      %dma_start3A_42 = tpu.memref_slice %arg7[%mul3A_36, %dma_start3A_41] : memref<10240x16xf32, #tpu.memory_space<vmem_shared>> -> memref<640x16xf32, #tpu.memory_space<vmem_shared>>
      tpu.enqueue_dma source(%dma_start3A_42 : memref<640x16xf32, #tpu.memory_space<vmem_shared>>) target(%dma_start3A_40 : memref<640x16xf32, #tpu.memory_space<hbm>>) target_semaphore(%run_scoped3A : memref<!tpu.dma_semaphore, #tpu.memory_space<semaphore_mem>>)
      %dma_wait3A = arith.constant 0 : i32
      %dma_wait3A_43 = tpu.memref_slice %arg3[%arg0, %mul3A_38, %dma_wait3A] : memref<2x10240x16xf32, #tpu.memory_space<hbm>> -> memref<1x640x16xf32, #tpu.memory_space<hbm>>
      %dma_wait3A_44 = tpu.memref_squeeze %dma_wait3A_43 : memref<1x640x16xf32, #tpu.memory_space<hbm>> -> memref<640x16xf32, #tpu.memory_space<hbm>>
      %dma_wait3A_45 = arith.constant 0 : i32
      %dma_wait3A_46 = tpu.memref_slice %arg7[%mul3A_36, %dma_wait3A_45] : memref<10240x16xf32, #tpu.memory_space<vmem_shared>> -> memref<640x16xf32, #tpu.memory_space<vmem_shared>>
      tpu.wait_dma2 semaphore(%run_scoped3A : memref<!tpu.dma_semaphore, #tpu.memory_space<semaphore_mem>>) src(%dma_wait3A_46 : memref<640x16xf32, #tpu.memory_space<vmem_shared>>) dst(%dma_wait3A_44 : memref<640x16xf32, #tpu.memory_space<hbm>>)
      tpu.yield
    }) : () -> ()
    return
  }
}

#map = affine_map<(d0, d1) -> (0, 0)>
#map1 = affine_map<(d0, d1) -> (0, 0, 0)>
module attributes {stable_mosaic.version = 14 : i64} {
  func.func @_sc_aggregate(%arg0: i32, %arg1: i32, %arg2: memref<10240x64xf32, #tpu.memory_space<hbm>>, %arg3: memref<2560x128xi32, #tpu.memory_space<hbm>>, %arg4: memref<2560x128xi32, #tpu.memory_space<hbm>>, %arg5: memref<2x10240x64xf32, #tpu.memory_space<hbm>>, %arg6: memref<88x128xi32, #tpu.memory_space<vmem>>, %arg7: memref<80x128xi32, #tpu.memory_space<vmem>>, %arg8: memref<128x64xf32, #tpu.memory_space<vmem>>, %arg9: memref<128x64xf32, #tpu.memory_space<vmem>>, %arg10: memref<128x64xf32, #tpu.memory_space<vmem>>, %arg11: memref<128x64xf32, #tpu.memory_space<vmem>>, %arg12: memref<128x64xf32, #tpu.memory_space<vmem>>, %arg13: memref<128x64xf32, #tpu.memory_space<vmem>>, %arg14: memref<128x64xf32, #tpu.memory_space<vmem>>, %arg15: memref<128x64xf32, #tpu.memory_space<vmem>>, %arg16: memref<10240x64xf32, #tpu.memory_space<vmem_shared>>, %arg17: memref<!tpu.dma_semaphore, #tpu.memory_space<semaphore_mem>>, %arg18: memref<!tpu.dma_semaphore, #tpu.memory_space<semaphore_mem>>, %arg19: memref<!tpu.dma_semaphore, #tpu.memory_space<semaphore_mem>>, %arg20: memref<!tpu.dma_semaphore, #tpu.memory_space<semaphore_mem>>, %arg21: memref<!tpu.dma_semaphore, #tpu.memory_space<semaphore_mem>>, %arg22: memref<!tpu.dma_semaphore, #tpu.memory_space<semaphore_mem>>, %arg23: memref<!tpu.dma_semaphore, #tpu.memory_space<semaphore_mem>>, %arg24: memref<!tpu.dma_semaphore, #tpu.memory_space<semaphore_mem>>, %arg25: memref<!tpu.dma_semaphore, #tpu.memory_space<semaphore_mem>>, %arg26: memref<!tpu.dma_semaphore, #tpu.memory_space<semaphore_mem>>, %arg27: memref<!tpu.dma_semaphore, #tpu.memory_space<semaphore_mem>>, %arg28: memref<!tpu.dma_semaphore, #tpu.memory_space<semaphore_mem>>, %arg29: memref<!tpu.dma_semaphore, #tpu.memory_space<semaphore_mem>>, %arg30: memref<!tpu.dma_semaphore, #tpu.memory_space<semaphore_mem>>, %arg31: memref<!tpu.dma_semaphore, #tpu.memory_space<semaphore_mem>>, %arg32: memref<!tpu.dma_semaphore, #tpu.memory_space<semaphore_mem>>) attributes {dimension_semantics = [#tpu.dimension_semantics<core_parallel>, #tpu.dimension_semantics<subcore_parallel>], iteration_bounds = array<i64: 2, 16>, scalar_prefetch = 0 : i64, scratch_operands = 27 : i64, tpu.core_type = #tpu.core_type<sc_vector_subcore>, window_params = [{transform_indices = #map}, {transform_indices = #map}, {transform_indices = #map}, {transform_indices = #map1}]} {
    %mul3A = arith.constant 16 : i32
    %mul3A_0 = arith.muli %arg0, %mul3A : i32
    %add3A = arith.addi %mul3A_0, %arg1 : i32
    %mul3A_1 = arith.constant 80 : i32
    %mul3A_2 = arith.muli %add3A, %mul3A_1 : i32
    "tpu.region"() ({
      %run_scoped3A = tpu.sem_alloc : memref<!tpu.dma_semaphore, #tpu.memory_space<semaphore_mem>>
      %dma_start3A_153 = arith.constant 0 : i32
      %dma_start3A_154 = arith.constant 0 : i32
      %dma_start3A_155 = tpu.memref_slice %arg6[%dma_start3A_153, %dma_start3A_154] : memref<88x128xi32, #tpu.memory_space<vmem>> -> memref<80x128xi32, #tpu.memory_space<vmem>>
      %dma_start3A_156 = arith.constant 0 : i32
      %dma_start3A_157 = tpu.memref_slice %arg3[%mul3A_2, %dma_start3A_156] : memref<2560x128xi32, #tpu.memory_space<hbm>> -> memref<80x128xi32, #tpu.memory_space<hbm>>
      %dma_start3A_158 = arith.constant 0 : i32
      %dma_start3A_159 = arith.constant 0 : i32
      %dma_start3A_160 = tpu.memref_slice %arg6[%dma_start3A_158, %dma_start3A_159] : memref<88x128xi32, #tpu.memory_space<vmem>> -> memref<80x128xi32, #tpu.memory_space<vmem>>
      %dma_start3A_161 = arith.constant 0 : i32
      %dma_start3A_162 = tpu.memref_slice %arg3[%mul3A_2, %dma_start3A_161] : memref<2560x128xi32, #tpu.memory_space<hbm>> -> memref<80x128xi32, #tpu.memory_space<hbm>>
      tpu.enqueue_dma source(%dma_start3A_162 : memref<80x128xi32, #tpu.memory_space<hbm>>) target(%dma_start3A_160 : memref<80x128xi32, #tpu.memory_space<vmem>>) target_semaphore(%run_scoped3A : memref<!tpu.dma_semaphore, #tpu.memory_space<semaphore_mem>>)
      %dma_wait3A_163 = arith.constant 0 : i32
      %dma_wait3A_164 = arith.constant 0 : i32
      %dma_wait3A_165 = tpu.memref_slice %arg6[%dma_wait3A_163, %dma_wait3A_164] : memref<88x128xi32, #tpu.memory_space<vmem>> -> memref<80x128xi32, #tpu.memory_space<vmem>>
      %dma_wait3A_166 = arith.constant 0 : i32
      %dma_wait3A_167 = tpu.memref_slice %arg3[%mul3A_2, %dma_wait3A_166] : memref<2560x128xi32, #tpu.memory_space<hbm>> -> memref<80x128xi32, #tpu.memory_space<hbm>>
      %dma_wait3A_168 = arith.constant 0 : i32
      %dma_wait3A_169 = arith.constant 0 : i32
      %dma_wait3A_170 = tpu.memref_slice %arg6[%dma_wait3A_168, %dma_wait3A_169] : memref<88x128xi32, #tpu.memory_space<vmem>> -> memref<80x128xi32, #tpu.memory_space<vmem>>
      %dma_wait3A_171 = arith.constant 0 : i32
      %dma_wait3A_172 = tpu.memref_slice %arg3[%mul3A_2, %dma_wait3A_171] : memref<2560x128xi32, #tpu.memory_space<hbm>> -> memref<80x128xi32, #tpu.memory_space<hbm>>
      tpu.wait_dma2 semaphore(%run_scoped3A : memref<!tpu.dma_semaphore, #tpu.memory_space<semaphore_mem>>) src(%dma_wait3A_172 : memref<80x128xi32, #tpu.memory_space<hbm>>) dst(%dma_wait3A_170 : memref<80x128xi32, #tpu.memory_space<vmem>>)
      tpu.yield
    }) : () -> ()
    %mul3A_3 = arith.constant 80 : i32
    %mul3A_4 = arith.muli %add3A, %mul3A_3 : i32
    "tpu.region"() ({
      %run_scoped3A = tpu.sem_alloc : memref<!tpu.dma_semaphore, #tpu.memory_space<semaphore_mem>>
      %dma_start3A_153 = arith.constant 80 : i32
      %dma_start3A_154 = arith.constant 0 : i32
      %dma_start3A_155 = tpu.memref_slice %arg6[%dma_start3A_153, %dma_start3A_154] : memref<88x128xi32, #tpu.memory_space<vmem>> -> memref<8x128xi32, #tpu.memory_space<vmem>>
      %dma_start3A_156 = arith.constant 0 : i32
      %dma_start3A_157 = tpu.memref_slice %arg3[%mul3A_4, %dma_start3A_156] : memref<2560x128xi32, #tpu.memory_space<hbm>> -> memref<8x128xi32, #tpu.memory_space<hbm>>
      %dma_start3A_158 = arith.constant 80 : i32
      %dma_start3A_159 = arith.constant 0 : i32
      %dma_start3A_160 = tpu.memref_slice %arg6[%dma_start3A_158, %dma_start3A_159] : memref<88x128xi32, #tpu.memory_space<vmem>> -> memref<8x128xi32, #tpu.memory_space<vmem>>
      %dma_start3A_161 = arith.constant 0 : i32
      %dma_start3A_162 = tpu.memref_slice %arg3[%mul3A_4, %dma_start3A_161] : memref<2560x128xi32, #tpu.memory_space<hbm>> -> memref<8x128xi32, #tpu.memory_space<hbm>>
      tpu.enqueue_dma source(%dma_start3A_162 : memref<8x128xi32, #tpu.memory_space<hbm>>) target(%dma_start3A_160 : memref<8x128xi32, #tpu.memory_space<vmem>>) target_semaphore(%run_scoped3A : memref<!tpu.dma_semaphore, #tpu.memory_space<semaphore_mem>>)
      %dma_wait3A_163 = arith.constant 80 : i32
      %dma_wait3A_164 = arith.constant 0 : i32
      %dma_wait3A_165 = tpu.memref_slice %arg6[%dma_wait3A_163, %dma_wait3A_164] : memref<88x128xi32, #tpu.memory_space<vmem>> -> memref<8x128xi32, #tpu.memory_space<vmem>>
      %dma_wait3A_166 = arith.constant 0 : i32
      %dma_wait3A_167 = tpu.memref_slice %arg3[%mul3A_4, %dma_wait3A_166] : memref<2560x128xi32, #tpu.memory_space<hbm>> -> memref<8x128xi32, #tpu.memory_space<hbm>>
      %dma_wait3A_168 = arith.constant 80 : i32
      %dma_wait3A_169 = arith.constant 0 : i32
      %dma_wait3A_170 = tpu.memref_slice %arg6[%dma_wait3A_168, %dma_wait3A_169] : memref<88x128xi32, #tpu.memory_space<vmem>> -> memref<8x128xi32, #tpu.memory_space<vmem>>
      %dma_wait3A_171 = arith.constant 0 : i32
      %dma_wait3A_172 = tpu.memref_slice %arg3[%mul3A_4, %dma_wait3A_171] : memref<2560x128xi32, #tpu.memory_space<hbm>> -> memref<8x128xi32, #tpu.memory_space<hbm>>
      tpu.wait_dma2 semaphore(%run_scoped3A : memref<!tpu.dma_semaphore, #tpu.memory_space<semaphore_mem>>) src(%dma_wait3A_172 : memref<8x128xi32, #tpu.memory_space<hbm>>) dst(%dma_wait3A_170 : memref<8x128xi32, #tpu.memory_space<vmem>>)
      tpu.yield
    }) : () -> ()
    %mul3A_5 = arith.constant 80 : i32
    %mul3A_6 = arith.muli %add3A, %mul3A_5 : i32
    "tpu.region"() ({
      %run_scoped3A = tpu.sem_alloc : memref<!tpu.dma_semaphore, #tpu.memory_space<semaphore_mem>>
      %dma_start3A_153 = arith.constant 0 : i32
      %dma_start3A_154 = tpu.memref_slice %arg4[%mul3A_6, %dma_start3A_153] : memref<2560x128xi32, #tpu.memory_space<hbm>> -> memref<80x128xi32, #tpu.memory_space<hbm>>
      %dma_start3A_155 = arith.constant 0 : i32
      %dma_start3A_156 = tpu.memref_slice %arg4[%mul3A_6, %dma_start3A_155] : memref<2560x128xi32, #tpu.memory_space<hbm>> -> memref<80x128xi32, #tpu.memory_space<hbm>>
      tpu.enqueue_dma source(%dma_start3A_156 : memref<80x128xi32, #tpu.memory_space<hbm>>) target(%arg7 : memref<80x128xi32, #tpu.memory_space<vmem>>) target_semaphore(%run_scoped3A : memref<!tpu.dma_semaphore, #tpu.memory_space<semaphore_mem>>)
      %dma_wait3A_157 = arith.constant 0 : i32
      %dma_wait3A_158 = tpu.memref_slice %arg4[%mul3A_6, %dma_wait3A_157] : memref<2560x128xi32, #tpu.memory_space<hbm>> -> memref<80x128xi32, #tpu.memory_space<hbm>>
      %dma_wait3A_159 = arith.constant 0 : i32
      %dma_wait3A_160 = tpu.memref_slice %arg4[%mul3A_6, %dma_wait3A_159] : memref<2560x128xi32, #tpu.memory_space<hbm>> -> memref<80x128xi32, #tpu.memory_space<hbm>>
      tpu.wait_dma2 semaphore(%run_scoped3A : memref<!tpu.dma_semaphore, #tpu.memory_space<semaphore_mem>>) src(%dma_wait3A_160 : memref<80x128xi32, #tpu.memory_space<hbm>>) dst(%arg7 : memref<80x128xi32, #tpu.memory_space<vmem>>)
      tpu.yield
    }) : () -> ()
    %scan3A = arith.constant 0 : i32
    %scan3A_7 = arith.constant 0 : i32
    %scan3A_8 = arith.constant 128 : i32
    %scan3A_9 = arith.addi %scan3A_7, %scan3A_8 : i32
    %scan3A_10 = arith.constant 1 : i32
    scf.for %scan3A_153 = %scan3A_7 to %scan3A_9 step %scan3A_10  : i32 {
      %broadcast_in_dim3A = arith.constant 0.000000e+00 : f32
      %broadcast_in_dim3A_154 = vector.broadcast %broadcast_in_dim3A : f32 to vector<16xf32>
      %swap3A = arith.index_cast %scan3A_153 : i32 to index
      %swap3A_155 = arith.constant 0 : index
      %swap3A_156 = tpu.vector_load %arg8[%swap3A, %swap3A_155] {strides = array<i32>} : memref<128x64xf32, #tpu.memory_space<vmem>>, vector<1x16xf32>,
      %swap3A_157 = vector.shape_cast %swap3A_156 : vector<1x16xf32> to vector<16xf32>
      %swap3A_158 = vector.shape_cast %broadcast_in_dim3A_154 : vector<16xf32> to vector<1x16xf32>
      tpu.vector_store %arg8[%swap3A, %swap3A_155], %swap3A_158 {strides = array<i32>} : memref<128x64xf32, #tpu.memory_space<vmem>>, vector<1x16xf32>,
      %broadcast_in_dim3A_159 = arith.constant 0.000000e+00 : f32
      %broadcast_in_dim3A_160 = vector.broadcast %broadcast_in_dim3A_159 : f32 to vector<16xf32>
      %swap3A_161 = arith.index_cast %scan3A_153 : i32 to index
      %swap3A_162 = arith.constant 16 : index
      %swap3A_163 = tpu.vector_load %arg8[%swap3A_161, %swap3A_162] {strides = array<i32>} : memref<128x64xf32, #tpu.memory_space<vmem>>, vector<1x16xf32>,
      %swap3A_164 = vector.shape_cast %swap3A_163 : vector<1x16xf32> to vector<16xf32>
      %swap3A_165 = vector.shape_cast %broadcast_in_dim3A_160 : vector<16xf32> to vector<1x16xf32>
      tpu.vector_store %arg8[%swap3A_161, %swap3A_162], %swap3A_165 {strides = array<i32>} : memref<128x64xf32, #tpu.memory_space<vmem>>, vector<1x16xf32>,
      %broadcast_in_dim3A_166 = arith.constant 0.000000e+00 : f32
      %broadcast_in_dim3A_167 = vector.broadcast %broadcast_in_dim3A_166 : f32 to vector<16xf32>
      %swap3A_168 = arith.index_cast %scan3A_153 : i32 to index
      %swap3A_169 = arith.constant 32 : index
      %swap3A_170 = tpu.vector_load %arg8[%swap3A_168, %swap3A_169] {strides = array<i32>} : memref<128x64xf32, #tpu.memory_space<vmem>>, vector<1x16xf32>,
      %swap3A_171 = vector.shape_cast %swap3A_170 : vector<1x16xf32> to vector<16xf32>
      %swap3A_172 = vector.shape_cast %broadcast_in_dim3A_167 : vector<16xf32> to vector<1x16xf32>
      tpu.vector_store %arg8[%swap3A_168, %swap3A_169], %swap3A_172 {strides = array<i32>} : memref<128x64xf32, #tpu.memory_space<vmem>>, vector<1x16xf32>,
      %broadcast_in_dim3A_173 = arith.constant 0.000000e+00 : f32
      %broadcast_in_dim3A_174 = vector.broadcast %broadcast_in_dim3A_173 : f32 to vector<16xf32>
      %swap3A_175 = arith.index_cast %scan3A_153 : i32 to index
      %swap3A_176 = arith.constant 48 : index
      %swap3A_177 = tpu.vector_load %arg8[%swap3A_175, %swap3A_176] {strides = array<i32>} : memref<128x64xf32, #tpu.memory_space<vmem>>, vector<1x16xf32>,
      %swap3A_178 = vector.shape_cast %swap3A_177 : vector<1x16xf32> to vector<16xf32>
      %swap3A_179 = vector.shape_cast %broadcast_in_dim3A_174 : vector<16xf32> to vector<1x16xf32>
      tpu.vector_store %arg8[%swap3A_175, %swap3A_176], %swap3A_179 {strides = array<i32>} : memref<128x64xf32, #tpu.memory_space<vmem>>, vector<1x16xf32>,
    }
    %scan3A_11 = arith.constant 128 : i32
    %mul3A_12 = arith.constant 640 : i32
    %mul3A_13 = arith.muli %arg1, %mul3A_12 : i32
    %add3A_14 = arith.constant 0 : i32
    %add3A_15 = arith.addi %mul3A_13, %add3A_14 : i32
    "tpu.region"() ({
      %run_scoped3A = tpu.sem_alloc : memref<!tpu.dma_semaphore, #tpu.memory_space<semaphore_mem>>
      %dma_start3A_153 = arith.constant 0 : i32
      %dma_start3A_154 = tpu.memref_slice %arg16[%add3A_15, %dma_start3A_153] : memref<10240x64xf32, #tpu.memory_space<vmem_shared>> -> memref<128x64xf32, #tpu.memory_space<vmem_shared>>
      %dma_start3A_155 = arith.constant 0 : i32
      %dma_start3A_156 = tpu.memref_slice %arg16[%add3A_15, %dma_start3A_155] : memref<10240x64xf32, #tpu.memory_space<vmem_shared>> -> memref<128x64xf32, #tpu.memory_space<vmem_shared>>
      tpu.enqueue_dma source(%arg8 : memref<128x64xf32, #tpu.memory_space<vmem>>) target(%dma_start3A_156 : memref<128x64xf32, #tpu.memory_space<vmem_shared>>) target_semaphore(%run_scoped3A : memref<!tpu.dma_semaphore, #tpu.memory_space<semaphore_mem>>)
      %dma_wait3A_157 = arith.constant 0 : i32
      %dma_wait3A_158 = tpu.memref_slice %arg16[%add3A_15, %dma_wait3A_157] : memref<10240x64xf32, #tpu.memory_space<vmem_shared>> -> memref<128x64xf32, #tpu.memory_space<vmem_shared>>
      %dma_wait3A_159 = arith.constant 0 : i32
      %dma_wait3A_160 = tpu.memref_slice %arg16[%add3A_15, %dma_wait3A_159] : memref<10240x64xf32, #tpu.memory_space<vmem_shared>> -> memref<128x64xf32, #tpu.memory_space<vmem_shared>>
      tpu.wait_dma2 semaphore(%run_scoped3A : memref<!tpu.dma_semaphore, #tpu.memory_space<semaphore_mem>>) src(%arg8 : memref<128x64xf32, #tpu.memory_space<vmem>>) dst(%dma_wait3A_160 : memref<128x64xf32, #tpu.memory_space<vmem_shared>>)
      tpu.yield
    }) : () -> ()
    %mul3A_16 = arith.constant 640 : i32
    %mul3A_17 = arith.muli %arg1, %mul3A_16 : i32
    %add3A_18 = arith.constant 128 : i32
    %add3A_19 = arith.addi %mul3A_17, %add3A_18 : i32
    "tpu.region"() ({
      %run_scoped3A = tpu.sem_alloc : memref<!tpu.dma_semaphore, #tpu.memory_space<semaphore_mem>>
      %dma_start3A_153 = arith.constant 0 : i32
      %dma_start3A_154 = tpu.memref_slice %arg16[%add3A_19, %dma_start3A_153] : memref<10240x64xf32, #tpu.memory_space<vmem_shared>> -> memref<128x64xf32, #tpu.memory_space<vmem_shared>>
      %dma_start3A_155 = arith.constant 0 : i32
      %dma_start3A_156 = tpu.memref_slice %arg16[%add3A_19, %dma_start3A_155] : memref<10240x64xf32, #tpu.memory_space<vmem_shared>> -> memref<128x64xf32, #tpu.memory_space<vmem_shared>>
      tpu.enqueue_dma source(%arg8 : memref<128x64xf32, #tpu.memory_space<vmem>>) target(%dma_start3A_156 : memref<128x64xf32, #tpu.memory_space<vmem_shared>>) target_semaphore(%run_scoped3A : memref<!tpu.dma_semaphore, #tpu.memory_space<semaphore_mem>>)
      %dma_wait3A_157 = arith.constant 0 : i32
      %dma_wait3A_158 = tpu.memref_slice %arg16[%add3A_19, %dma_wait3A_157] : memref<10240x64xf32, #tpu.memory_space<vmem_shared>> -> memref<128x64xf32, #tpu.memory_space<vmem_shared>>
      %dma_wait3A_159 = arith.constant 0 : i32
      %dma_wait3A_160 = tpu.memref_slice %arg16[%add3A_19, %dma_wait3A_159] : memref<10240x64xf32, #tpu.memory_space<vmem_shared>> -> memref<128x64xf32, #tpu.memory_space<vmem_shared>>
      tpu.wait_dma2 semaphore(%run_scoped3A : memref<!tpu.dma_semaphore, #tpu.memory_space<semaphore_mem>>) src(%arg8 : memref<128x64xf32, #tpu.memory_space<vmem>>) dst(%dma_wait3A_160 : memref<128x64xf32, #tpu.memory_space<vmem_shared>>)
      tpu.yield
    }) : () -> ()
    %mul3A_20 = arith.constant 640 : i32
    %mul3A_21 = arith.muli %arg1, %mul3A_20 : i32
    %add3A_22 = arith.constant 256 : i32
    %add3A_23 = arith.addi %mul3A_21, %add3A_22 : i32
    "tpu.region"() ({
      %run_scoped3A = tpu.sem_alloc : memref<!tpu.dma_semaphore, #tpu.memory_space<semaphore_mem>>
      %dma_start3A_153 = arith.constant 0 : i32
      %dma_start3A_154 = tpu.memref_slice %arg16[%add3A_23, %dma_start3A_153] : memref<10240x64xf32, #tpu.memory_space<vmem_shared>> -> memref<128x64xf32, #tpu.memory_space<vmem_shared>>
      %dma_start3A_155 = arith.constant 0 : i32
      %dma_start3A_156 = tpu.memref_slice %arg16[%add3A_23, %dma_start3A_155] : memref<10240x64xf32, #tpu.memory_space<vmem_shared>> -> memref<128x64xf32, #tpu.memory_space<vmem_shared>>
      tpu.enqueue_dma source(%arg8 : memref<128x64xf32, #tpu.memory_space<vmem>>) target(%dma_start3A_156 : memref<128x64xf32, #tpu.memory_space<vmem_shared>>) target_semaphore(%run_scoped3A : memref<!tpu.dma_semaphore, #tpu.memory_space<semaphore_mem>>)
      %dma_wait3A_157 = arith.constant 0 : i32
      %dma_wait3A_158 = tpu.memref_slice %arg16[%add3A_23, %dma_wait3A_157] : memref<10240x64xf32, #tpu.memory_space<vmem_shared>> -> memref<128x64xf32, #tpu.memory_space<vmem_shared>>
      %dma_wait3A_159 = arith.constant 0 : i32
      %dma_wait3A_160 = tpu.memref_slice %arg16[%add3A_23, %dma_wait3A_159] : memref<10240x64xf32, #tpu.memory_space<vmem_shared>> -> memref<128x64xf32, #tpu.memory_space<vmem_shared>>
      tpu.wait_dma2 semaphore(%run_scoped3A : memref<!tpu.dma_semaphore, #tpu.memory_space<semaphore_mem>>) src(%arg8 : memref<128x64xf32, #tpu.memory_space<vmem>>) dst(%dma_wait3A_160 : memref<128x64xf32, #tpu.memory_space<vmem_shared>>)
      tpu.yield
    }) : () -> ()
    %mul3A_24 = arith.constant 640 : i32
    %mul3A_25 = arith.muli %arg1, %mul3A_24 : i32
    %add3A_26 = arith.constant 384 : i32
    %add3A_27 = arith.addi %mul3A_25, %add3A_26 : i32
    "tpu.region"() ({
      %run_scoped3A = tpu.sem_alloc : memref<!tpu.dma_semaphore, #tpu.memory_space<semaphore_mem>>
      %dma_start3A_153 = arith.constant 0 : i32
      %dma_start3A_154 = tpu.memref_slice %arg16[%add3A_27, %dma_start3A_153] : memref<10240x64xf32, #tpu.memory_space<vmem_shared>> -> memref<128x64xf32, #tpu.memory_space<vmem_shared>>
      %dma_start3A_155 = arith.constant 0 : i32
      %dma_start3A_156 = tpu.memref_slice %arg16[%add3A_27, %dma_start3A_155] : memref<10240x64xf32, #tpu.memory_space<vmem_shared>> -> memref<128x64xf32, #tpu.memory_space<vmem_shared>>
      tpu.enqueue_dma source(%arg8 : memref<128x64xf32, #tpu.memory_space<vmem>>) target(%dma_start3A_156 : memref<128x64xf32, #tpu.memory_space<vmem_shared>>) target_semaphore(%run_scoped3A : memref<!tpu.dma_semaphore, #tpu.memory_space<semaphore_mem>>)
      %dma_wait3A_157 = arith.constant 0 : i32
      %dma_wait3A_158 = tpu.memref_slice %arg16[%add3A_27, %dma_wait3A_157] : memref<10240x64xf32, #tpu.memory_space<vmem_shared>> -> memref<128x64xf32, #tpu.memory_space<vmem_shared>>
      %dma_wait3A_159 = arith.constant 0 : i32
      %dma_wait3A_160 = tpu.memref_slice %arg16[%add3A_27, %dma_wait3A_159] : memref<10240x64xf32, #tpu.memory_space<vmem_shared>> -> memref<128x64xf32, #tpu.memory_space<vmem_shared>>
      tpu.wait_dma2 semaphore(%run_scoped3A : memref<!tpu.dma_semaphore, #tpu.memory_space<semaphore_mem>>) src(%arg8 : memref<128x64xf32, #tpu.memory_space<vmem>>) dst(%dma_wait3A_160 : memref<128x64xf32, #tpu.memory_space<vmem_shared>>)
      tpu.yield
    }) : () -> ()
    %mul3A_28 = arith.constant 640 : i32
    %mul3A_29 = arith.muli %arg1, %mul3A_28 : i32
    %add3A_30 = arith.constant 512 : i32
    %add3A_31 = arith.addi %mul3A_29, %add3A_30 : i32
    "tpu.region"() ({
      %run_scoped3A = tpu.sem_alloc : memref<!tpu.dma_semaphore, #tpu.memory_space<semaphore_mem>>
      %dma_start3A_153 = arith.constant 0 : i32
      %dma_start3A_154 = tpu.memref_slice %arg16[%add3A_31, %dma_start3A_153] : memref<10240x64xf32, #tpu.memory_space<vmem_shared>> -> memref<128x64xf32, #tpu.memory_space<vmem_shared>>
      %dma_start3A_155 = arith.constant 0 : i32
      %dma_start3A_156 = tpu.memref_slice %arg16[%add3A_31, %dma_start3A_155] : memref<10240x64xf32, #tpu.memory_space<vmem_shared>> -> memref<128x64xf32, #tpu.memory_space<vmem_shared>>
      tpu.enqueue_dma source(%arg8 : memref<128x64xf32, #tpu.memory_space<vmem>>) target(%dma_start3A_156 : memref<128x64xf32, #tpu.memory_space<vmem_shared>>) target_semaphore(%run_scoped3A : memref<!tpu.dma_semaphore, #tpu.memory_space<semaphore_mem>>)
      %dma_wait3A_157 = arith.constant 0 : i32
      %dma_wait3A_158 = tpu.memref_slice %arg16[%add3A_31, %dma_wait3A_157] : memref<10240x64xf32, #tpu.memory_space<vmem_shared>> -> memref<128x64xf32, #tpu.memory_space<vmem_shared>>
      %dma_wait3A_159 = arith.constant 0 : i32
      %dma_wait3A_160 = tpu.memref_slice %arg16[%add3A_31, %dma_wait3A_159] : memref<10240x64xf32, #tpu.memory_space<vmem_shared>> -> memref<128x64xf32, #tpu.memory_space<vmem_shared>>
      tpu.wait_dma2 semaphore(%run_scoped3A : memref<!tpu.dma_semaphore, #tpu.memory_space<semaphore_mem>>) src(%arg8 : memref<128x64xf32, #tpu.memory_space<vmem>>) dst(%dma_wait3A_160 : memref<128x64xf32, #tpu.memory_space<vmem_shared>>)
      tpu.yield
    }) : () -> ()
    %dma_start3A = arith.constant 0 : i32
    %dma_start3A_32 = arith.constant 0 : i32
    %dma_start3A_33 = tpu.memref_slice %arg6[%dma_start3A, %dma_start3A_32] : memref<88x128xi32, #tpu.memory_space<vmem>> -> memref<1x128xi32, #tpu.memory_space<vmem>>
    %dma_start3A_34 = tpu.memref_squeeze %dma_start3A_33 : memref<1x128xi32, #tpu.memory_space<vmem>> -> memref<128xi32, #tpu.memory_space<vmem>>
    %dma_start3A_35 = arith.constant 0 : i32
    %dma_start3A_36 = arith.constant 0 : i32
    %dma_start3A_37 = tpu.memref_slice %arg2[%dma_start3A_35, %dma_start3A_36] : memref<10240x64xf32, #tpu.memory_space<hbm>> -> memref<10240x64xf32, #tpu.memory_space<hbm>>
    tpu.enqueue_indirect_dma source(%dma_start3A_37 : memref<10240x64xf32, #tpu.memory_space<hbm>>) target(%arg8 : memref<128x64xf32, #tpu.memory_space<vmem>>) offsets(%dma_start3A_34 : memref<128xi32, #tpu.memory_space<vmem>>) semaphore(%arg17 : memref<!tpu.dma_semaphore, #tpu.memory_space<semaphore_mem>>)
    %dma_start3A_38 = arith.constant 1 : i32
    %dma_start3A_39 = arith.constant 0 : i32
    %dma_start3A_40 = tpu.memref_slice %arg6[%dma_start3A_38, %dma_start3A_39] : memref<88x128xi32, #tpu.memory_space<vmem>> -> memref<1x128xi32, #tpu.memory_space<vmem>>
    %dma_start3A_41 = tpu.memref_squeeze %dma_start3A_40 : memref<1x128xi32, #tpu.memory_space<vmem>> -> memref<128xi32, #tpu.memory_space<vmem>>
    %dma_start3A_42 = arith.constant 0 : i32
    %dma_start3A_43 = arith.constant 0 : i32
    %dma_start3A_44 = tpu.memref_slice %arg2[%dma_start3A_42, %dma_start3A_43] : memref<10240x64xf32, #tpu.memory_space<hbm>> -> memref<10240x64xf32, #tpu.memory_space<hbm>>
    tpu.enqueue_indirect_dma source(%dma_start3A_44 : memref<10240x64xf32, #tpu.memory_space<hbm>>) target(%arg9 : memref<128x64xf32, #tpu.memory_space<vmem>>) offsets(%dma_start3A_41 : memref<128xi32, #tpu.memory_space<vmem>>) semaphore(%arg18 : memref<!tpu.dma_semaphore, #tpu.memory_space<semaphore_mem>>)
    %dma_start3A_45 = arith.constant 2 : i32
    %dma_start3A_46 = arith.constant 0 : i32
    %dma_start3A_47 = tpu.memref_slice %arg6[%dma_start3A_45, %dma_start3A_46] : memref<88x128xi32, #tpu.memory_space<vmem>> -> memref<1x128xi32, #tpu.memory_space<vmem>>
    %dma_start3A_48 = tpu.memref_squeeze %dma_start3A_47 : memref<1x128xi32, #tpu.memory_space<vmem>> -> memref<128xi32, #tpu.memory_space<vmem>>
    %dma_start3A_49 = arith.constant 0 : i32
    %dma_start3A_50 = arith.constant 0 : i32
    %dma_start3A_51 = tpu.memref_slice %arg2[%dma_start3A_49, %dma_start3A_50] : memref<10240x64xf32, #tpu.memory_space<hbm>> -> memref<10240x64xf32, #tpu.memory_space<hbm>>
    tpu.enqueue_indirect_dma source(%dma_start3A_51 : memref<10240x64xf32, #tpu.memory_space<hbm>>) target(%arg10 : memref<128x64xf32, #tpu.memory_space<vmem>>) offsets(%dma_start3A_48 : memref<128xi32, #tpu.memory_space<vmem>>) semaphore(%arg19 : memref<!tpu.dma_semaphore, #tpu.memory_space<semaphore_mem>>)
    %dma_start3A_52 = arith.constant 3 : i32
    %dma_start3A_53 = arith.constant 0 : i32
    %dma_start3A_54 = tpu.memref_slice %arg6[%dma_start3A_52, %dma_start3A_53] : memref<88x128xi32, #tpu.memory_space<vmem>> -> memref<1x128xi32, #tpu.memory_space<vmem>>
    %dma_start3A_55 = tpu.memref_squeeze %dma_start3A_54 : memref<1x128xi32, #tpu.memory_space<vmem>> -> memref<128xi32, #tpu.memory_space<vmem>>
    %dma_start3A_56 = arith.constant 0 : i32
    %dma_start3A_57 = arith.constant 0 : i32
    %dma_start3A_58 = tpu.memref_slice %arg2[%dma_start3A_56, %dma_start3A_57] : memref<10240x64xf32, #tpu.memory_space<hbm>> -> memref<10240x64xf32, #tpu.memory_space<hbm>>
    tpu.enqueue_indirect_dma source(%dma_start3A_58 : memref<10240x64xf32, #tpu.memory_space<hbm>>) target(%arg11 : memref<128x64xf32, #tpu.memory_space<vmem>>) offsets(%dma_start3A_55 : memref<128xi32, #tpu.memory_space<vmem>>) semaphore(%arg20 : memref<!tpu.dma_semaphore, #tpu.memory_space<semaphore_mem>>)
    %dma_start3A_59 = arith.constant 4 : i32
    %dma_start3A_60 = arith.constant 0 : i32
    %dma_start3A_61 = tpu.memref_slice %arg6[%dma_start3A_59, %dma_start3A_60] : memref<88x128xi32, #tpu.memory_space<vmem>> -> memref<1x128xi32, #tpu.memory_space<vmem>>
    %dma_start3A_62 = tpu.memref_squeeze %dma_start3A_61 : memref<1x128xi32, #tpu.memory_space<vmem>> -> memref<128xi32, #tpu.memory_space<vmem>>
    %dma_start3A_63 = arith.constant 0 : i32
    %dma_start3A_64 = arith.constant 0 : i32
    %dma_start3A_65 = tpu.memref_slice %arg2[%dma_start3A_63, %dma_start3A_64] : memref<10240x64xf32, #tpu.memory_space<hbm>> -> memref<10240x64xf32, #tpu.memory_space<hbm>>
    tpu.enqueue_indirect_dma source(%dma_start3A_65 : memref<10240x64xf32, #tpu.memory_space<hbm>>) target(%arg12 : memref<128x64xf32, #tpu.memory_space<vmem>>) offsets(%dma_start3A_62 : memref<128xi32, #tpu.memory_space<vmem>>) semaphore(%arg21 : memref<!tpu.dma_semaphore, #tpu.memory_space<semaphore_mem>>)
    %dma_start3A_66 = arith.constant 5 : i32
    %dma_start3A_67 = arith.constant 0 : i32
    %dma_start3A_68 = tpu.memref_slice %arg6[%dma_start3A_66, %dma_start3A_67] : memref<88x128xi32, #tpu.memory_space<vmem>> -> memref<1x128xi32, #tpu.memory_space<vmem>>
    %dma_start3A_69 = tpu.memref_squeeze %dma_start3A_68 : memref<1x128xi32, #tpu.memory_space<vmem>> -> memref<128xi32, #tpu.memory_space<vmem>>
    %dma_start3A_70 = arith.constant 0 : i32
    %dma_start3A_71 = arith.constant 0 : i32
    %dma_start3A_72 = tpu.memref_slice %arg2[%dma_start3A_70, %dma_start3A_71] : memref<10240x64xf32, #tpu.memory_space<hbm>> -> memref<10240x64xf32, #tpu.memory_space<hbm>>
    tpu.enqueue_indirect_dma source(%dma_start3A_72 : memref<10240x64xf32, #tpu.memory_space<hbm>>) target(%arg13 : memref<128x64xf32, #tpu.memory_space<vmem>>) offsets(%dma_start3A_69 : memref<128xi32, #tpu.memory_space<vmem>>) semaphore(%arg22 : memref<!tpu.dma_semaphore, #tpu.memory_space<semaphore_mem>>)
    %dma_start3A_73 = arith.constant 6 : i32
    %dma_start3A_74 = arith.constant 0 : i32
    %dma_start3A_75 = tpu.memref_slice %arg6[%dma_start3A_73, %dma_start3A_74] : memref<88x128xi32, #tpu.memory_space<vmem>> -> memref<1x128xi32, #tpu.memory_space<vmem>>
    %dma_start3A_76 = tpu.memref_squeeze %dma_start3A_75 : memref<1x128xi32, #tpu.memory_space<vmem>> -> memref<128xi32, #tpu.memory_space<vmem>>
    %dma_start3A_77 = arith.constant 0 : i32
    %dma_start3A_78 = arith.constant 0 : i32
    %dma_start3A_79 = tpu.memref_slice %arg2[%dma_start3A_77, %dma_start3A_78] : memref<10240x64xf32, #tpu.memory_space<hbm>> -> memref<10240x64xf32, #tpu.memory_space<hbm>>
    tpu.enqueue_indirect_dma source(%dma_start3A_79 : memref<10240x64xf32, #tpu.memory_space<hbm>>) target(%arg14 : memref<128x64xf32, #tpu.memory_space<vmem>>) offsets(%dma_start3A_76 : memref<128xi32, #tpu.memory_space<vmem>>) semaphore(%arg23 : memref<!tpu.dma_semaphore, #tpu.memory_space<semaphore_mem>>)
    %dma_start3A_80 = arith.constant 7 : i32
    %dma_start3A_81 = arith.constant 0 : i32
    %dma_start3A_82 = tpu.memref_slice %arg6[%dma_start3A_80, %dma_start3A_81] : memref<88x128xi32, #tpu.memory_space<vmem>> -> memref<1x128xi32, #tpu.memory_space<vmem>>
    %dma_start3A_83 = tpu.memref_squeeze %dma_start3A_82 : memref<1x128xi32, #tpu.memory_space<vmem>> -> memref<128xi32, #tpu.memory_space<vmem>>
    %dma_start3A_84 = arith.constant 0 : i32
    %dma_start3A_85 = arith.constant 0 : i32
    %dma_start3A_86 = tpu.memref_slice %arg2[%dma_start3A_84, %dma_start3A_85] : memref<10240x64xf32, #tpu.memory_space<hbm>> -> memref<10240x64xf32, #tpu.memory_space<hbm>>
    tpu.enqueue_indirect_dma source(%dma_start3A_86 : memref<10240x64xf32, #tpu.memory_space<hbm>>) target(%arg15 : memref<128x64xf32, #tpu.memory_space<vmem>>) offsets(%dma_start3A_83 : memref<128xi32, #tpu.memory_space<vmem>>) semaphore(%arg24 : memref<!tpu.dma_semaphore, #tpu.memory_space<semaphore_mem>>)
    %barrier3A = arith.constant 0 : index
    tpu.barrier barrier_id(%barrier3A)
    %scan3A_87 = arith.constant 0 : i32
    %scan3A_88 = arith.constant 0 : i32
    %scan3A_89 = arith.constant 10 : i32
    %scan3A_90 = arith.addi %scan3A_88, %scan3A_89 : i32
    %scan3A_91 = arith.constant 1 : i32
    scf.for %scan3A_153 = %scan3A_88 to %scan3A_90 step %scan3A_91  : i32 {
      %mul3A_154 = arith.constant 8 : i32
      %mul3A_155 = arith.muli %scan3A_153, %mul3A_154 : i32
      %add3A_156 = arith.constant 0 : i32
      %add3A_157 = arith.addi %mul3A_155, %add3A_156 : i32
      %dma_wait3A_158 = arith.constant 0 : i32
      %dma_wait3A_159 = tpu.memref_slice %arg6[%add3A_157, %dma_wait3A_158] : memref<88x128xi32, #tpu.memory_space<vmem>> -> memref<1x128xi32, #tpu.memory_space<vmem>>
      %dma_wait3A_160 = tpu.memref_squeeze %dma_wait3A_159 : memref<1x128xi32, #tpu.memory_space<vmem>> -> memref<128xi32, #tpu.memory_space<vmem>>
      %dma_wait3A_161 = arith.constant 0 : i32
      %dma_wait3A_162 = arith.constant 0 : i32
      %dma_wait3A_163 = tpu.memref_slice %arg2[%dma_wait3A_161, %dma_wait3A_162] : memref<10240x64xf32, #tpu.memory_space<hbm>> -> memref<10240x64xf32, #tpu.memory_space<hbm>>
      tpu.wait_indirect_dma semaphore(%arg17 : memref<!tpu.dma_semaphore, #tpu.memory_space<semaphore_mem>>) src(%dma_wait3A_163 : memref<10240x64xf32, #tpu.memory_space<hbm>>) dst(%arg8 : memref<128x64xf32, #tpu.memory_space<vmem>>)
      %add3A_164 = arith.constant 0 : i32
      %add3A_165 = arith.addi %mul3A_155, %add3A_164 : i32
      %dma_start3A_166 = arith.constant 0 : i32
      %dma_start3A_167 = tpu.memref_slice %arg7[%add3A_165, %dma_start3A_166] : memref<80x128xi32, #tpu.memory_space<vmem>> -> memref<1x128xi32, #tpu.memory_space<vmem>>
      %dma_start3A_168 = tpu.memref_squeeze %dma_start3A_167 : memref<1x128xi32, #tpu.memory_space<vmem>> -> memref<128xi32, #tpu.memory_space<vmem>>
      %dma_start3A_169 = arith.constant 0 : i32
      %dma_start3A_170 = arith.constant 0 : i32
      %dma_start3A_171 = tpu.memref_slice %arg16[%dma_start3A_169, %dma_start3A_170] : memref<10240x64xf32, #tpu.memory_space<vmem_shared>> -> memref<10240x64xf32, #tpu.memory_space<vmem_shared>>
      tpu.enqueue_indirect_dma source(%arg8 : memref<128x64xf32, #tpu.memory_space<vmem>>) target(%dma_start3A_171 : memref<10240x64xf32, #tpu.memory_space<vmem_shared>>) offsets(%dma_start3A_168 : memref<128xi32, #tpu.memory_space<vmem>>) semaphore(%arg25 : memref<!tpu.dma_semaphore, #tpu.memory_space<semaphore_mem>>) {add = true}
      %add3A_172 = arith.constant 1 : i32
      %add3A_173 = arith.addi %mul3A_155, %add3A_172 : i32
      %dma_wait3A_174 = arith.constant 0 : i32
      %dma_wait3A_175 = tpu.memref_slice %arg6[%add3A_173, %dma_wait3A_174] : memref<88x128xi32, #tpu.memory_space<vmem>> -> memref<1x128xi32, #tpu.memory_space<vmem>>
      %dma_wait3A_176 = tpu.memref_squeeze %dma_wait3A_175 : memref<1x128xi32, #tpu.memory_space<vmem>> -> memref<128xi32, #tpu.memory_space<vmem>>
      %dma_wait3A_177 = arith.constant 0 : i32
      %dma_wait3A_178 = arith.constant 0 : i32
      %dma_wait3A_179 = tpu.memref_slice %arg2[%dma_wait3A_177, %dma_wait3A_178] : memref<10240x64xf32, #tpu.memory_space<hbm>> -> memref<10240x64xf32, #tpu.memory_space<hbm>>
      tpu.wait_indirect_dma semaphore(%arg18 : memref<!tpu.dma_semaphore, #tpu.memory_space<semaphore_mem>>) src(%dma_wait3A_179 : memref<10240x64xf32, #tpu.memory_space<hbm>>) dst(%arg9 : memref<128x64xf32, #tpu.memory_space<vmem>>)
      %add3A_180 = arith.constant 1 : i32
      %add3A_181 = arith.addi %mul3A_155, %add3A_180 : i32
      %dma_start3A_182 = arith.constant 0 : i32
      %dma_start3A_183 = tpu.memref_slice %arg7[%add3A_181, %dma_start3A_182] : memref<80x128xi32, #tpu.memory_space<vmem>> -> memref<1x128xi32, #tpu.memory_space<vmem>>
      %dma_start3A_184 = tpu.memref_squeeze %dma_start3A_183 : memref<1x128xi32, #tpu.memory_space<vmem>> -> memref<128xi32, #tpu.memory_space<vmem>>
      %dma_start3A_185 = arith.constant 0 : i32
      %dma_start3A_186 = arith.constant 0 : i32
      %dma_start3A_187 = tpu.memref_slice %arg16[%dma_start3A_185, %dma_start3A_186] : memref<10240x64xf32, #tpu.memory_space<vmem_shared>> -> memref<10240x64xf32, #tpu.memory_space<vmem_shared>>
      tpu.enqueue_indirect_dma source(%arg9 : memref<128x64xf32, #tpu.memory_space<vmem>>) target(%dma_start3A_187 : memref<10240x64xf32, #tpu.memory_space<vmem_shared>>) offsets(%dma_start3A_184 : memref<128xi32, #tpu.memory_space<vmem>>) semaphore(%arg26 : memref<!tpu.dma_semaphore, #tpu.memory_space<semaphore_mem>>) {add = true}
      %add3A_188 = arith.constant 2 : i32
      %add3A_189 = arith.addi %mul3A_155, %add3A_188 : i32
      %dma_wait3A_190 = arith.constant 0 : i32
      %dma_wait3A_191 = tpu.memref_slice %arg6[%add3A_189, %dma_wait3A_190] : memref<88x128xi32, #tpu.memory_space<vmem>> -> memref<1x128xi32, #tpu.memory_space<vmem>>
      %dma_wait3A_192 = tpu.memref_squeeze %dma_wait3A_191 : memref<1x128xi32, #tpu.memory_space<vmem>> -> memref<128xi32, #tpu.memory_space<vmem>>
      %dma_wait3A_193 = arith.constant 0 : i32
      %dma_wait3A_194 = arith.constant 0 : i32
      %dma_wait3A_195 = tpu.memref_slice %arg2[%dma_wait3A_193, %dma_wait3A_194] : memref<10240x64xf32, #tpu.memory_space<hbm>> -> memref<10240x64xf32, #tpu.memory_space<hbm>>
      tpu.wait_indirect_dma semaphore(%arg19 : memref<!tpu.dma_semaphore, #tpu.memory_space<semaphore_mem>>) src(%dma_wait3A_195 : memref<10240x64xf32, #tpu.memory_space<hbm>>) dst(%arg10 : memref<128x64xf32, #tpu.memory_space<vmem>>)
      %add3A_196 = arith.constant 2 : i32
      %add3A_197 = arith.addi %mul3A_155, %add3A_196 : i32
      %dma_start3A_198 = arith.constant 0 : i32
      %dma_start3A_199 = tpu.memref_slice %arg7[%add3A_197, %dma_start3A_198] : memref<80x128xi32, #tpu.memory_space<vmem>> -> memref<1x128xi32, #tpu.memory_space<vmem>>
      %dma_start3A_200 = tpu.memref_squeeze %dma_start3A_199 : memref<1x128xi32, #tpu.memory_space<vmem>> -> memref<128xi32, #tpu.memory_space<vmem>>
      %dma_start3A_201 = arith.constant 0 : i32
      %dma_start3A_202 = arith.constant 0 : i32
      %dma_start3A_203 = tpu.memref_slice %arg16[%dma_start3A_201, %dma_start3A_202] : memref<10240x64xf32, #tpu.memory_space<vmem_shared>> -> memref<10240x64xf32, #tpu.memory_space<vmem_shared>>
      tpu.enqueue_indirect_dma source(%arg10 : memref<128x64xf32, #tpu.memory_space<vmem>>) target(%dma_start3A_203 : memref<10240x64xf32, #tpu.memory_space<vmem_shared>>) offsets(%dma_start3A_200 : memref<128xi32, #tpu.memory_space<vmem>>) semaphore(%arg27 : memref<!tpu.dma_semaphore, #tpu.memory_space<semaphore_mem>>) {add = true}
      %add3A_204 = arith.constant 3 : i32
      %add3A_205 = arith.addi %mul3A_155, %add3A_204 : i32
      %dma_wait3A_206 = arith.constant 0 : i32
      %dma_wait3A_207 = tpu.memref_slice %arg6[%add3A_205, %dma_wait3A_206] : memref<88x128xi32, #tpu.memory_space<vmem>> -> memref<1x128xi32, #tpu.memory_space<vmem>>
      %dma_wait3A_208 = tpu.memref_squeeze %dma_wait3A_207 : memref<1x128xi32, #tpu.memory_space<vmem>> -> memref<128xi32, #tpu.memory_space<vmem>>
      %dma_wait3A_209 = arith.constant 0 : i32
      %dma_wait3A_210 = arith.constant 0 : i32
      %dma_wait3A_211 = tpu.memref_slice %arg2[%dma_wait3A_209, %dma_wait3A_210] : memref<10240x64xf32, #tpu.memory_space<hbm>> -> memref<10240x64xf32, #tpu.memory_space<hbm>>
      tpu.wait_indirect_dma semaphore(%arg20 : memref<!tpu.dma_semaphore, #tpu.memory_space<semaphore_mem>>) src(%dma_wait3A_211 : memref<10240x64xf32, #tpu.memory_space<hbm>>) dst(%arg11 : memref<128x64xf32, #tpu.memory_space<vmem>>)
      %add3A_212 = arith.constant 3 : i32
      %add3A_213 = arith.addi %mul3A_155, %add3A_212 : i32
      %dma_start3A_214 = arith.constant 0 : i32
      %dma_start3A_215 = tpu.memref_slice %arg7[%add3A_213, %dma_start3A_214] : memref<80x128xi32, #tpu.memory_space<vmem>> -> memref<1x128xi32, #tpu.memory_space<vmem>>
      %dma_start3A_216 = tpu.memref_squeeze %dma_start3A_215 : memref<1x128xi32, #tpu.memory_space<vmem>> -> memref<128xi32, #tpu.memory_space<vmem>>
      %dma_start3A_217 = arith.constant 0 : i32
      %dma_start3A_218 = arith.constant 0 : i32
      %dma_start3A_219 = tpu.memref_slice %arg16[%dma_start3A_217, %dma_start3A_218] : memref<10240x64xf32, #tpu.memory_space<vmem_shared>> -> memref<10240x64xf32, #tpu.memory_space<vmem_shared>>
      tpu.enqueue_indirect_dma source(%arg11 : memref<128x64xf32, #tpu.memory_space<vmem>>) target(%dma_start3A_219 : memref<10240x64xf32, #tpu.memory_space<vmem_shared>>) offsets(%dma_start3A_216 : memref<128xi32, #tpu.memory_space<vmem>>) semaphore(%arg28 : memref<!tpu.dma_semaphore, #tpu.memory_space<semaphore_mem>>) {add = true}
      %add3A_220 = arith.constant 4 : i32
      %add3A_221 = arith.addi %mul3A_155, %add3A_220 : i32
      %dma_wait3A_222 = arith.constant 0 : i32
      %dma_wait3A_223 = tpu.memref_slice %arg6[%add3A_221, %dma_wait3A_222] : memref<88x128xi32, #tpu.memory_space<vmem>> -> memref<1x128xi32, #tpu.memory_space<vmem>>
      %dma_wait3A_224 = tpu.memref_squeeze %dma_wait3A_223 : memref<1x128xi32, #tpu.memory_space<vmem>> -> memref<128xi32, #tpu.memory_space<vmem>>
      %dma_wait3A_225 = arith.constant 0 : i32
      %dma_wait3A_226 = arith.constant 0 : i32
      %dma_wait3A_227 = tpu.memref_slice %arg2[%dma_wait3A_225, %dma_wait3A_226] : memref<10240x64xf32, #tpu.memory_space<hbm>> -> memref<10240x64xf32, #tpu.memory_space<hbm>>
      tpu.wait_indirect_dma semaphore(%arg21 : memref<!tpu.dma_semaphore, #tpu.memory_space<semaphore_mem>>) src(%dma_wait3A_227 : memref<10240x64xf32, #tpu.memory_space<hbm>>) dst(%arg12 : memref<128x64xf32, #tpu.memory_space<vmem>>)
      %add3A_228 = arith.constant 4 : i32
      %add3A_229 = arith.addi %mul3A_155, %add3A_228 : i32
      %dma_start3A_230 = arith.constant 0 : i32
      %dma_start3A_231 = tpu.memref_slice %arg7[%add3A_229, %dma_start3A_230] : memref<80x128xi32, #tpu.memory_space<vmem>> -> memref<1x128xi32, #tpu.memory_space<vmem>>
      %dma_start3A_232 = tpu.memref_squeeze %dma_start3A_231 : memref<1x128xi32, #tpu.memory_space<vmem>> -> memref<128xi32, #tpu.memory_space<vmem>>
      %dma_start3A_233 = arith.constant 0 : i32
      %dma_start3A_234 = arith.constant 0 : i32
      %dma_start3A_235 = tpu.memref_slice %arg16[%dma_start3A_233, %dma_start3A_234] : memref<10240x64xf32, #tpu.memory_space<vmem_shared>> -> memref<10240x64xf32, #tpu.memory_space<vmem_shared>>
      tpu.enqueue_indirect_dma source(%arg12 : memref<128x64xf32, #tpu.memory_space<vmem>>) target(%dma_start3A_235 : memref<10240x64xf32, #tpu.memory_space<vmem_shared>>) offsets(%dma_start3A_232 : memref<128xi32, #tpu.memory_space<vmem>>) semaphore(%arg29 : memref<!tpu.dma_semaphore, #tpu.memory_space<semaphore_mem>>) {add = true}
      %add3A_236 = arith.constant 5 : i32
      %add3A_237 = arith.addi %mul3A_155, %add3A_236 : i32
      %dma_wait3A_238 = arith.constant 0 : i32
      %dma_wait3A_239 = tpu.memref_slice %arg6[%add3A_237, %dma_wait3A_238] : memref<88x128xi32, #tpu.memory_space<vmem>> -> memref<1x128xi32, #tpu.memory_space<vmem>>
      %dma_wait3A_240 = tpu.memref_squeeze %dma_wait3A_239 : memref<1x128xi32, #tpu.memory_space<vmem>> -> memref<128xi32, #tpu.memory_space<vmem>>
      %dma_wait3A_241 = arith.constant 0 : i32
      %dma_wait3A_242 = arith.constant 0 : i32
      %dma_wait3A_243 = tpu.memref_slice %arg2[%dma_wait3A_241, %dma_wait3A_242] : memref<10240x64xf32, #tpu.memory_space<hbm>> -> memref<10240x64xf32, #tpu.memory_space<hbm>>
      tpu.wait_indirect_dma semaphore(%arg22 : memref<!tpu.dma_semaphore, #tpu.memory_space<semaphore_mem>>) src(%dma_wait3A_243 : memref<10240x64xf32, #tpu.memory_space<hbm>>) dst(%arg13 : memref<128x64xf32, #tpu.memory_space<vmem>>)
      %add3A_244 = arith.constant 5 : i32
      %add3A_245 = arith.addi %mul3A_155, %add3A_244 : i32
      %dma_start3A_246 = arith.constant 0 : i32
      %dma_start3A_247 = tpu.memref_slice %arg7[%add3A_245, %dma_start3A_246] : memref<80x128xi32, #tpu.memory_space<vmem>> -> memref<1x128xi32, #tpu.memory_space<vmem>>
      %dma_start3A_248 = tpu.memref_squeeze %dma_start3A_247 : memref<1x128xi32, #tpu.memory_space<vmem>> -> memref<128xi32, #tpu.memory_space<vmem>>
      %dma_start3A_249 = arith.constant 0 : i32
      %dma_start3A_250 = arith.constant 0 : i32
      %dma_start3A_251 = tpu.memref_slice %arg16[%dma_start3A_249, %dma_start3A_250] : memref<10240x64xf32, #tpu.memory_space<vmem_shared>> -> memref<10240x64xf32, #tpu.memory_space<vmem_shared>>
      tpu.enqueue_indirect_dma source(%arg13 : memref<128x64xf32, #tpu.memory_space<vmem>>) target(%dma_start3A_251 : memref<10240x64xf32, #tpu.memory_space<vmem_shared>>) offsets(%dma_start3A_248 : memref<128xi32, #tpu.memory_space<vmem>>) semaphore(%arg30 : memref<!tpu.dma_semaphore, #tpu.memory_space<semaphore_mem>>) {add = true}
      %add3A_252 = arith.constant 6 : i32
      %add3A_253 = arith.addi %mul3A_155, %add3A_252 : i32
      %dma_wait3A_254 = arith.constant 0 : i32
      %dma_wait3A_255 = tpu.memref_slice %arg6[%add3A_253, %dma_wait3A_254] : memref<88x128xi32, #tpu.memory_space<vmem>> -> memref<1x128xi32, #tpu.memory_space<vmem>>
      %dma_wait3A_256 = tpu.memref_squeeze %dma_wait3A_255 : memref<1x128xi32, #tpu.memory_space<vmem>> -> memref<128xi32, #tpu.memory_space<vmem>>
      %dma_wait3A_257 = arith.constant 0 : i32
      %dma_wait3A_258 = arith.constant 0 : i32
      %dma_wait3A_259 = tpu.memref_slice %arg2[%dma_wait3A_257, %dma_wait3A_258] : memref<10240x64xf32, #tpu.memory_space<hbm>> -> memref<10240x64xf32, #tpu.memory_space<hbm>>
      tpu.wait_indirect_dma semaphore(%arg23 : memref<!tpu.dma_semaphore, #tpu.memory_space<semaphore_mem>>) src(%dma_wait3A_259 : memref<10240x64xf32, #tpu.memory_space<hbm>>) dst(%arg14 : memref<128x64xf32, #tpu.memory_space<vmem>>)
      %add3A_260 = arith.constant 6 : i32
      %add3A_261 = arith.addi %mul3A_155, %add3A_260 : i32
      %dma_start3A_262 = arith.constant 0 : i32
      %dma_start3A_263 = tpu.memref_slice %arg7[%add3A_261, %dma_start3A_262] : memref<80x128xi32, #tpu.memory_space<vmem>> -> memref<1x128xi32, #tpu.memory_space<vmem>>
      %dma_start3A_264 = tpu.memref_squeeze %dma_start3A_263 : memref<1x128xi32, #tpu.memory_space<vmem>> -> memref<128xi32, #tpu.memory_space<vmem>>
      %dma_start3A_265 = arith.constant 0 : i32
      %dma_start3A_266 = arith.constant 0 : i32
      %dma_start3A_267 = tpu.memref_slice %arg16[%dma_start3A_265, %dma_start3A_266] : memref<10240x64xf32, #tpu.memory_space<vmem_shared>> -> memref<10240x64xf32, #tpu.memory_space<vmem_shared>>
      tpu.enqueue_indirect_dma source(%arg14 : memref<128x64xf32, #tpu.memory_space<vmem>>) target(%dma_start3A_267 : memref<10240x64xf32, #tpu.memory_space<vmem_shared>>) offsets(%dma_start3A_264 : memref<128xi32, #tpu.memory_space<vmem>>) semaphore(%arg31 : memref<!tpu.dma_semaphore, #tpu.memory_space<semaphore_mem>>) {add = true}
      %add3A_268 = arith.constant 7 : i32
      %add3A_269 = arith.addi %mul3A_155, %add3A_268 : i32
      %dma_wait3A_270 = arith.constant 0 : i32
      %dma_wait3A_271 = tpu.memref_slice %arg6[%add3A_269, %dma_wait3A_270] : memref<88x128xi32, #tpu.memory_space<vmem>> -> memref<1x128xi32, #tpu.memory_space<vmem>>
      %dma_wait3A_272 = tpu.memref_squeeze %dma_wait3A_271 : memref<1x128xi32, #tpu.memory_space<vmem>> -> memref<128xi32, #tpu.memory_space<vmem>>
      %dma_wait3A_273 = arith.constant 0 : i32
      %dma_wait3A_274 = arith.constant 0 : i32
      %dma_wait3A_275 = tpu.memref_slice %arg2[%dma_wait3A_273, %dma_wait3A_274] : memref<10240x64xf32, #tpu.memory_space<hbm>> -> memref<10240x64xf32, #tpu.memory_space<hbm>>
      tpu.wait_indirect_dma semaphore(%arg24 : memref<!tpu.dma_semaphore, #tpu.memory_space<semaphore_mem>>) src(%dma_wait3A_275 : memref<10240x64xf32, #tpu.memory_space<hbm>>) dst(%arg15 : memref<128x64xf32, #tpu.memory_space<vmem>>)
      %add3A_276 = arith.constant 7 : i32
      %add3A_277 = arith.addi %mul3A_155, %add3A_276 : i32
      %dma_start3A_278 = arith.constant 0 : i32
      %dma_start3A_279 = tpu.memref_slice %arg7[%add3A_277, %dma_start3A_278] : memref<80x128xi32, #tpu.memory_space<vmem>> -> memref<1x128xi32, #tpu.memory_space<vmem>>
      %dma_start3A_280 = tpu.memref_squeeze %dma_start3A_279 : memref<1x128xi32, #tpu.memory_space<vmem>> -> memref<128xi32, #tpu.memory_space<vmem>>
      %dma_start3A_281 = arith.constant 0 : i32
      %dma_start3A_282 = arith.constant 0 : i32
      %dma_start3A_283 = tpu.memref_slice %arg16[%dma_start3A_281, %dma_start3A_282] : memref<10240x64xf32, #tpu.memory_space<vmem_shared>> -> memref<10240x64xf32, #tpu.memory_space<vmem_shared>>
      tpu.enqueue_indirect_dma source(%arg15 : memref<128x64xf32, #tpu.memory_space<vmem>>) target(%dma_start3A_283 : memref<10240x64xf32, #tpu.memory_space<vmem_shared>>) offsets(%dma_start3A_280 : memref<128xi32, #tpu.memory_space<vmem>>) semaphore(%arg32 : memref<!tpu.dma_semaphore, #tpu.memory_space<semaphore_mem>>) {add = true}
      %dma_wait3A_284 = arith.constant 0 : i32
      %dma_wait3A_285 = tpu.memref_slice %arg7[%add3A_165, %dma_wait3A_284] : memref<80x128xi32, #tpu.memory_space<vmem>> -> memref<1x128xi32, #tpu.memory_space<vmem>>
      %dma_wait3A_286 = tpu.memref_squeeze %dma_wait3A_285 : memref<1x128xi32, #tpu.memory_space<vmem>> -> memref<128xi32, #tpu.memory_space<vmem>>
      %dma_wait3A_287 = arith.constant 0 : i32
      %dma_wait3A_288 = arith.constant 0 : i32
      %dma_wait3A_289 = tpu.memref_slice %arg16[%dma_wait3A_287, %dma_wait3A_288] : memref<10240x64xf32, #tpu.memory_space<vmem_shared>> -> memref<10240x64xf32, #tpu.memory_space<vmem_shared>>
      tpu.wait_indirect_dma semaphore(%arg25 : memref<!tpu.dma_semaphore, #tpu.memory_space<semaphore_mem>>) src(%arg8 : memref<128x64xf32, #tpu.memory_space<vmem>>) dst(%dma_wait3A_289 : memref<10240x64xf32, #tpu.memory_space<vmem_shared>>)
      %add3A_290 = arith.constant 8 : i32
      %add3A_291 = arith.addi %mul3A_155, %add3A_290 : i32
      %add3A_292 = arith.constant 0 : i32
      %add3A_293 = arith.addi %add3A_291, %add3A_292 : i32
      %dma_start3A_294 = arith.constant 0 : i32
      %dma_start3A_295 = tpu.memref_slice %arg6[%add3A_293, %dma_start3A_294] : memref<88x128xi32, #tpu.memory_space<vmem>> -> memref<1x128xi32, #tpu.memory_space<vmem>>
      %dma_start3A_296 = tpu.memref_squeeze %dma_start3A_295 : memref<1x128xi32, #tpu.memory_space<vmem>> -> memref<128xi32, #tpu.memory_space<vmem>>
      %dma_start3A_297 = arith.constant 0 : i32
      %dma_start3A_298 = arith.constant 0 : i32
      %dma_start3A_299 = tpu.memref_slice %arg2[%dma_start3A_297, %dma_start3A_298] : memref<10240x64xf32, #tpu.memory_space<hbm>> -> memref<10240x64xf32, #tpu.memory_space<hbm>>
      tpu.enqueue_indirect_dma source(%dma_start3A_299 : memref<10240x64xf32, #tpu.memory_space<hbm>>) target(%arg8 : memref<128x64xf32, #tpu.memory_space<vmem>>) offsets(%dma_start3A_296 : memref<128xi32, #tpu.memory_space<vmem>>) semaphore(%arg17 : memref<!tpu.dma_semaphore, #tpu.memory_space<semaphore_mem>>)
      %dma_wait3A_300 = arith.constant 0 : i32
      %dma_wait3A_301 = tpu.memref_slice %arg7[%add3A_181, %dma_wait3A_300] : memref<80x128xi32, #tpu.memory_space<vmem>> -> memref<1x128xi32, #tpu.memory_space<vmem>>
      %dma_wait3A_302 = tpu.memref_squeeze %dma_wait3A_301 : memref<1x128xi32, #tpu.memory_space<vmem>> -> memref<128xi32, #tpu.memory_space<vmem>>
      %dma_wait3A_303 = arith.constant 0 : i32
      %dma_wait3A_304 = arith.constant 0 : i32
      %dma_wait3A_305 = tpu.memref_slice %arg16[%dma_wait3A_303, %dma_wait3A_304] : memref<10240x64xf32, #tpu.memory_space<vmem_shared>> -> memref<10240x64xf32, #tpu.memory_space<vmem_shared>>
      tpu.wait_indirect_dma semaphore(%arg26 : memref<!tpu.dma_semaphore, #tpu.memory_space<semaphore_mem>>) src(%arg9 : memref<128x64xf32, #tpu.memory_space<vmem>>) dst(%dma_wait3A_305 : memref<10240x64xf32, #tpu.memory_space<vmem_shared>>)
      %add3A_306 = arith.constant 8 : i32
      %add3A_307 = arith.addi %mul3A_155, %add3A_306 : i32
      %add3A_308 = arith.constant 1 : i32
      %add3A_309 = arith.addi %add3A_307, %add3A_308 : i32
      %dma_start3A_310 = arith.constant 0 : i32
      %dma_start3A_311 = tpu.memref_slice %arg6[%add3A_309, %dma_start3A_310] : memref<88x128xi32, #tpu.memory_space<vmem>> -> memref<1x128xi32, #tpu.memory_space<vmem>>
      %dma_start3A_312 = tpu.memref_squeeze %dma_start3A_311 : memref<1x128xi32, #tpu.memory_space<vmem>> -> memref<128xi32, #tpu.memory_space<vmem>>
      %dma_start3A_313 = arith.constant 0 : i32
      %dma_start3A_314 = arith.constant 0 : i32
      %dma_start3A_315 = tpu.memref_slice %arg2[%dma_start3A_313, %dma_start3A_314] : memref<10240x64xf32, #tpu.memory_space<hbm>> -> memref<10240x64xf32, #tpu.memory_space<hbm>>
      tpu.enqueue_indirect_dma source(%dma_start3A_315 : memref<10240x64xf32, #tpu.memory_space<hbm>>) target(%arg9 : memref<128x64xf32, #tpu.memory_space<vmem>>) offsets(%dma_start3A_312 : memref<128xi32, #tpu.memory_space<vmem>>) semaphore(%arg18 : memref<!tpu.dma_semaphore, #tpu.memory_space<semaphore_mem>>)
      %dma_wait3A_316 = arith.constant 0 : i32
      %dma_wait3A_317 = tpu.memref_slice %arg7[%add3A_197, %dma_wait3A_316] : memref<80x128xi32, #tpu.memory_space<vmem>> -> memref<1x128xi32, #tpu.memory_space<vmem>>
      %dma_wait3A_318 = tpu.memref_squeeze %dma_wait3A_317 : memref<1x128xi32, #tpu.memory_space<vmem>> -> memref<128xi32, #tpu.memory_space<vmem>>
      %dma_wait3A_319 = arith.constant 0 : i32
      %dma_wait3A_320 = arith.constant 0 : i32
      %dma_wait3A_321 = tpu.memref_slice %arg16[%dma_wait3A_319, %dma_wait3A_320] : memref<10240x64xf32, #tpu.memory_space<vmem_shared>> -> memref<10240x64xf32, #tpu.memory_space<vmem_shared>>
      tpu.wait_indirect_dma semaphore(%arg27 : memref<!tpu.dma_semaphore, #tpu.memory_space<semaphore_mem>>) src(%arg10 : memref<128x64xf32, #tpu.memory_space<vmem>>) dst(%dma_wait3A_321 : memref<10240x64xf32, #tpu.memory_space<vmem_shared>>)
      %add3A_322 = arith.constant 8 : i32
      %add3A_323 = arith.addi %mul3A_155, %add3A_322 : i32
      %add3A_324 = arith.constant 2 : i32
      %add3A_325 = arith.addi %add3A_323, %add3A_324 : i32
      %dma_start3A_326 = arith.constant 0 : i32
      %dma_start3A_327 = tpu.memref_slice %arg6[%add3A_325, %dma_start3A_326] : memref<88x128xi32, #tpu.memory_space<vmem>> -> memref<1x128xi32, #tpu.memory_space<vmem>>
      %dma_start3A_328 = tpu.memref_squeeze %dma_start3A_327 : memref<1x128xi32, #tpu.memory_space<vmem>> -> memref<128xi32, #tpu.memory_space<vmem>>
      %dma_start3A_329 = arith.constant 0 : i32
      %dma_start3A_330 = arith.constant 0 : i32
      %dma_start3A_331 = tpu.memref_slice %arg2[%dma_start3A_329, %dma_start3A_330] : memref<10240x64xf32, #tpu.memory_space<hbm>> -> memref<10240x64xf32, #tpu.memory_space<hbm>>
      tpu.enqueue_indirect_dma source(%dma_start3A_331 : memref<10240x64xf32, #tpu.memory_space<hbm>>) target(%arg10 : memref<128x64xf32, #tpu.memory_space<vmem>>) offsets(%dma_start3A_328 : memref<128xi32, #tpu.memory_space<vmem>>) semaphore(%arg19 : memref<!tpu.dma_semaphore, #tpu.memory_space<semaphore_mem>>)
      %dma_wait3A_332 = arith.constant 0 : i32
      %dma_wait3A_333 = tpu.memref_slice %arg7[%add3A_213, %dma_wait3A_332] : memref<80x128xi32, #tpu.memory_space<vmem>> -> memref<1x128xi32, #tpu.memory_space<vmem>>
      %dma_wait3A_334 = tpu.memref_squeeze %dma_wait3A_333 : memref<1x128xi32, #tpu.memory_space<vmem>> -> memref<128xi32, #tpu.memory_space<vmem>>
      %dma_wait3A_335 = arith.constant 0 : i32
      %dma_wait3A_336 = arith.constant 0 : i32
      %dma_wait3A_337 = tpu.memref_slice %arg16[%dma_wait3A_335, %dma_wait3A_336] : memref<10240x64xf32, #tpu.memory_space<vmem_shared>> -> memref<10240x64xf32, #tpu.memory_space<vmem_shared>>
      tpu.wait_indirect_dma semaphore(%arg28 : memref<!tpu.dma_semaphore, #tpu.memory_space<semaphore_mem>>) src(%arg11 : memref<128x64xf32, #tpu.memory_space<vmem>>) dst(%dma_wait3A_337 : memref<10240x64xf32, #tpu.memory_space<vmem_shared>>)
      %add3A_338 = arith.constant 8 : i32
      %add3A_339 = arith.addi %mul3A_155, %add3A_338 : i32
      %add3A_340 = arith.constant 3 : i32
      %add3A_341 = arith.addi %add3A_339, %add3A_340 : i32
      %dma_start3A_342 = arith.constant 0 : i32
      %dma_start3A_343 = tpu.memref_slice %arg6[%add3A_341, %dma_start3A_342] : memref<88x128xi32, #tpu.memory_space<vmem>> -> memref<1x128xi32, #tpu.memory_space<vmem>>
      %dma_start3A_344 = tpu.memref_squeeze %dma_start3A_343 : memref<1x128xi32, #tpu.memory_space<vmem>> -> memref<128xi32, #tpu.memory_space<vmem>>
      %dma_start3A_345 = arith.constant 0 : i32
      %dma_start3A_346 = arith.constant 0 : i32
      %dma_start3A_347 = tpu.memref_slice %arg2[%dma_start3A_345, %dma_start3A_346] : memref<10240x64xf32, #tpu.memory_space<hbm>> -> memref<10240x64xf32, #tpu.memory_space<hbm>>
      tpu.enqueue_indirect_dma source(%dma_start3A_347 : memref<10240x64xf32, #tpu.memory_space<hbm>>) target(%arg11 : memref<128x64xf32, #tpu.memory_space<vmem>>) offsets(%dma_start3A_344 : memref<128xi32, #tpu.memory_space<vmem>>) semaphore(%arg20 : memref<!tpu.dma_semaphore, #tpu.memory_space<semaphore_mem>>)
      %dma_wait3A_348 = arith.constant 0 : i32
      %dma_wait3A_349 = tpu.memref_slice %arg7[%add3A_229, %dma_wait3A_348] : memref<80x128xi32, #tpu.memory_space<vmem>> -> memref<1x128xi32, #tpu.memory_space<vmem>>
      %dma_wait3A_350 = tpu.memref_squeeze %dma_wait3A_349 : memref<1x128xi32, #tpu.memory_space<vmem>> -> memref<128xi32, #tpu.memory_space<vmem>>
      %dma_wait3A_351 = arith.constant 0 : i32
      %dma_wait3A_352 = arith.constant 0 : i32
      %dma_wait3A_353 = tpu.memref_slice %arg16[%dma_wait3A_351, %dma_wait3A_352] : memref<10240x64xf32, #tpu.memory_space<vmem_shared>> -> memref<10240x64xf32, #tpu.memory_space<vmem_shared>>
      tpu.wait_indirect_dma semaphore(%arg29 : memref<!tpu.dma_semaphore, #tpu.memory_space<semaphore_mem>>) src(%arg12 : memref<128x64xf32, #tpu.memory_space<vmem>>) dst(%dma_wait3A_353 : memref<10240x64xf32, #tpu.memory_space<vmem_shared>>)
      %add3A_354 = arith.constant 8 : i32
      %add3A_355 = arith.addi %mul3A_155, %add3A_354 : i32
      %add3A_356 = arith.constant 4 : i32
      %add3A_357 = arith.addi %add3A_355, %add3A_356 : i32
      %dma_start3A_358 = arith.constant 0 : i32
      %dma_start3A_359 = tpu.memref_slice %arg6[%add3A_357, %dma_start3A_358] : memref<88x128xi32, #tpu.memory_space<vmem>> -> memref<1x128xi32, #tpu.memory_space<vmem>>
      %dma_start3A_360 = tpu.memref_squeeze %dma_start3A_359 : memref<1x128xi32, #tpu.memory_space<vmem>> -> memref<128xi32, #tpu.memory_space<vmem>>
      %dma_start3A_361 = arith.constant 0 : i32
      %dma_start3A_362 = arith.constant 0 : i32
      %dma_start3A_363 = tpu.memref_slice %arg2[%dma_start3A_361, %dma_start3A_362] : memref<10240x64xf32, #tpu.memory_space<hbm>> -> memref<10240x64xf32, #tpu.memory_space<hbm>>
      tpu.enqueue_indirect_dma source(%dma_start3A_363 : memref<10240x64xf32, #tpu.memory_space<hbm>>) target(%arg12 : memref<128x64xf32, #tpu.memory_space<vmem>>) offsets(%dma_start3A_360 : memref<128xi32, #tpu.memory_space<vmem>>) semaphore(%arg21 : memref<!tpu.dma_semaphore, #tpu.memory_space<semaphore_mem>>)
      %dma_wait3A_364 = arith.constant 0 : i32
      %dma_wait3A_365 = tpu.memref_slice %arg7[%add3A_245, %dma_wait3A_364] : memref<80x128xi32, #tpu.memory_space<vmem>> -> memref<1x128xi32, #tpu.memory_space<vmem>>
      %dma_wait3A_366 = tpu.memref_squeeze %dma_wait3A_365 : memref<1x128xi32, #tpu.memory_space<vmem>> -> memref<128xi32, #tpu.memory_space<vmem>>
      %dma_wait3A_367 = arith.constant 0 : i32
      %dma_wait3A_368 = arith.constant 0 : i32
      %dma_wait3A_369 = tpu.memref_slice %arg16[%dma_wait3A_367, %dma_wait3A_368] : memref<10240x64xf32, #tpu.memory_space<vmem_shared>> -> memref<10240x64xf32, #tpu.memory_space<vmem_shared>>
      tpu.wait_indirect_dma semaphore(%arg30 : memref<!tpu.dma_semaphore, #tpu.memory_space<semaphore_mem>>) src(%arg13 : memref<128x64xf32, #tpu.memory_space<vmem>>) dst(%dma_wait3A_369 : memref<10240x64xf32, #tpu.memory_space<vmem_shared>>)
      %add3A_370 = arith.constant 8 : i32
      %add3A_371 = arith.addi %mul3A_155, %add3A_370 : i32
      %add3A_372 = arith.constant 5 : i32
      %add3A_373 = arith.addi %add3A_371, %add3A_372 : i32
      %dma_start3A_374 = arith.constant 0 : i32
      %dma_start3A_375 = tpu.memref_slice %arg6[%add3A_373, %dma_start3A_374] : memref<88x128xi32, #tpu.memory_space<vmem>> -> memref<1x128xi32, #tpu.memory_space<vmem>>
      %dma_start3A_376 = tpu.memref_squeeze %dma_start3A_375 : memref<1x128xi32, #tpu.memory_space<vmem>> -> memref<128xi32, #tpu.memory_space<vmem>>
      %dma_start3A_377 = arith.constant 0 : i32
      %dma_start3A_378 = arith.constant 0 : i32
      %dma_start3A_379 = tpu.memref_slice %arg2[%dma_start3A_377, %dma_start3A_378] : memref<10240x64xf32, #tpu.memory_space<hbm>> -> memref<10240x64xf32, #tpu.memory_space<hbm>>
      tpu.enqueue_indirect_dma source(%dma_start3A_379 : memref<10240x64xf32, #tpu.memory_space<hbm>>) target(%arg13 : memref<128x64xf32, #tpu.memory_space<vmem>>) offsets(%dma_start3A_376 : memref<128xi32, #tpu.memory_space<vmem>>) semaphore(%arg22 : memref<!tpu.dma_semaphore, #tpu.memory_space<semaphore_mem>>)
      %dma_wait3A_380 = arith.constant 0 : i32
      %dma_wait3A_381 = tpu.memref_slice %arg7[%add3A_261, %dma_wait3A_380] : memref<80x128xi32, #tpu.memory_space<vmem>> -> memref<1x128xi32, #tpu.memory_space<vmem>>
      %dma_wait3A_382 = tpu.memref_squeeze %dma_wait3A_381 : memref<1x128xi32, #tpu.memory_space<vmem>> -> memref<128xi32, #tpu.memory_space<vmem>>
      %dma_wait3A_383 = arith.constant 0 : i32
      %dma_wait3A_384 = arith.constant 0 : i32
      %dma_wait3A_385 = tpu.memref_slice %arg16[%dma_wait3A_383, %dma_wait3A_384] : memref<10240x64xf32, #tpu.memory_space<vmem_shared>> -> memref<10240x64xf32, #tpu.memory_space<vmem_shared>>
      tpu.wait_indirect_dma semaphore(%arg31 : memref<!tpu.dma_semaphore, #tpu.memory_space<semaphore_mem>>) src(%arg14 : memref<128x64xf32, #tpu.memory_space<vmem>>) dst(%dma_wait3A_385 : memref<10240x64xf32, #tpu.memory_space<vmem_shared>>)
      %add3A_386 = arith.constant 8 : i32
      %add3A_387 = arith.addi %mul3A_155, %add3A_386 : i32
      %add3A_388 = arith.constant 6 : i32
      %add3A_389 = arith.addi %add3A_387, %add3A_388 : i32
      %dma_start3A_390 = arith.constant 0 : i32
      %dma_start3A_391 = tpu.memref_slice %arg6[%add3A_389, %dma_start3A_390] : memref<88x128xi32, #tpu.memory_space<vmem>> -> memref<1x128xi32, #tpu.memory_space<vmem>>
      %dma_start3A_392 = tpu.memref_squeeze %dma_start3A_391 : memref<1x128xi32, #tpu.memory_space<vmem>> -> memref<128xi32, #tpu.memory_space<vmem>>
      %dma_start3A_393 = arith.constant 0 : i32
      %dma_start3A_394 = arith.constant 0 : i32
      %dma_start3A_395 = tpu.memref_slice %arg2[%dma_start3A_393, %dma_start3A_394] : memref<10240x64xf32, #tpu.memory_space<hbm>> -> memref<10240x64xf32, #tpu.memory_space<hbm>>
      tpu.enqueue_indirect_dma source(%dma_start3A_395 : memref<10240x64xf32, #tpu.memory_space<hbm>>) target(%arg14 : memref<128x64xf32, #tpu.memory_space<vmem>>) offsets(%dma_start3A_392 : memref<128xi32, #tpu.memory_space<vmem>>) semaphore(%arg23 : memref<!tpu.dma_semaphore, #tpu.memory_space<semaphore_mem>>)
      %dma_wait3A_396 = arith.constant 0 : i32
      %dma_wait3A_397 = tpu.memref_slice %arg7[%add3A_277, %dma_wait3A_396] : memref<80x128xi32, #tpu.memory_space<vmem>> -> memref<1x128xi32, #tpu.memory_space<vmem>>
      %dma_wait3A_398 = tpu.memref_squeeze %dma_wait3A_397 : memref<1x128xi32, #tpu.memory_space<vmem>> -> memref<128xi32, #tpu.memory_space<vmem>>
      %dma_wait3A_399 = arith.constant 0 : i32
      %dma_wait3A_400 = arith.constant 0 : i32
      %dma_wait3A_401 = tpu.memref_slice %arg16[%dma_wait3A_399, %dma_wait3A_400] : memref<10240x64xf32, #tpu.memory_space<vmem_shared>> -> memref<10240x64xf32, #tpu.memory_space<vmem_shared>>
      tpu.wait_indirect_dma semaphore(%arg32 : memref<!tpu.dma_semaphore, #tpu.memory_space<semaphore_mem>>) src(%arg15 : memref<128x64xf32, #tpu.memory_space<vmem>>) dst(%dma_wait3A_401 : memref<10240x64xf32, #tpu.memory_space<vmem_shared>>)
      %add3A_402 = arith.constant 8 : i32
      %add3A_403 = arith.addi %mul3A_155, %add3A_402 : i32
      %add3A_404 = arith.constant 7 : i32
      %add3A_405 = arith.addi %add3A_403, %add3A_404 : i32
      %dma_start3A_406 = arith.constant 0 : i32
      %dma_start3A_407 = tpu.memref_slice %arg6[%add3A_405, %dma_start3A_406] : memref<88x128xi32, #tpu.memory_space<vmem>> -> memref<1x128xi32, #tpu.memory_space<vmem>>
      %dma_start3A_408 = tpu.memref_squeeze %dma_start3A_407 : memref<1x128xi32, #tpu.memory_space<vmem>> -> memref<128xi32, #tpu.memory_space<vmem>>
      %dma_start3A_409 = arith.constant 0 : i32
      %dma_start3A_410 = arith.constant 0 : i32
      %dma_start3A_411 = tpu.memref_slice %arg2[%dma_start3A_409, %dma_start3A_410] : memref<10240x64xf32, #tpu.memory_space<hbm>> -> memref<10240x64xf32, #tpu.memory_space<hbm>>
      tpu.enqueue_indirect_dma source(%dma_start3A_411 : memref<10240x64xf32, #tpu.memory_space<hbm>>) target(%arg15 : memref<128x64xf32, #tpu.memory_space<vmem>>) offsets(%dma_start3A_408 : memref<128xi32, #tpu.memory_space<vmem>>) semaphore(%arg24 : memref<!tpu.dma_semaphore, #tpu.memory_space<semaphore_mem>>)
    }
    %scan3A_92 = arith.constant 10 : i32
    %dma_wait3A = arith.constant 80 : i32
    %dma_wait3A_93 = arith.constant 0 : i32
    %dma_wait3A_94 = tpu.memref_slice %arg6[%dma_wait3A, %dma_wait3A_93] : memref<88x128xi32, #tpu.memory_space<vmem>> -> memref<1x128xi32, #tpu.memory_space<vmem>>
    %dma_wait3A_95 = tpu.memref_squeeze %dma_wait3A_94 : memref<1x128xi32, #tpu.memory_space<vmem>> -> memref<128xi32, #tpu.memory_space<vmem>>
    %dma_wait3A_96 = arith.constant 0 : i32
    %dma_wait3A_97 = arith.constant 0 : i32
    %dma_wait3A_98 = tpu.memref_slice %arg2[%dma_wait3A_96, %dma_wait3A_97] : memref<10240x64xf32, #tpu.memory_space<hbm>> -> memref<10240x64xf32, #tpu.memory_space<hbm>>
    tpu.wait_indirect_dma semaphore(%arg17 : memref<!tpu.dma_semaphore, #tpu.memory_space<semaphore_mem>>) src(%dma_wait3A_98 : memref<10240x64xf32, #tpu.memory_space<hbm>>) dst(%arg8 : memref<128x64xf32, #tpu.memory_space<vmem>>)
    %dma_wait3A_99 = arith.constant 81 : i32
    %dma_wait3A_100 = arith.constant 0 : i32
    %dma_wait3A_101 = tpu.memref_slice %arg6[%dma_wait3A_99, %dma_wait3A_100] : memref<88x128xi32, #tpu.memory_space<vmem>> -> memref<1x128xi32, #tpu.memory_space<vmem>>
    %dma_wait3A_102 = tpu.memref_squeeze %dma_wait3A_101 : memref<1x128xi32, #tpu.memory_space<vmem>> -> memref<128xi32, #tpu.memory_space<vmem>>
    %dma_wait3A_103 = arith.constant 0 : i32
    %dma_wait3A_104 = arith.constant 0 : i32
    %dma_wait3A_105 = tpu.memref_slice %arg2[%dma_wait3A_103, %dma_wait3A_104] : memref<10240x64xf32, #tpu.memory_space<hbm>> -> memref<10240x64xf32, #tpu.memory_space<hbm>>
    tpu.wait_indirect_dma semaphore(%arg18 : memref<!tpu.dma_semaphore, #tpu.memory_space<semaphore_mem>>) src(%dma_wait3A_105 : memref<10240x64xf32, #tpu.memory_space<hbm>>) dst(%arg9 : memref<128x64xf32, #tpu.memory_space<vmem>>)
    %dma_wait3A_106 = arith.constant 82 : i32
    %dma_wait3A_107 = arith.constant 0 : i32
    %dma_wait3A_108 = tpu.memref_slice %arg6[%dma_wait3A_106, %dma_wait3A_107] : memref<88x128xi32, #tpu.memory_space<vmem>> -> memref<1x128xi32, #tpu.memory_space<vmem>>
    %dma_wait3A_109 = tpu.memref_squeeze %dma_wait3A_108 : memref<1x128xi32, #tpu.memory_space<vmem>> -> memref<128xi32, #tpu.memory_space<vmem>>
    %dma_wait3A_110 = arith.constant 0 : i32
    %dma_wait3A_111 = arith.constant 0 : i32
    %dma_wait3A_112 = tpu.memref_slice %arg2[%dma_wait3A_110, %dma_wait3A_111] : memref<10240x64xf32, #tpu.memory_space<hbm>> -> memref<10240x64xf32, #tpu.memory_space<hbm>>
    tpu.wait_indirect_dma semaphore(%arg19 : memref<!tpu.dma_semaphore, #tpu.memory_space<semaphore_mem>>) src(%dma_wait3A_112 : memref<10240x64xf32, #tpu.memory_space<hbm>>) dst(%arg10 : memref<128x64xf32, #tpu.memory_space<vmem>>)
    %dma_wait3A_113 = arith.constant 83 : i32
    %dma_wait3A_114 = arith.constant 0 : i32
    %dma_wait3A_115 = tpu.memref_slice %arg6[%dma_wait3A_113, %dma_wait3A_114] : memref<88x128xi32, #tpu.memory_space<vmem>> -> memref<1x128xi32, #tpu.memory_space<vmem>>
    %dma_wait3A_116 = tpu.memref_squeeze %dma_wait3A_115 : memref<1x128xi32, #tpu.memory_space<vmem>> -> memref<128xi32, #tpu.memory_space<vmem>>
    %dma_wait3A_117 = arith.constant 0 : i32
    %dma_wait3A_118 = arith.constant 0 : i32
    %dma_wait3A_119 = tpu.memref_slice %arg2[%dma_wait3A_117, %dma_wait3A_118] : memref<10240x64xf32, #tpu.memory_space<hbm>> -> memref<10240x64xf32, #tpu.memory_space<hbm>>
    tpu.wait_indirect_dma semaphore(%arg20 : memref<!tpu.dma_semaphore, #tpu.memory_space<semaphore_mem>>) src(%dma_wait3A_119 : memref<10240x64xf32, #tpu.memory_space<hbm>>) dst(%arg11 : memref<128x64xf32, #tpu.memory_space<vmem>>)
    %dma_wait3A_120 = arith.constant 84 : i32
    %dma_wait3A_121 = arith.constant 0 : i32
    %dma_wait3A_122 = tpu.memref_slice %arg6[%dma_wait3A_120, %dma_wait3A_121] : memref<88x128xi32, #tpu.memory_space<vmem>> -> memref<1x128xi32, #tpu.memory_space<vmem>>
    %dma_wait3A_123 = tpu.memref_squeeze %dma_wait3A_122 : memref<1x128xi32, #tpu.memory_space<vmem>> -> memref<128xi32, #tpu.memory_space<vmem>>
    %dma_wait3A_124 = arith.constant 0 : i32
    %dma_wait3A_125 = arith.constant 0 : i32
    %dma_wait3A_126 = tpu.memref_slice %arg2[%dma_wait3A_124, %dma_wait3A_125] : memref<10240x64xf32, #tpu.memory_space<hbm>> -> memref<10240x64xf32, #tpu.memory_space<hbm>>
    tpu.wait_indirect_dma semaphore(%arg21 : memref<!tpu.dma_semaphore, #tpu.memory_space<semaphore_mem>>) src(%dma_wait3A_126 : memref<10240x64xf32, #tpu.memory_space<hbm>>) dst(%arg12 : memref<128x64xf32, #tpu.memory_space<vmem>>)
    %dma_wait3A_127 = arith.constant 85 : i32
    %dma_wait3A_128 = arith.constant 0 : i32
    %dma_wait3A_129 = tpu.memref_slice %arg6[%dma_wait3A_127, %dma_wait3A_128] : memref<88x128xi32, #tpu.memory_space<vmem>> -> memref<1x128xi32, #tpu.memory_space<vmem>>
    %dma_wait3A_130 = tpu.memref_squeeze %dma_wait3A_129 : memref<1x128xi32, #tpu.memory_space<vmem>> -> memref<128xi32, #tpu.memory_space<vmem>>
    %dma_wait3A_131 = arith.constant 0 : i32
    %dma_wait3A_132 = arith.constant 0 : i32
    %dma_wait3A_133 = tpu.memref_slice %arg2[%dma_wait3A_131, %dma_wait3A_132] : memref<10240x64xf32, #tpu.memory_space<hbm>> -> memref<10240x64xf32, #tpu.memory_space<hbm>>
    tpu.wait_indirect_dma semaphore(%arg22 : memref<!tpu.dma_semaphore, #tpu.memory_space<semaphore_mem>>) src(%dma_wait3A_133 : memref<10240x64xf32, #tpu.memory_space<hbm>>) dst(%arg13 : memref<128x64xf32, #tpu.memory_space<vmem>>)
    %dma_wait3A_134 = arith.constant 86 : i32
    %dma_wait3A_135 = arith.constant 0 : i32
    %dma_wait3A_136 = tpu.memref_slice %arg6[%dma_wait3A_134, %dma_wait3A_135] : memref<88x128xi32, #tpu.memory_space<vmem>> -> memref<1x128xi32, #tpu.memory_space<vmem>>
    %dma_wait3A_137 = tpu.memref_squeeze %dma_wait3A_136 : memref<1x128xi32, #tpu.memory_space<vmem>> -> memref<128xi32, #tpu.memory_space<vmem>>
    %dma_wait3A_138 = arith.constant 0 : i32
    %dma_wait3A_139 = arith.constant 0 : i32
    %dma_wait3A_140 = tpu.memref_slice %arg2[%dma_wait3A_138, %dma_wait3A_139] : memref<10240x64xf32, #tpu.memory_space<hbm>> -> memref<10240x64xf32, #tpu.memory_space<hbm>>
    tpu.wait_indirect_dma semaphore(%arg23 : memref<!tpu.dma_semaphore, #tpu.memory_space<semaphore_mem>>) src(%dma_wait3A_140 : memref<10240x64xf32, #tpu.memory_space<hbm>>) dst(%arg14 : memref<128x64xf32, #tpu.memory_space<vmem>>)
    %dma_wait3A_141 = arith.constant 87 : i32
    %dma_wait3A_142 = arith.constant 0 : i32
    %dma_wait3A_143 = tpu.memref_slice %arg6[%dma_wait3A_141, %dma_wait3A_142] : memref<88x128xi32, #tpu.memory_space<vmem>> -> memref<1x128xi32, #tpu.memory_space<vmem>>
    %dma_wait3A_144 = tpu.memref_squeeze %dma_wait3A_143 : memref<1x128xi32, #tpu.memory_space<vmem>> -> memref<128xi32, #tpu.memory_space<vmem>>
    %dma_wait3A_145 = arith.constant 0 : i32
    %dma_wait3A_146 = arith.constant 0 : i32
    %dma_wait3A_147 = tpu.memref_slice %arg2[%dma_wait3A_145, %dma_wait3A_146] : memref<10240x64xf32, #tpu.memory_space<hbm>> -> memref<10240x64xf32, #tpu.memory_space<hbm>>
    tpu.wait_indirect_dma semaphore(%arg24 : memref<!tpu.dma_semaphore, #tpu.memory_space<semaphore_mem>>) src(%dma_wait3A_147 : memref<10240x64xf32, #tpu.memory_space<hbm>>) dst(%arg15 : memref<128x64xf32, #tpu.memory_space<vmem>>)
    %barrier3A_148 = arith.constant 0 : index
    tpu.barrier barrier_id(%barrier3A_148)
    %mul3A_149 = arith.constant 640 : i32
    %mul3A_150 = arith.muli %arg1, %mul3A_149 : i32
    %mul3A_151 = arith.constant 640 : i32
    %mul3A_152 = arith.muli %arg1, %mul3A_151 : i32
    "tpu.region"() ({
      %run_scoped3A = tpu.sem_alloc : memref<!tpu.dma_semaphore, #tpu.memory_space<semaphore_mem>>
      %dma_start3A_153 = arith.constant 0 : i32
      %dma_start3A_154 = tpu.memref_slice %arg5[%arg0, %mul3A_152, %dma_start3A_153] : memref<2x10240x64xf32, #tpu.memory_space<hbm>> -> memref<1x640x64xf32, #tpu.memory_space<hbm>>
      %dma_start3A_155 = tpu.memref_squeeze %dma_start3A_154 : memref<1x640x64xf32, #tpu.memory_space<hbm>> -> memref<640x64xf32, #tpu.memory_space<hbm>>
      %dma_start3A_156 = arith.constant 0 : i32
      %dma_start3A_157 = tpu.memref_slice %arg16[%mul3A_150, %dma_start3A_156] : memref<10240x64xf32, #tpu.memory_space<vmem_shared>> -> memref<640x64xf32, #tpu.memory_space<vmem_shared>>
      tpu.enqueue_dma source(%dma_start3A_157 : memref<640x64xf32, #tpu.memory_space<vmem_shared>>) target(%dma_start3A_155 : memref<640x64xf32, #tpu.memory_space<hbm>>) target_semaphore(%run_scoped3A : memref<!tpu.dma_semaphore, #tpu.memory_space<semaphore_mem>>)
      %dma_wait3A_158 = arith.constant 0 : i32
      %dma_wait3A_159 = tpu.memref_slice %arg5[%arg0, %mul3A_152, %dma_wait3A_158] : memref<2x10240x64xf32, #tpu.memory_space<hbm>> -> memref<1x640x64xf32, #tpu.memory_space<hbm>>
      %dma_wait3A_160 = tpu.memref_squeeze %dma_wait3A_159 : memref<1x640x64xf32, #tpu.memory_space<hbm>> -> memref<640x64xf32, #tpu.memory_space<hbm>>
      %dma_wait3A_161 = arith.constant 0 : i32
      %dma_wait3A_162 = tpu.memref_slice %arg16[%mul3A_150, %dma_wait3A_161] : memref<10240x64xf32, #tpu.memory_space<vmem_shared>> -> memref<640x64xf32, #tpu.memory_space<vmem_shared>>
      tpu.wait_dma2 semaphore(%run_scoped3A : memref<!tpu.dma_semaphore, #tpu.memory_space<semaphore_mem>>) src(%dma_wait3A_162 : memref<640x64xf32, #tpu.memory_space<vmem_shared>>) dst(%dma_wait3A_160 : memref<640x64xf32, #tpu.memory_space<hbm>>)
      tpu.yield
    }) : () -> ()
    return
  }
}

#map = affine_map<(d0, d1) -> (0, 0)>
#map1 = affine_map<(d0, d1) -> (0, 0, 0)>
module attributes {stable_mosaic.version = 14 : i64} {
  func.func @_sc_aggregate(%arg0: i32, %arg1: i32, %arg2: memref<10240x64xf32, #tpu.memory_space<hbm>>, %arg3: memref<2560x128xi32, #tpu.memory_space<hbm>>, %arg4: memref<2560x128xi32, #tpu.memory_space<hbm>>, %arg5: memref<2x10240x64xf32, #tpu.memory_space<hbm>>, %arg6: memref<88x128xi32, #tpu.memory_space<vmem>>, %arg7: memref<80x128xi32, #tpu.memory_space<vmem>>, %arg8: memref<128x64xf32, #tpu.memory_space<vmem>>, %arg9: memref<128x64xf32, #tpu.memory_space<vmem>>, %arg10: memref<128x64xf32, #tpu.memory_space<vmem>>, %arg11: memref<128x64xf32, #tpu.memory_space<vmem>>, %arg12: memref<128x64xf32, #tpu.memory_space<vmem>>, %arg13: memref<128x64xf32, #tpu.memory_space<vmem>>, %arg14: memref<128x64xf32, #tpu.memory_space<vmem>>, %arg15: memref<128x64xf32, #tpu.memory_space<vmem>>, %arg16: memref<10240x64xf32, #tpu.memory_space<vmem_shared>>, %arg17: memref<!tpu.dma_semaphore, #tpu.memory_space<semaphore_mem>>, %arg18: memref<!tpu.dma_semaphore, #tpu.memory_space<semaphore_mem>>, %arg19: memref<!tpu.dma_semaphore, #tpu.memory_space<semaphore_mem>>, %arg20: memref<!tpu.dma_semaphore, #tpu.memory_space<semaphore_mem>>, %arg21: memref<!tpu.dma_semaphore, #tpu.memory_space<semaphore_mem>>, %arg22: memref<!tpu.dma_semaphore, #tpu.memory_space<semaphore_mem>>, %arg23: memref<!tpu.dma_semaphore, #tpu.memory_space<semaphore_mem>>, %arg24: memref<!tpu.dma_semaphore, #tpu.memory_space<semaphore_mem>>, %arg25: memref<!tpu.dma_semaphore, #tpu.memory_space<semaphore_mem>>, %arg26: memref<!tpu.dma_semaphore, #tpu.memory_space<semaphore_mem>>, %arg27: memref<!tpu.dma_semaphore, #tpu.memory_space<semaphore_mem>>, %arg28: memref<!tpu.dma_semaphore, #tpu.memory_space<semaphore_mem>>, %arg29: memref<!tpu.dma_semaphore, #tpu.memory_space<semaphore_mem>>, %arg30: memref<!tpu.dma_semaphore, #tpu.memory_space<semaphore_mem>>, %arg31: memref<!tpu.dma_semaphore, #tpu.memory_space<semaphore_mem>>, %arg32: memref<!tpu.dma_semaphore, #tpu.memory_space<semaphore_mem>>) attributes {dimension_semantics = [#tpu.dimension_semantics<core_parallel>, #tpu.dimension_semantics<subcore_parallel>], iteration_bounds = array<i64: 2, 16>, scalar_prefetch = 0 : i64, scratch_operands = 27 : i64, tpu.core_type = #tpu.core_type<sc_vector_subcore>, window_params = [{transform_indices = #map}, {transform_indices = #map}, {transform_indices = #map}, {transform_indices = #map1}]} {
    %mul3A = arith.constant 16 : i32
    %mul3A_0 = arith.muli %arg0, %mul3A : i32
    %add3A = arith.addi %mul3A_0, %arg1 : i32
    %mul3A_1 = arith.constant 80 : i32
    %mul3A_2 = arith.muli %add3A, %mul3A_1 : i32
    "tpu.region"() ({
      %run_scoped3A = tpu.sem_alloc : memref<!tpu.dma_semaphore, #tpu.memory_space<semaphore_mem>>
      %dma_start3A_153 = arith.constant 0 : i32
      %dma_start3A_154 = arith.constant 0 : i32
      %dma_start3A_155 = tpu.memref_slice %arg6[%dma_start3A_153, %dma_start3A_154] : memref<88x128xi32, #tpu.memory_space<vmem>> -> memref<80x128xi32, #tpu.memory_space<vmem>>
      %dma_start3A_156 = arith.constant 0 : i32
      %dma_start3A_157 = tpu.memref_slice %arg3[%mul3A_2, %dma_start3A_156] : memref<2560x128xi32, #tpu.memory_space<hbm>> -> memref<80x128xi32, #tpu.memory_space<hbm>>
      %dma_start3A_158 = arith.constant 0 : i32
      %dma_start3A_159 = arith.constant 0 : i32
      %dma_start3A_160 = tpu.memref_slice %arg6[%dma_start3A_158, %dma_start3A_159] : memref<88x128xi32, #tpu.memory_space<vmem>> -> memref<80x128xi32, #tpu.memory_space<vmem>>
      %dma_start3A_161 = arith.constant 0 : i32
      %dma_start3A_162 = tpu.memref_slice %arg3[%mul3A_2, %dma_start3A_161] : memref<2560x128xi32, #tpu.memory_space<hbm>> -> memref<80x128xi32, #tpu.memory_space<hbm>>
      tpu.enqueue_dma source(%dma_start3A_162 : memref<80x128xi32, #tpu.memory_space<hbm>>) target(%dma_start3A_160 : memref<80x128xi32, #tpu.memory_space<vmem>>) target_semaphore(%run_scoped3A : memref<!tpu.dma_semaphore, #tpu.memory_space<semaphore_mem>>)
      %dma_wait3A_163 = arith.constant 0 : i32
      %dma_wait3A_164 = arith.constant 0 : i32
      %dma_wait3A_165 = tpu.memref_slice %arg6[%dma_wait3A_163, %dma_wait3A_164] : memref<88x128xi32, #tpu.memory_space<vmem>> -> memref<80x128xi32, #tpu.memory_space<vmem>>
      %dma_wait3A_166 = arith.constant 0 : i32
      %dma_wait3A_167 = tpu.memref_slice %arg3[%mul3A_2, %dma_wait3A_166] : memref<2560x128xi32, #tpu.memory_space<hbm>> -> memref<80x128xi32, #tpu.memory_space<hbm>>
      %dma_wait3A_168 = arith.constant 0 : i32
      %dma_wait3A_169 = arith.constant 0 : i32
      %dma_wait3A_170 = tpu.memref_slice %arg6[%dma_wait3A_168, %dma_wait3A_169] : memref<88x128xi32, #tpu.memory_space<vmem>> -> memref<80x128xi32, #tpu.memory_space<vmem>>
      %dma_wait3A_171 = arith.constant 0 : i32
      %dma_wait3A_172 = tpu.memref_slice %arg3[%mul3A_2, %dma_wait3A_171] : memref<2560x128xi32, #tpu.memory_space<hbm>> -> memref<80x128xi32, #tpu.memory_space<hbm>>
      tpu.wait_dma2 semaphore(%run_scoped3A : memref<!tpu.dma_semaphore, #tpu.memory_space<semaphore_mem>>) src(%dma_wait3A_172 : memref<80x128xi32, #tpu.memory_space<hbm>>) dst(%dma_wait3A_170 : memref<80x128xi32, #tpu.memory_space<vmem>>)
      tpu.yield
    }) : () -> ()
    %mul3A_3 = arith.constant 80 : i32
    %mul3A_4 = arith.muli %add3A, %mul3A_3 : i32
    "tpu.region"() ({
      %run_scoped3A = tpu.sem_alloc : memref<!tpu.dma_semaphore, #tpu.memory_space<semaphore_mem>>
      %dma_start3A_153 = arith.constant 80 : i32
      %dma_start3A_154 = arith.constant 0 : i32
      %dma_start3A_155 = tpu.memref_slice %arg6[%dma_start3A_153, %dma_start3A_154] : memref<88x128xi32, #tpu.memory_space<vmem>> -> memref<8x128xi32, #tpu.memory_space<vmem>>
      %dma_start3A_156 = arith.constant 0 : i32
      %dma_start3A_157 = tpu.memref_slice %arg3[%mul3A_4, %dma_start3A_156] : memref<2560x128xi32, #tpu.memory_space<hbm>> -> memref<8x128xi32, #tpu.memory_space<hbm>>
      %dma_start3A_158 = arith.constant 80 : i32
      %dma_start3A_159 = arith.constant 0 : i32
      %dma_start3A_160 = tpu.memref_slice %arg6[%dma_start3A_158, %dma_start3A_159] : memref<88x128xi32, #tpu.memory_space<vmem>> -> memref<8x128xi32, #tpu.memory_space<vmem>>
      %dma_start3A_161 = arith.constant 0 : i32
      %dma_start3A_162 = tpu.memref_slice %arg3[%mul3A_4, %dma_start3A_161] : memref<2560x128xi32, #tpu.memory_space<hbm>> -> memref<8x128xi32, #tpu.memory_space<hbm>>
      tpu.enqueue_dma source(%dma_start3A_162 : memref<8x128xi32, #tpu.memory_space<hbm>>) target(%dma_start3A_160 : memref<8x128xi32, #tpu.memory_space<vmem>>) target_semaphore(%run_scoped3A : memref<!tpu.dma_semaphore, #tpu.memory_space<semaphore_mem>>)
      %dma_wait3A_163 = arith.constant 80 : i32
      %dma_wait3A_164 = arith.constant 0 : i32
      %dma_wait3A_165 = tpu.memref_slice %arg6[%dma_wait3A_163, %dma_wait3A_164] : memref<88x128xi32, #tpu.memory_space<vmem>> -> memref<8x128xi32, #tpu.memory_space<vmem>>
      %dma_wait3A_166 = arith.constant 0 : i32
      %dma_wait3A_167 = tpu.memref_slice %arg3[%mul3A_4, %dma_wait3A_166] : memref<2560x128xi32, #tpu.memory_space<hbm>> -> memref<8x128xi32, #tpu.memory_space<hbm>>
      %dma_wait3A_168 = arith.constant 80 : i32
      %dma_wait3A_169 = arith.constant 0 : i32
      %dma_wait3A_170 = tpu.memref_slice %arg6[%dma_wait3A_168, %dma_wait3A_169] : memref<88x128xi32, #tpu.memory_space<vmem>> -> memref<8x128xi32, #tpu.memory_space<vmem>>
      %dma_wait3A_171 = arith.constant 0 : i32
      %dma_wait3A_172 = tpu.memref_slice %arg3[%mul3A_4, %dma_wait3A_171] : memref<2560x128xi32, #tpu.memory_space<hbm>> -> memref<8x128xi32, #tpu.memory_space<hbm>>
      tpu.wait_dma2 semaphore(%run_scoped3A : memref<!tpu.dma_semaphore, #tpu.memory_space<semaphore_mem>>) src(%dma_wait3A_172 : memref<8x128xi32, #tpu.memory_space<hbm>>) dst(%dma_wait3A_170 : memref<8x128xi32, #tpu.memory_space<vmem>>)
      tpu.yield
    }) : () -> ()
    %mul3A_5 = arith.constant 80 : i32
    %mul3A_6 = arith.muli %add3A, %mul3A_5 : i32
    "tpu.region"() ({
      %run_scoped3A = tpu.sem_alloc : memref<!tpu.dma_semaphore, #tpu.memory_space<semaphore_mem>>
      %dma_start3A_153 = arith.constant 0 : i32
      %dma_start3A_154 = tpu.memref_slice %arg4[%mul3A_6, %dma_start3A_153] : memref<2560x128xi32, #tpu.memory_space<hbm>> -> memref<80x128xi32, #tpu.memory_space<hbm>>
      %dma_start3A_155 = arith.constant 0 : i32
      %dma_start3A_156 = tpu.memref_slice %arg4[%mul3A_6, %dma_start3A_155] : memref<2560x128xi32, #tpu.memory_space<hbm>> -> memref<80x128xi32, #tpu.memory_space<hbm>>
      tpu.enqueue_dma source(%dma_start3A_156 : memref<80x128xi32, #tpu.memory_space<hbm>>) target(%arg7 : memref<80x128xi32, #tpu.memory_space<vmem>>) target_semaphore(%run_scoped3A : memref<!tpu.dma_semaphore, #tpu.memory_space<semaphore_mem>>)
      %dma_wait3A_157 = arith.constant 0 : i32
      %dma_wait3A_158 = tpu.memref_slice %arg4[%mul3A_6, %dma_wait3A_157] : memref<2560x128xi32, #tpu.memory_space<hbm>> -> memref<80x128xi32, #tpu.memory_space<hbm>>
      %dma_wait3A_159 = arith.constant 0 : i32
      %dma_wait3A_160 = tpu.memref_slice %arg4[%mul3A_6, %dma_wait3A_159] : memref<2560x128xi32, #tpu.memory_space<hbm>> -> memref<80x128xi32, #tpu.memory_space<hbm>>
      tpu.wait_dma2 semaphore(%run_scoped3A : memref<!tpu.dma_semaphore, #tpu.memory_space<semaphore_mem>>) src(%dma_wait3A_160 : memref<80x128xi32, #tpu.memory_space<hbm>>) dst(%arg7 : memref<80x128xi32, #tpu.memory_space<vmem>>)
      tpu.yield
    }) : () -> ()
    %scan3A = arith.constant 0 : i32
    %scan3A_7 = arith.constant 0 : i32
    %scan3A_8 = arith.constant 128 : i32
    %scan3A_9 = arith.addi %scan3A_7, %scan3A_8 : i32
    %scan3A_10 = arith.constant 1 : i32
    scf.for %scan3A_153 = %scan3A_7 to %scan3A_9 step %scan3A_10  : i32 {
      %broadcast_in_dim3A = arith.constant 0.000000e+00 : f32
      %broadcast_in_dim3A_154 = vector.broadcast %broadcast_in_dim3A : f32 to vector<16xf32>
      %swap3A = arith.index_cast %scan3A_153 : i32 to index
      %swap3A_155 = arith.constant 0 : index
      %swap3A_156 = tpu.vector_load %arg8[%swap3A, %swap3A_155] {strides = array<i32>} : memref<128x64xf32, #tpu.memory_space<vmem>>, vector<1x16xf32>,
      %swap3A_157 = vector.shape_cast %swap3A_156 : vector<1x16xf32> to vector<16xf32>
      %swap3A_158 = vector.shape_cast %broadcast_in_dim3A_154 : vector<16xf32> to vector<1x16xf32>
      tpu.vector_store %arg8[%swap3A, %swap3A_155], %swap3A_158 {strides = array<i32>} : memref<128x64xf32, #tpu.memory_space<vmem>>, vector<1x16xf32>,
      %broadcast_in_dim3A_159 = arith.constant 0.000000e+00 : f32
      %broadcast_in_dim3A_160 = vector.broadcast %broadcast_in_dim3A_159 : f32 to vector<16xf32>
      %swap3A_161 = arith.index_cast %scan3A_153 : i32 to index
      %swap3A_162 = arith.constant 16 : index
      %swap3A_163 = tpu.vector_load %arg8[%swap3A_161, %swap3A_162] {strides = array<i32>} : memref<128x64xf32, #tpu.memory_space<vmem>>, vector<1x16xf32>,
      %swap3A_164 = vector.shape_cast %swap3A_163 : vector<1x16xf32> to vector<16xf32>
      %swap3A_165 = vector.shape_cast %broadcast_in_dim3A_160 : vector<16xf32> to vector<1x16xf32>
      tpu.vector_store %arg8[%swap3A_161, %swap3A_162], %swap3A_165 {strides = array<i32>} : memref<128x64xf32, #tpu.memory_space<vmem>>, vector<1x16xf32>,
      %broadcast_in_dim3A_166 = arith.constant 0.000000e+00 : f32
      %broadcast_in_dim3A_167 = vector.broadcast %broadcast_in_dim3A_166 : f32 to vector<16xf32>
      %swap3A_168 = arith.index_cast %scan3A_153 : i32 to index
      %swap3A_169 = arith.constant 32 : index
      %swap3A_170 = tpu.vector_load %arg8[%swap3A_168, %swap3A_169] {strides = array<i32>} : memref<128x64xf32, #tpu.memory_space<vmem>>, vector<1x16xf32>,
      %swap3A_171 = vector.shape_cast %swap3A_170 : vector<1x16xf32> to vector<16xf32>
      %swap3A_172 = vector.shape_cast %broadcast_in_dim3A_167 : vector<16xf32> to vector<1x16xf32>
      tpu.vector_store %arg8[%swap3A_168, %swap3A_169], %swap3A_172 {strides = array<i32>} : memref<128x64xf32, #tpu.memory_space<vmem>>, vector<1x16xf32>,
      %broadcast_in_dim3A_173 = arith.constant 0.000000e+00 : f32
      %broadcast_in_dim3A_174 = vector.broadcast %broadcast_in_dim3A_173 : f32 to vector<16xf32>
      %swap3A_175 = arith.index_cast %scan3A_153 : i32 to index
      %swap3A_176 = arith.constant 48 : index
      %swap3A_177 = tpu.vector_load %arg8[%swap3A_175, %swap3A_176] {strides = array<i32>} : memref<128x64xf32, #tpu.memory_space<vmem>>, vector<1x16xf32>,
      %swap3A_178 = vector.shape_cast %swap3A_177 : vector<1x16xf32> to vector<16xf32>
      %swap3A_179 = vector.shape_cast %broadcast_in_dim3A_174 : vector<16xf32> to vector<1x16xf32>
      tpu.vector_store %arg8[%swap3A_175, %swap3A_176], %swap3A_179 {strides = array<i32>} : memref<128x64xf32, #tpu.memory_space<vmem>>, vector<1x16xf32>,
    }
    %scan3A_11 = arith.constant 128 : i32
    %mul3A_12 = arith.constant 640 : i32
    %mul3A_13 = arith.muli %arg1, %mul3A_12 : i32
    %add3A_14 = arith.constant 0 : i32
    %add3A_15 = arith.addi %mul3A_13, %add3A_14 : i32
    "tpu.region"() ({
      %run_scoped3A = tpu.sem_alloc : memref<!tpu.dma_semaphore, #tpu.memory_space<semaphore_mem>>
      %dma_start3A_153 = arith.constant 0 : i32
      %dma_start3A_154 = tpu.memref_slice %arg16[%add3A_15, %dma_start3A_153] : memref<10240x64xf32, #tpu.memory_space<vmem_shared>> -> memref<128x64xf32, #tpu.memory_space<vmem_shared>>
      %dma_start3A_155 = arith.constant 0 : i32
      %dma_start3A_156 = tpu.memref_slice %arg16[%add3A_15, %dma_start3A_155] : memref<10240x64xf32, #tpu.memory_space<vmem_shared>> -> memref<128x64xf32, #tpu.memory_space<vmem_shared>>
      tpu.enqueue_dma source(%arg8 : memref<128x64xf32, #tpu.memory_space<vmem>>) target(%dma_start3A_156 : memref<128x64xf32, #tpu.memory_space<vmem_shared>>) target_semaphore(%run_scoped3A : memref<!tpu.dma_semaphore, #tpu.memory_space<semaphore_mem>>)
      %dma_wait3A_157 = arith.constant 0 : i32
      %dma_wait3A_158 = tpu.memref_slice %arg16[%add3A_15, %dma_wait3A_157] : memref<10240x64xf32, #tpu.memory_space<vmem_shared>> -> memref<128x64xf32, #tpu.memory_space<vmem_shared>>
      %dma_wait3A_159 = arith.constant 0 : i32
      %dma_wait3A_160 = tpu.memref_slice %arg16[%add3A_15, %dma_wait3A_159] : memref<10240x64xf32, #tpu.memory_space<vmem_shared>> -> memref<128x64xf32, #tpu.memory_space<vmem_shared>>
      tpu.wait_dma2 semaphore(%run_scoped3A : memref<!tpu.dma_semaphore, #tpu.memory_space<semaphore_mem>>) src(%arg8 : memref<128x64xf32, #tpu.memory_space<vmem>>) dst(%dma_wait3A_160 : memref<128x64xf32, #tpu.memory_space<vmem_shared>>)
      tpu.yield
    }) : () -> ()
    %mul3A_16 = arith.constant 640 : i32
    %mul3A_17 = arith.muli %arg1, %mul3A_16 : i32
    %add3A_18 = arith.constant 128 : i32
    %add3A_19 = arith.addi %mul3A_17, %add3A_18 : i32
    "tpu.region"() ({
      %run_scoped3A = tpu.sem_alloc : memref<!tpu.dma_semaphore, #tpu.memory_space<semaphore_mem>>
      %dma_start3A_153 = arith.constant 0 : i32
      %dma_start3A_154 = tpu.memref_slice %arg16[%add3A_19, %dma_start3A_153] : memref<10240x64xf32, #tpu.memory_space<vmem_shared>> -> memref<128x64xf32, #tpu.memory_space<vmem_shared>>
      %dma_start3A_155 = arith.constant 0 : i32
      %dma_start3A_156 = tpu.memref_slice %arg16[%add3A_19, %dma_start3A_155] : memref<10240x64xf32, #tpu.memory_space<vmem_shared>> -> memref<128x64xf32, #tpu.memory_space<vmem_shared>>
      tpu.enqueue_dma source(%arg8 : memref<128x64xf32, #tpu.memory_space<vmem>>) target(%dma_start3A_156 : memref<128x64xf32, #tpu.memory_space<vmem_shared>>) target_semaphore(%run_scoped3A : memref<!tpu.dma_semaphore, #tpu.memory_space<semaphore_mem>>)
      %dma_wait3A_157 = arith.constant 0 : i32
      %dma_wait3A_158 = tpu.memref_slice %arg16[%add3A_19, %dma_wait3A_157] : memref<10240x64xf32, #tpu.memory_space<vmem_shared>> -> memref<128x64xf32, #tpu.memory_space<vmem_shared>>
      %dma_wait3A_159 = arith.constant 0 : i32
      %dma_wait3A_160 = tpu.memref_slice %arg16[%add3A_19, %dma_wait3A_159] : memref<10240x64xf32, #tpu.memory_space<vmem_shared>> -> memref<128x64xf32, #tpu.memory_space<vmem_shared>>
      tpu.wait_dma2 semaphore(%run_scoped3A : memref<!tpu.dma_semaphore, #tpu.memory_space<semaphore_mem>>) src(%arg8 : memref<128x64xf32, #tpu.memory_space<vmem>>) dst(%dma_wait3A_160 : memref<128x64xf32, #tpu.memory_space<vmem_shared>>)
      tpu.yield
    }) : () -> ()
    %mul3A_20 = arith.constant 640 : i32
    %mul3A_21 = arith.muli %arg1, %mul3A_20 : i32
    %add3A_22 = arith.constant 256 : i32
    %add3A_23 = arith.addi %mul3A_21, %add3A_22 : i32
    "tpu.region"() ({
      %run_scoped3A = tpu.sem_alloc : memref<!tpu.dma_semaphore, #tpu.memory_space<semaphore_mem>>
      %dma_start3A_153 = arith.constant 0 : i32
      %dma_start3A_154 = tpu.memref_slice %arg16[%add3A_23, %dma_start3A_153] : memref<10240x64xf32, #tpu.memory_space<vmem_shared>> -> memref<128x64xf32, #tpu.memory_space<vmem_shared>>
      %dma_start3A_155 = arith.constant 0 : i32
      %dma_start3A_156 = tpu.memref_slice %arg16[%add3A_23, %dma_start3A_155] : memref<10240x64xf32, #tpu.memory_space<vmem_shared>> -> memref<128x64xf32, #tpu.memory_space<vmem_shared>>
      tpu.enqueue_dma source(%arg8 : memref<128x64xf32, #tpu.memory_space<vmem>>) target(%dma_start3A_156 : memref<128x64xf32, #tpu.memory_space<vmem_shared>>) target_semaphore(%run_scoped3A : memref<!tpu.dma_semaphore, #tpu.memory_space<semaphore_mem>>)
      %dma_wait3A_157 = arith.constant 0 : i32
      %dma_wait3A_158 = tpu.memref_slice %arg16[%add3A_23, %dma_wait3A_157] : memref<10240x64xf32, #tpu.memory_space<vmem_shared>> -> memref<128x64xf32, #tpu.memory_space<vmem_shared>>
      %dma_wait3A_159 = arith.constant 0 : i32
      %dma_wait3A_160 = tpu.memref_slice %arg16[%add3A_23, %dma_wait3A_159] : memref<10240x64xf32, #tpu.memory_space<vmem_shared>> -> memref<128x64xf32, #tpu.memory_space<vmem_shared>>
      tpu.wait_dma2 semaphore(%run_scoped3A : memref<!tpu.dma_semaphore, #tpu.memory_space<semaphore_mem>>) src(%arg8 : memref<128x64xf32, #tpu.memory_space<vmem>>) dst(%dma_wait3A_160 : memref<128x64xf32, #tpu.memory_space<vmem_shared>>)
      tpu.yield
    }) : () -> ()
    %mul3A_24 = arith.constant 640 : i32
    %mul3A_25 = arith.muli %arg1, %mul3A_24 : i32
    %add3A_26 = arith.constant 384 : i32
    %add3A_27 = arith.addi %mul3A_25, %add3A_26 : i32
    "tpu.region"() ({
      %run_scoped3A = tpu.sem_alloc : memref<!tpu.dma_semaphore, #tpu.memory_space<semaphore_mem>>
      %dma_start3A_153 = arith.constant 0 : i32
      %dma_start3A_154 = tpu.memref_slice %arg16[%add3A_27, %dma_start3A_153] : memref<10240x64xf32, #tpu.memory_space<vmem_shared>> -> memref<128x64xf32, #tpu.memory_space<vmem_shared>>
      %dma_start3A_155 = arith.constant 0 : i32
      %dma_start3A_156 = tpu.memref_slice %arg16[%add3A_27, %dma_start3A_155] : memref<10240x64xf32, #tpu.memory_space<vmem_shared>> -> memref<128x64xf32, #tpu.memory_space<vmem_shared>>
      tpu.enqueue_dma source(%arg8 : memref<128x64xf32, #tpu.memory_space<vmem>>) target(%dma_start3A_156 : memref<128x64xf32, #tpu.memory_space<vmem_shared>>) target_semaphore(%run_scoped3A : memref<!tpu.dma_semaphore, #tpu.memory_space<semaphore_mem>>)
      %dma_wait3A_157 = arith.constant 0 : i32
      %dma_wait3A_158 = tpu.memref_slice %arg16[%add3A_27, %dma_wait3A_157] : memref<10240x64xf32, #tpu.memory_space<vmem_shared>> -> memref<128x64xf32, #tpu.memory_space<vmem_shared>>
      %dma_wait3A_159 = arith.constant 0 : i32
      %dma_wait3A_160 = tpu.memref_slice %arg16[%add3A_27, %dma_wait3A_159] : memref<10240x64xf32, #tpu.memory_space<vmem_shared>> -> memref<128x64xf32, #tpu.memory_space<vmem_shared>>
      tpu.wait_dma2 semaphore(%run_scoped3A : memref<!tpu.dma_semaphore, #tpu.memory_space<semaphore_mem>>) src(%arg8 : memref<128x64xf32, #tpu.memory_space<vmem>>) dst(%dma_wait3A_160 : memref<128x64xf32, #tpu.memory_space<vmem_shared>>)
      tpu.yield
    }) : () -> ()
    %mul3A_28 = arith.constant 640 : i32
    %mul3A_29 = arith.muli %arg1, %mul3A_28 : i32
    %add3A_30 = arith.constant 512 : i32
    %add3A_31 = arith.addi %mul3A_29, %add3A_30 : i32
    "tpu.region"() ({
      %run_scoped3A = tpu.sem_alloc : memref<!tpu.dma_semaphore, #tpu.memory_space<semaphore_mem>>
      %dma_start3A_153 = arith.constant 0 : i32
      %dma_start3A_154 = tpu.memref_slice %arg16[%add3A_31, %dma_start3A_153] : memref<10240x64xf32, #tpu.memory_space<vmem_shared>> -> memref<128x64xf32, #tpu.memory_space<vmem_shared>>
      %dma_start3A_155 = arith.constant 0 : i32
      %dma_start3A_156 = tpu.memref_slice %arg16[%add3A_31, %dma_start3A_155] : memref<10240x64xf32, #tpu.memory_space<vmem_shared>> -> memref<128x64xf32, #tpu.memory_space<vmem_shared>>
      tpu.enqueue_dma source(%arg8 : memref<128x64xf32, #tpu.memory_space<vmem>>) target(%dma_start3A_156 : memref<128x64xf32, #tpu.memory_space<vmem_shared>>) target_semaphore(%run_scoped3A : memref<!tpu.dma_semaphore, #tpu.memory_space<semaphore_mem>>)
      %dma_wait3A_157 = arith.constant 0 : i32
      %dma_wait3A_158 = tpu.memref_slice %arg16[%add3A_31, %dma_wait3A_157] : memref<10240x64xf32, #tpu.memory_space<vmem_shared>> -> memref<128x64xf32, #tpu.memory_space<vmem_shared>>
      %dma_wait3A_159 = arith.constant 0 : i32
      %dma_wait3A_160 = tpu.memref_slice %arg16[%add3A_31, %dma_wait3A_159] : memref<10240x64xf32, #tpu.memory_space<vmem_shared>> -> memref<128x64xf32, #tpu.memory_space<vmem_shared>>
      tpu.wait_dma2 semaphore(%run_scoped3A : memref<!tpu.dma_semaphore, #tpu.memory_space<semaphore_mem>>) src(%arg8 : memref<128x64xf32, #tpu.memory_space<vmem>>) dst(%dma_wait3A_160 : memref<128x64xf32, #tpu.memory_space<vmem_shared>>)
      tpu.yield
    }) : () -> ()
    %dma_start3A = arith.constant 0 : i32
    %dma_start3A_32 = arith.constant 0 : i32
    %dma_start3A_33 = tpu.memref_slice %arg6[%dma_start3A, %dma_start3A_32] : memref<88x128xi32, #tpu.memory_space<vmem>> -> memref<1x128xi32, #tpu.memory_space<vmem>>
    %dma_start3A_34 = tpu.memref_squeeze %dma_start3A_33 : memref<1x128xi32, #tpu.memory_space<vmem>> -> memref<128xi32, #tpu.memory_space<vmem>>
    %dma_start3A_35 = arith.constant 0 : i32
    %dma_start3A_36 = arith.constant 0 : i32
    %dma_start3A_37 = tpu.memref_slice %arg2[%dma_start3A_35, %dma_start3A_36] : memref<10240x64xf32, #tpu.memory_space<hbm>> -> memref<10240x64xf32, #tpu.memory_space<hbm>>
    tpu.enqueue_indirect_dma source(%dma_start3A_37 : memref<10240x64xf32, #tpu.memory_space<hbm>>) target(%arg8 : memref<128x64xf32, #tpu.memory_space<vmem>>) offsets(%dma_start3A_34 : memref<128xi32, #tpu.memory_space<vmem>>) semaphore(%arg17 : memref<!tpu.dma_semaphore, #tpu.memory_space<semaphore_mem>>)
    %dma_start3A_38 = arith.constant 1 : i32
    %dma_start3A_39 = arith.constant 0 : i32
    %dma_start3A_40 = tpu.memref_slice %arg6[%dma_start3A_38, %dma_start3A_39] : memref<88x128xi32, #tpu.memory_space<vmem>> -> memref<1x128xi32, #tpu.memory_space<vmem>>
    %dma_start3A_41 = tpu.memref_squeeze %dma_start3A_40 : memref<1x128xi32, #tpu.memory_space<vmem>> -> memref<128xi32, #tpu.memory_space<vmem>>
    %dma_start3A_42 = arith.constant 0 : i32
    %dma_start3A_43 = arith.constant 0 : i32
    %dma_start3A_44 = tpu.memref_slice %arg2[%dma_start3A_42, %dma_start3A_43] : memref<10240x64xf32, #tpu.memory_space<hbm>> -> memref<10240x64xf32, #tpu.memory_space<hbm>>
    tpu.enqueue_indirect_dma source(%dma_start3A_44 : memref<10240x64xf32, #tpu.memory_space<hbm>>) target(%arg9 : memref<128x64xf32, #tpu.memory_space<vmem>>) offsets(%dma_start3A_41 : memref<128xi32, #tpu.memory_space<vmem>>) semaphore(%arg18 : memref<!tpu.dma_semaphore, #tpu.memory_space<semaphore_mem>>)
    %dma_start3A_45 = arith.constant 2 : i32
    %dma_start3A_46 = arith.constant 0 : i32
    %dma_start3A_47 = tpu.memref_slice %arg6[%dma_start3A_45, %dma_start3A_46] : memref<88x128xi32, #tpu.memory_space<vmem>> -> memref<1x128xi32, #tpu.memory_space<vmem>>
    %dma_start3A_48 = tpu.memref_squeeze %dma_start3A_47 : memref<1x128xi32, #tpu.memory_space<vmem>> -> memref<128xi32, #tpu.memory_space<vmem>>
    %dma_start3A_49 = arith.constant 0 : i32
    %dma_start3A_50 = arith.constant 0 : i32
    %dma_start3A_51 = tpu.memref_slice %arg2[%dma_start3A_49, %dma_start3A_50] : memref<10240x64xf32, #tpu.memory_space<hbm>> -> memref<10240x64xf32, #tpu.memory_space<hbm>>
    tpu.enqueue_indirect_dma source(%dma_start3A_51 : memref<10240x64xf32, #tpu.memory_space<hbm>>) target(%arg10 : memref<128x64xf32, #tpu.memory_space<vmem>>) offsets(%dma_start3A_48 : memref<128xi32, #tpu.memory_space<vmem>>) semaphore(%arg19 : memref<!tpu.dma_semaphore, #tpu.memory_space<semaphore_mem>>)
    %dma_start3A_52 = arith.constant 3 : i32
    %dma_start3A_53 = arith.constant 0 : i32
    %dma_start3A_54 = tpu.memref_slice %arg6[%dma_start3A_52, %dma_start3A_53] : memref<88x128xi32, #tpu.memory_space<vmem>> -> memref<1x128xi32, #tpu.memory_space<vmem>>
    %dma_start3A_55 = tpu.memref_squeeze %dma_start3A_54 : memref<1x128xi32, #tpu.memory_space<vmem>> -> memref<128xi32, #tpu.memory_space<vmem>>
    %dma_start3A_56 = arith.constant 0 : i32
    %dma_start3A_57 = arith.constant 0 : i32
    %dma_start3A_58 = tpu.memref_slice %arg2[%dma_start3A_56, %dma_start3A_57] : memref<10240x64xf32, #tpu.memory_space<hbm>> -> memref<10240x64xf32, #tpu.memory_space<hbm>>
    tpu.enqueue_indirect_dma source(%dma_start3A_58 : memref<10240x64xf32, #tpu.memory_space<hbm>>) target(%arg11 : memref<128x64xf32, #tpu.memory_space<vmem>>) offsets(%dma_start3A_55 : memref<128xi32, #tpu.memory_space<vmem>>) semaphore(%arg20 : memref<!tpu.dma_semaphore, #tpu.memory_space<semaphore_mem>>)
    %dma_start3A_59 = arith.constant 4 : i32
    %dma_start3A_60 = arith.constant 0 : i32
    %dma_start3A_61 = tpu.memref_slice %arg6[%dma_start3A_59, %dma_start3A_60] : memref<88x128xi32, #tpu.memory_space<vmem>> -> memref<1x128xi32, #tpu.memory_space<vmem>>
    %dma_start3A_62 = tpu.memref_squeeze %dma_start3A_61 : memref<1x128xi32, #tpu.memory_space<vmem>> -> memref<128xi32, #tpu.memory_space<vmem>>
    %dma_start3A_63 = arith.constant 0 : i32
    %dma_start3A_64 = arith.constant 0 : i32
    %dma_start3A_65 = tpu.memref_slice %arg2[%dma_start3A_63, %dma_start3A_64] : memref<10240x64xf32, #tpu.memory_space<hbm>> -> memref<10240x64xf32, #tpu.memory_space<hbm>>
    tpu.enqueue_indirect_dma source(%dma_start3A_65 : memref<10240x64xf32, #tpu.memory_space<hbm>>) target(%arg12 : memref<128x64xf32, #tpu.memory_space<vmem>>) offsets(%dma_start3A_62 : memref<128xi32, #tpu.memory_space<vmem>>) semaphore(%arg21 : memref<!tpu.dma_semaphore, #tpu.memory_space<semaphore_mem>>)
    %dma_start3A_66 = arith.constant 5 : i32
    %dma_start3A_67 = arith.constant 0 : i32
    %dma_start3A_68 = tpu.memref_slice %arg6[%dma_start3A_66, %dma_start3A_67] : memref<88x128xi32, #tpu.memory_space<vmem>> -> memref<1x128xi32, #tpu.memory_space<vmem>>
    %dma_start3A_69 = tpu.memref_squeeze %dma_start3A_68 : memref<1x128xi32, #tpu.memory_space<vmem>> -> memref<128xi32, #tpu.memory_space<vmem>>
    %dma_start3A_70 = arith.constant 0 : i32
    %dma_start3A_71 = arith.constant 0 : i32
    %dma_start3A_72 = tpu.memref_slice %arg2[%dma_start3A_70, %dma_start3A_71] : memref<10240x64xf32, #tpu.memory_space<hbm>> -> memref<10240x64xf32, #tpu.memory_space<hbm>>
    tpu.enqueue_indirect_dma source(%dma_start3A_72 : memref<10240x64xf32, #tpu.memory_space<hbm>>) target(%arg13 : memref<128x64xf32, #tpu.memory_space<vmem>>) offsets(%dma_start3A_69 : memref<128xi32, #tpu.memory_space<vmem>>) semaphore(%arg22 : memref<!tpu.dma_semaphore, #tpu.memory_space<semaphore_mem>>)
    %dma_start3A_73 = arith.constant 6 : i32
    %dma_start3A_74 = arith.constant 0 : i32
    %dma_start3A_75 = tpu.memref_slice %arg6[%dma_start3A_73, %dma_start3A_74] : memref<88x128xi32, #tpu.memory_space<vmem>> -> memref<1x128xi32, #tpu.memory_space<vmem>>
    %dma_start3A_76 = tpu.memref_squeeze %dma_start3A_75 : memref<1x128xi32, #tpu.memory_space<vmem>> -> memref<128xi32, #tpu.memory_space<vmem>>
    %dma_start3A_77 = arith.constant 0 : i32
    %dma_start3A_78 = arith.constant 0 : i32
    %dma_start3A_79 = tpu.memref_slice %arg2[%dma_start3A_77, %dma_start3A_78] : memref<10240x64xf32, #tpu.memory_space<hbm>> -> memref<10240x64xf32, #tpu.memory_space<hbm>>
    tpu.enqueue_indirect_dma source(%dma_start3A_79 : memref<10240x64xf32, #tpu.memory_space<hbm>>) target(%arg14 : memref<128x64xf32, #tpu.memory_space<vmem>>) offsets(%dma_start3A_76 : memref<128xi32, #tpu.memory_space<vmem>>) semaphore(%arg23 : memref<!tpu.dma_semaphore, #tpu.memory_space<semaphore_mem>>)
    %dma_start3A_80 = arith.constant 7 : i32
    %dma_start3A_81 = arith.constant 0 : i32
    %dma_start3A_82 = tpu.memref_slice %arg6[%dma_start3A_80, %dma_start3A_81] : memref<88x128xi32, #tpu.memory_space<vmem>> -> memref<1x128xi32, #tpu.memory_space<vmem>>
    %dma_start3A_83 = tpu.memref_squeeze %dma_start3A_82 : memref<1x128xi32, #tpu.memory_space<vmem>> -> memref<128xi32, #tpu.memory_space<vmem>>
    %dma_start3A_84 = arith.constant 0 : i32
    %dma_start3A_85 = arith.constant 0 : i32
    %dma_start3A_86 = tpu.memref_slice %arg2[%dma_start3A_84, %dma_start3A_85] : memref<10240x64xf32, #tpu.memory_space<hbm>> -> memref<10240x64xf32, #tpu.memory_space<hbm>>
    tpu.enqueue_indirect_dma source(%dma_start3A_86 : memref<10240x64xf32, #tpu.memory_space<hbm>>) target(%arg15 : memref<128x64xf32, #tpu.memory_space<vmem>>) offsets(%dma_start3A_83 : memref<128xi32, #tpu.memory_space<vmem>>) semaphore(%arg24 : memref<!tpu.dma_semaphore, #tpu.memory_space<semaphore_mem>>)
    %barrier3A = arith.constant 0 : index
    tpu.barrier barrier_id(%barrier3A)
    %scan3A_87 = arith.constant 0 : i32
    %scan3A_88 = arith.constant 0 : i32
    %scan3A_89 = arith.constant 10 : i32
    %scan3A_90 = arith.addi %scan3A_88, %scan3A_89 : i32
    %scan3A_91 = arith.constant 1 : i32
    scf.for %scan3A_153 = %scan3A_88 to %scan3A_90 step %scan3A_91  : i32 {
      %mul3A_154 = arith.constant 8 : i32
      %mul3A_155 = arith.muli %scan3A_153, %mul3A_154 : i32
      %add3A_156 = arith.constant 0 : i32
      %add3A_157 = arith.addi %mul3A_155, %add3A_156 : i32
      %dma_wait3A_158 = arith.constant 0 : i32
      %dma_wait3A_159 = tpu.memref_slice %arg6[%add3A_157, %dma_wait3A_158] : memref<88x128xi32, #tpu.memory_space<vmem>> -> memref<1x128xi32, #tpu.memory_space<vmem>>
      %dma_wait3A_160 = tpu.memref_squeeze %dma_wait3A_159 : memref<1x128xi32, #tpu.memory_space<vmem>> -> memref<128xi32, #tpu.memory_space<vmem>>
      %dma_wait3A_161 = arith.constant 0 : i32
      %dma_wait3A_162 = arith.constant 0 : i32
      %dma_wait3A_163 = tpu.memref_slice %arg2[%dma_wait3A_161, %dma_wait3A_162] : memref<10240x64xf32, #tpu.memory_space<hbm>> -> memref<10240x64xf32, #tpu.memory_space<hbm>>
      tpu.wait_indirect_dma semaphore(%arg17 : memref<!tpu.dma_semaphore, #tpu.memory_space<semaphore_mem>>) src(%dma_wait3A_163 : memref<10240x64xf32, #tpu.memory_space<hbm>>) dst(%arg8 : memref<128x64xf32, #tpu.memory_space<vmem>>)
      %add3A_164 = arith.constant 0 : i32
      %add3A_165 = arith.addi %mul3A_155, %add3A_164 : i32
      %dma_start3A_166 = arith.constant 0 : i32
      %dma_start3A_167 = tpu.memref_slice %arg7[%add3A_165, %dma_start3A_166] : memref<80x128xi32, #tpu.memory_space<vmem>> -> memref<1x128xi32, #tpu.memory_space<vmem>>
      %dma_start3A_168 = tpu.memref_squeeze %dma_start3A_167 : memref<1x128xi32, #tpu.memory_space<vmem>> -> memref<128xi32, #tpu.memory_space<vmem>>
      %dma_start3A_169 = arith.constant 0 : i32
      %dma_start3A_170 = arith.constant 0 : i32
      %dma_start3A_171 = tpu.memref_slice %arg16[%dma_start3A_169, %dma_start3A_170] : memref<10240x64xf32, #tpu.memory_space<vmem_shared>> -> memref<10240x64xf32, #tpu.memory_space<vmem_shared>>
      tpu.enqueue_indirect_dma source(%arg8 : memref<128x64xf32, #tpu.memory_space<vmem>>) target(%dma_start3A_171 : memref<10240x64xf32, #tpu.memory_space<vmem_shared>>) offsets(%dma_start3A_168 : memref<128xi32, #tpu.memory_space<vmem>>) semaphore(%arg25 : memref<!tpu.dma_semaphore, #tpu.memory_space<semaphore_mem>>) {add = true}
      %add3A_172 = arith.constant 1 : i32
      %add3A_173 = arith.addi %mul3A_155, %add3A_172 : i32
      %dma_wait3A_174 = arith.constant 0 : i32
      %dma_wait3A_175 = tpu.memref_slice %arg6[%add3A_173, %dma_wait3A_174] : memref<88x128xi32, #tpu.memory_space<vmem>> -> memref<1x128xi32, #tpu.memory_space<vmem>>
      %dma_wait3A_176 = tpu.memref_squeeze %dma_wait3A_175 : memref<1x128xi32, #tpu.memory_space<vmem>> -> memref<128xi32, #tpu.memory_space<vmem>>
      %dma_wait3A_177 = arith.constant 0 : i32
      %dma_wait3A_178 = arith.constant 0 : i32
      %dma_wait3A_179 = tpu.memref_slice %arg2[%dma_wait3A_177, %dma_wait3A_178] : memref<10240x64xf32, #tpu.memory_space<hbm>> -> memref<10240x64xf32, #tpu.memory_space<hbm>>
      tpu.wait_indirect_dma semaphore(%arg18 : memref<!tpu.dma_semaphore, #tpu.memory_space<semaphore_mem>>) src(%dma_wait3A_179 : memref<10240x64xf32, #tpu.memory_space<hbm>>) dst(%arg9 : memref<128x64xf32, #tpu.memory_space<vmem>>)
      %add3A_180 = arith.constant 1 : i32
      %add3A_181 = arith.addi %mul3A_155, %add3A_180 : i32
      %dma_start3A_182 = arith.constant 0 : i32
      %dma_start3A_183 = tpu.memref_slice %arg7[%add3A_181, %dma_start3A_182] : memref<80x128xi32, #tpu.memory_space<vmem>> -> memref<1x128xi32, #tpu.memory_space<vmem>>
      %dma_start3A_184 = tpu.memref_squeeze %dma_start3A_183 : memref<1x128xi32, #tpu.memory_space<vmem>> -> memref<128xi32, #tpu.memory_space<vmem>>
      %dma_start3A_185 = arith.constant 0 : i32
      %dma_start3A_186 = arith.constant 0 : i32
      %dma_start3A_187 = tpu.memref_slice %arg16[%dma_start3A_185, %dma_start3A_186] : memref<10240x64xf32, #tpu.memory_space<vmem_shared>> -> memref<10240x64xf32, #tpu.memory_space<vmem_shared>>
      tpu.enqueue_indirect_dma source(%arg9 : memref<128x64xf32, #tpu.memory_space<vmem>>) target(%dma_start3A_187 : memref<10240x64xf32, #tpu.memory_space<vmem_shared>>) offsets(%dma_start3A_184 : memref<128xi32, #tpu.memory_space<vmem>>) semaphore(%arg26 : memref<!tpu.dma_semaphore, #tpu.memory_space<semaphore_mem>>) {add = true}
      %add3A_188 = arith.constant 2 : i32
      %add3A_189 = arith.addi %mul3A_155, %add3A_188 : i32
      %dma_wait3A_190 = arith.constant 0 : i32
      %dma_wait3A_191 = tpu.memref_slice %arg6[%add3A_189, %dma_wait3A_190] : memref<88x128xi32, #tpu.memory_space<vmem>> -> memref<1x128xi32, #tpu.memory_space<vmem>>
      %dma_wait3A_192 = tpu.memref_squeeze %dma_wait3A_191 : memref<1x128xi32, #tpu.memory_space<vmem>> -> memref<128xi32, #tpu.memory_space<vmem>>
      %dma_wait3A_193 = arith.constant 0 : i32
      %dma_wait3A_194 = arith.constant 0 : i32
      %dma_wait3A_195 = tpu.memref_slice %arg2[%dma_wait3A_193, %dma_wait3A_194] : memref<10240x64xf32, #tpu.memory_space<hbm>> -> memref<10240x64xf32, #tpu.memory_space<hbm>>
      tpu.wait_indirect_dma semaphore(%arg19 : memref<!tpu.dma_semaphore, #tpu.memory_space<semaphore_mem>>) src(%dma_wait3A_195 : memref<10240x64xf32, #tpu.memory_space<hbm>>) dst(%arg10 : memref<128x64xf32, #tpu.memory_space<vmem>>)
      %add3A_196 = arith.constant 2 : i32
      %add3A_197 = arith.addi %mul3A_155, %add3A_196 : i32
      %dma_start3A_198 = arith.constant 0 : i32
      %dma_start3A_199 = tpu.memref_slice %arg7[%add3A_197, %dma_start3A_198] : memref<80x128xi32, #tpu.memory_space<vmem>> -> memref<1x128xi32, #tpu.memory_space<vmem>>
      %dma_start3A_200 = tpu.memref_squeeze %dma_start3A_199 : memref<1x128xi32, #tpu.memory_space<vmem>> -> memref<128xi32, #tpu.memory_space<vmem>>
      %dma_start3A_201 = arith.constant 0 : i32
      %dma_start3A_202 = arith.constant 0 : i32
      %dma_start3A_203 = tpu.memref_slice %arg16[%dma_start3A_201, %dma_start3A_202] : memref<10240x64xf32, #tpu.memory_space<vmem_shared>> -> memref<10240x64xf32, #tpu.memory_space<vmem_shared>>
      tpu.enqueue_indirect_dma source(%arg10 : memref<128x64xf32, #tpu.memory_space<vmem>>) target(%dma_start3A_203 : memref<10240x64xf32, #tpu.memory_space<vmem_shared>>) offsets(%dma_start3A_200 : memref<128xi32, #tpu.memory_space<vmem>>) semaphore(%arg27 : memref<!tpu.dma_semaphore, #tpu.memory_space<semaphore_mem>>) {add = true}
      %add3A_204 = arith.constant 3 : i32
      %add3A_205 = arith.addi %mul3A_155, %add3A_204 : i32
      %dma_wait3A_206 = arith.constant 0 : i32
      %dma_wait3A_207 = tpu.memref_slice %arg6[%add3A_205, %dma_wait3A_206] : memref<88x128xi32, #tpu.memory_space<vmem>> -> memref<1x128xi32, #tpu.memory_space<vmem>>
      %dma_wait3A_208 = tpu.memref_squeeze %dma_wait3A_207 : memref<1x128xi32, #tpu.memory_space<vmem>> -> memref<128xi32, #tpu.memory_space<vmem>>
      %dma_wait3A_209 = arith.constant 0 : i32
      %dma_wait3A_210 = arith.constant 0 : i32
      %dma_wait3A_211 = tpu.memref_slice %arg2[%dma_wait3A_209, %dma_wait3A_210] : memref<10240x64xf32, #tpu.memory_space<hbm>> -> memref<10240x64xf32, #tpu.memory_space<hbm>>
      tpu.wait_indirect_dma semaphore(%arg20 : memref<!tpu.dma_semaphore, #tpu.memory_space<semaphore_mem>>) src(%dma_wait3A_211 : memref<10240x64xf32, #tpu.memory_space<hbm>>) dst(%arg11 : memref<128x64xf32, #tpu.memory_space<vmem>>)
      %add3A_212 = arith.constant 3 : i32
      %add3A_213 = arith.addi %mul3A_155, %add3A_212 : i32
      %dma_start3A_214 = arith.constant 0 : i32
      %dma_start3A_215 = tpu.memref_slice %arg7[%add3A_213, %dma_start3A_214] : memref<80x128xi32, #tpu.memory_space<vmem>> -> memref<1x128xi32, #tpu.memory_space<vmem>>
      %dma_start3A_216 = tpu.memref_squeeze %dma_start3A_215 : memref<1x128xi32, #tpu.memory_space<vmem>> -> memref<128xi32, #tpu.memory_space<vmem>>
      %dma_start3A_217 = arith.constant 0 : i32
      %dma_start3A_218 = arith.constant 0 : i32
      %dma_start3A_219 = tpu.memref_slice %arg16[%dma_start3A_217, %dma_start3A_218] : memref<10240x64xf32, #tpu.memory_space<vmem_shared>> -> memref<10240x64xf32, #tpu.memory_space<vmem_shared>>
      tpu.enqueue_indirect_dma source(%arg11 : memref<128x64xf32, #tpu.memory_space<vmem>>) target(%dma_start3A_219 : memref<10240x64xf32, #tpu.memory_space<vmem_shared>>) offsets(%dma_start3A_216 : memref<128xi32, #tpu.memory_space<vmem>>) semaphore(%arg28 : memref<!tpu.dma_semaphore, #tpu.memory_space<semaphore_mem>>) {add = true}
      %add3A_220 = arith.constant 4 : i32
      %add3A_221 = arith.addi %mul3A_155, %add3A_220 : i32
      %dma_wait3A_222 = arith.constant 0 : i32
      %dma_wait3A_223 = tpu.memref_slice %arg6[%add3A_221, %dma_wait3A_222] : memref<88x128xi32, #tpu.memory_space<vmem>> -> memref<1x128xi32, #tpu.memory_space<vmem>>
      %dma_wait3A_224 = tpu.memref_squeeze %dma_wait3A_223 : memref<1x128xi32, #tpu.memory_space<vmem>> -> memref<128xi32, #tpu.memory_space<vmem>>
      %dma_wait3A_225 = arith.constant 0 : i32
      %dma_wait3A_226 = arith.constant 0 : i32
      %dma_wait3A_227 = tpu.memref_slice %arg2[%dma_wait3A_225, %dma_wait3A_226] : memref<10240x64xf32, #tpu.memory_space<hbm>> -> memref<10240x64xf32, #tpu.memory_space<hbm>>
      tpu.wait_indirect_dma semaphore(%arg21 : memref<!tpu.dma_semaphore, #tpu.memory_space<semaphore_mem>>) src(%dma_wait3A_227 : memref<10240x64xf32, #tpu.memory_space<hbm>>) dst(%arg12 : memref<128x64xf32, #tpu.memory_space<vmem>>)
      %add3A_228 = arith.constant 4 : i32
      %add3A_229 = arith.addi %mul3A_155, %add3A_228 : i32
      %dma_start3A_230 = arith.constant 0 : i32
      %dma_start3A_231 = tpu.memref_slice %arg7[%add3A_229, %dma_start3A_230] : memref<80x128xi32, #tpu.memory_space<vmem>> -> memref<1x128xi32, #tpu.memory_space<vmem>>
      %dma_start3A_232 = tpu.memref_squeeze %dma_start3A_231 : memref<1x128xi32, #tpu.memory_space<vmem>> -> memref<128xi32, #tpu.memory_space<vmem>>
      %dma_start3A_233 = arith.constant 0 : i32
      %dma_start3A_234 = arith.constant 0 : i32
      %dma_start3A_235 = tpu.memref_slice %arg16[%dma_start3A_233, %dma_start3A_234] : memref<10240x64xf32, #tpu.memory_space<vmem_shared>> -> memref<10240x64xf32, #tpu.memory_space<vmem_shared>>
      tpu.enqueue_indirect_dma source(%arg12 : memref<128x64xf32, #tpu.memory_space<vmem>>) target(%dma_start3A_235 : memref<10240x64xf32, #tpu.memory_space<vmem_shared>>) offsets(%dma_start3A_232 : memref<128xi32, #tpu.memory_space<vmem>>) semaphore(%arg29 : memref<!tpu.dma_semaphore, #tpu.memory_space<semaphore_mem>>) {add = true}
      %add3A_236 = arith.constant 5 : i32
      %add3A_237 = arith.addi %mul3A_155, %add3A_236 : i32
      %dma_wait3A_238 = arith.constant 0 : i32
      %dma_wait3A_239 = tpu.memref_slice %arg6[%add3A_237, %dma_wait3A_238] : memref<88x128xi32, #tpu.memory_space<vmem>> -> memref<1x128xi32, #tpu.memory_space<vmem>>
      %dma_wait3A_240 = tpu.memref_squeeze %dma_wait3A_239 : memref<1x128xi32, #tpu.memory_space<vmem>> -> memref<128xi32, #tpu.memory_space<vmem>>
      %dma_wait3A_241 = arith.constant 0 : i32
      %dma_wait3A_242 = arith.constant 0 : i32
      %dma_wait3A_243 = tpu.memref_slice %arg2[%dma_wait3A_241, %dma_wait3A_242] : memref<10240x64xf32, #tpu.memory_space<hbm>> -> memref<10240x64xf32, #tpu.memory_space<hbm>>
      tpu.wait_indirect_dma semaphore(%arg22 : memref<!tpu.dma_semaphore, #tpu.memory_space<semaphore_mem>>) src(%dma_wait3A_243 : memref<10240x64xf32, #tpu.memory_space<hbm>>) dst(%arg13 : memref<128x64xf32, #tpu.memory_space<vmem>>)
      %add3A_244 = arith.constant 5 : i32
      %add3A_245 = arith.addi %mul3A_155, %add3A_244 : i32
      %dma_start3A_246 = arith.constant 0 : i32
      %dma_start3A_247 = tpu.memref_slice %arg7[%add3A_245, %dma_start3A_246] : memref<80x128xi32, #tpu.memory_space<vmem>> -> memref<1x128xi32, #tpu.memory_space<vmem>>
      %dma_start3A_248 = tpu.memref_squeeze %dma_start3A_247 : memref<1x128xi32, #tpu.memory_space<vmem>> -> memref<128xi32, #tpu.memory_space<vmem>>
      %dma_start3A_249 = arith.constant 0 : i32
      %dma_start3A_250 = arith.constant 0 : i32
      %dma_start3A_251 = tpu.memref_slice %arg16[%dma_start3A_249, %dma_start3A_250] : memref<10240x64xf32, #tpu.memory_space<vmem_shared>> -> memref<10240x64xf32, #tpu.memory_space<vmem_shared>>
      tpu.enqueue_indirect_dma source(%arg13 : memref<128x64xf32, #tpu.memory_space<vmem>>) target(%dma_start3A_251 : memref<10240x64xf32, #tpu.memory_space<vmem_shared>>) offsets(%dma_start3A_248 : memref<128xi32, #tpu.memory_space<vmem>>) semaphore(%arg30 : memref<!tpu.dma_semaphore, #tpu.memory_space<semaphore_mem>>) {add = true}
      %add3A_252 = arith.constant 6 : i32
      %add3A_253 = arith.addi %mul3A_155, %add3A_252 : i32
      %dma_wait3A_254 = arith.constant 0 : i32
      %dma_wait3A_255 = tpu.memref_slice %arg6[%add3A_253, %dma_wait3A_254] : memref<88x128xi32, #tpu.memory_space<vmem>> -> memref<1x128xi32, #tpu.memory_space<vmem>>
      %dma_wait3A_256 = tpu.memref_squeeze %dma_wait3A_255 : memref<1x128xi32, #tpu.memory_space<vmem>> -> memref<128xi32, #tpu.memory_space<vmem>>
      %dma_wait3A_257 = arith.constant 0 : i32
      %dma_wait3A_258 = arith.constant 0 : i32
      %dma_wait3A_259 = tpu.memref_slice %arg2[%dma_wait3A_257, %dma_wait3A_258] : memref<10240x64xf32, #tpu.memory_space<hbm>> -> memref<10240x64xf32, #tpu.memory_space<hbm>>
      tpu.wait_indirect_dma semaphore(%arg23 : memref<!tpu.dma_semaphore, #tpu.memory_space<semaphore_mem>>) src(%dma_wait3A_259 : memref<10240x64xf32, #tpu.memory_space<hbm>>) dst(%arg14 : memref<128x64xf32, #tpu.memory_space<vmem>>)
      %add3A_260 = arith.constant 6 : i32
      %add3A_261 = arith.addi %mul3A_155, %add3A_260 : i32
      %dma_start3A_262 = arith.constant 0 : i32
      %dma_start3A_263 = tpu.memref_slice %arg7[%add3A_261, %dma_start3A_262] : memref<80x128xi32, #tpu.memory_space<vmem>> -> memref<1x128xi32, #tpu.memory_space<vmem>>
      %dma_start3A_264 = tpu.memref_squeeze %dma_start3A_263 : memref<1x128xi32, #tpu.memory_space<vmem>> -> memref<128xi32, #tpu.memory_space<vmem>>
      %dma_start3A_265 = arith.constant 0 : i32
      %dma_start3A_266 = arith.constant 0 : i32
      %dma_start3A_267 = tpu.memref_slice %arg16[%dma_start3A_265, %dma_start3A_266] : memref<10240x64xf32, #tpu.memory_space<vmem_shared>> -> memref<10240x64xf32, #tpu.memory_space<vmem_shared>>
      tpu.enqueue_indirect_dma source(%arg14 : memref<128x64xf32, #tpu.memory_space<vmem>>) target(%dma_start3A_267 : memref<10240x64xf32, #tpu.memory_space<vmem_shared>>) offsets(%dma_start3A_264 : memref<128xi32, #tpu.memory_space<vmem>>) semaphore(%arg31 : memref<!tpu.dma_semaphore, #tpu.memory_space<semaphore_mem>>) {add = true}
      %add3A_268 = arith.constant 7 : i32
      %add3A_269 = arith.addi %mul3A_155, %add3A_268 : i32
      %dma_wait3A_270 = arith.constant 0 : i32
      %dma_wait3A_271 = tpu.memref_slice %arg6[%add3A_269, %dma_wait3A_270] : memref<88x128xi32, #tpu.memory_space<vmem>> -> memref<1x128xi32, #tpu.memory_space<vmem>>
      %dma_wait3A_272 = tpu.memref_squeeze %dma_wait3A_271 : memref<1x128xi32, #tpu.memory_space<vmem>> -> memref<128xi32, #tpu.memory_space<vmem>>
      %dma_wait3A_273 = arith.constant 0 : i32
      %dma_wait3A_274 = arith.constant 0 : i32
      %dma_wait3A_275 = tpu.memref_slice %arg2[%dma_wait3A_273, %dma_wait3A_274] : memref<10240x64xf32, #tpu.memory_space<hbm>> -> memref<10240x64xf32, #tpu.memory_space<hbm>>
      tpu.wait_indirect_dma semaphore(%arg24 : memref<!tpu.dma_semaphore, #tpu.memory_space<semaphore_mem>>) src(%dma_wait3A_275 : memref<10240x64xf32, #tpu.memory_space<hbm>>) dst(%arg15 : memref<128x64xf32, #tpu.memory_space<vmem>>)
      %add3A_276 = arith.constant 7 : i32
      %add3A_277 = arith.addi %mul3A_155, %add3A_276 : i32
      %dma_start3A_278 = arith.constant 0 : i32
      %dma_start3A_279 = tpu.memref_slice %arg7[%add3A_277, %dma_start3A_278] : memref<80x128xi32, #tpu.memory_space<vmem>> -> memref<1x128xi32, #tpu.memory_space<vmem>>
      %dma_start3A_280 = tpu.memref_squeeze %dma_start3A_279 : memref<1x128xi32, #tpu.memory_space<vmem>> -> memref<128xi32, #tpu.memory_space<vmem>>
      %dma_start3A_281 = arith.constant 0 : i32
      %dma_start3A_282 = arith.constant 0 : i32
      %dma_start3A_283 = tpu.memref_slice %arg16[%dma_start3A_281, %dma_start3A_282] : memref<10240x64xf32, #tpu.memory_space<vmem_shared>> -> memref<10240x64xf32, #tpu.memory_space<vmem_shared>>
      tpu.enqueue_indirect_dma source(%arg15 : memref<128x64xf32, #tpu.memory_space<vmem>>) target(%dma_start3A_283 : memref<10240x64xf32, #tpu.memory_space<vmem_shared>>) offsets(%dma_start3A_280 : memref<128xi32, #tpu.memory_space<vmem>>) semaphore(%arg32 : memref<!tpu.dma_semaphore, #tpu.memory_space<semaphore_mem>>) {add = true}
      %dma_wait3A_284 = arith.constant 0 : i32
      %dma_wait3A_285 = tpu.memref_slice %arg7[%add3A_165, %dma_wait3A_284] : memref<80x128xi32, #tpu.memory_space<vmem>> -> memref<1x128xi32, #tpu.memory_space<vmem>>
      %dma_wait3A_286 = tpu.memref_squeeze %dma_wait3A_285 : memref<1x128xi32, #tpu.memory_space<vmem>> -> memref<128xi32, #tpu.memory_space<vmem>>
      %dma_wait3A_287 = arith.constant 0 : i32
      %dma_wait3A_288 = arith.constant 0 : i32
      %dma_wait3A_289 = tpu.memref_slice %arg16[%dma_wait3A_287, %dma_wait3A_288] : memref<10240x64xf32, #tpu.memory_space<vmem_shared>> -> memref<10240x64xf32, #tpu.memory_space<vmem_shared>>
      tpu.wait_indirect_dma semaphore(%arg25 : memref<!tpu.dma_semaphore, #tpu.memory_space<semaphore_mem>>) src(%arg8 : memref<128x64xf32, #tpu.memory_space<vmem>>) dst(%dma_wait3A_289 : memref<10240x64xf32, #tpu.memory_space<vmem_shared>>)
      %add3A_290 = arith.constant 8 : i32
      %add3A_291 = arith.addi %mul3A_155, %add3A_290 : i32
      %add3A_292 = arith.constant 0 : i32
      %add3A_293 = arith.addi %add3A_291, %add3A_292 : i32
      %dma_start3A_294 = arith.constant 0 : i32
      %dma_start3A_295 = tpu.memref_slice %arg6[%add3A_293, %dma_start3A_294] : memref<88x128xi32, #tpu.memory_space<vmem>> -> memref<1x128xi32, #tpu.memory_space<vmem>>
      %dma_start3A_296 = tpu.memref_squeeze %dma_start3A_295 : memref<1x128xi32, #tpu.memory_space<vmem>> -> memref<128xi32, #tpu.memory_space<vmem>>
      %dma_start3A_297 = arith.constant 0 : i32
      %dma_start3A_298 = arith.constant 0 : i32
      %dma_start3A_299 = tpu.memref_slice %arg2[%dma_start3A_297, %dma_start3A_298] : memref<10240x64xf32, #tpu.memory_space<hbm>> -> memref<10240x64xf32, #tpu.memory_space<hbm>>
      tpu.enqueue_indirect_dma source(%dma_start3A_299 : memref<10240x64xf32, #tpu.memory_space<hbm>>) target(%arg8 : memref<128x64xf32, #tpu.memory_space<vmem>>) offsets(%dma_start3A_296 : memref<128xi32, #tpu.memory_space<vmem>>) semaphore(%arg17 : memref<!tpu.dma_semaphore, #tpu.memory_space<semaphore_mem>>)
      %dma_wait3A_300 = arith.constant 0 : i32
      %dma_wait3A_301 = tpu.memref_slice %arg7[%add3A_181, %dma_wait3A_300] : memref<80x128xi32, #tpu.memory_space<vmem>> -> memref<1x128xi32, #tpu.memory_space<vmem>>
      %dma_wait3A_302 = tpu.memref_squeeze %dma_wait3A_301 : memref<1x128xi32, #tpu.memory_space<vmem>> -> memref<128xi32, #tpu.memory_space<vmem>>
      %dma_wait3A_303 = arith.constant 0 : i32
      %dma_wait3A_304 = arith.constant 0 : i32
      %dma_wait3A_305 = tpu.memref_slice %arg16[%dma_wait3A_303, %dma_wait3A_304] : memref<10240x64xf32, #tpu.memory_space<vmem_shared>> -> memref<10240x64xf32, #tpu.memory_space<vmem_shared>>
      tpu.wait_indirect_dma semaphore(%arg26 : memref<!tpu.dma_semaphore, #tpu.memory_space<semaphore_mem>>) src(%arg9 : memref<128x64xf32, #tpu.memory_space<vmem>>) dst(%dma_wait3A_305 : memref<10240x64xf32, #tpu.memory_space<vmem_shared>>)
      %add3A_306 = arith.constant 8 : i32
      %add3A_307 = arith.addi %mul3A_155, %add3A_306 : i32
      %add3A_308 = arith.constant 1 : i32
      %add3A_309 = arith.addi %add3A_307, %add3A_308 : i32
      %dma_start3A_310 = arith.constant 0 : i32
      %dma_start3A_311 = tpu.memref_slice %arg6[%add3A_309, %dma_start3A_310] : memref<88x128xi32, #tpu.memory_space<vmem>> -> memref<1x128xi32, #tpu.memory_space<vmem>>
      %dma_start3A_312 = tpu.memref_squeeze %dma_start3A_311 : memref<1x128xi32, #tpu.memory_space<vmem>> -> memref<128xi32, #tpu.memory_space<vmem>>
      %dma_start3A_313 = arith.constant 0 : i32
      %dma_start3A_314 = arith.constant 0 : i32
      %dma_start3A_315 = tpu.memref_slice %arg2[%dma_start3A_313, %dma_start3A_314] : memref<10240x64xf32, #tpu.memory_space<hbm>> -> memref<10240x64xf32, #tpu.memory_space<hbm>>
      tpu.enqueue_indirect_dma source(%dma_start3A_315 : memref<10240x64xf32, #tpu.memory_space<hbm>>) target(%arg9 : memref<128x64xf32, #tpu.memory_space<vmem>>) offsets(%dma_start3A_312 : memref<128xi32, #tpu.memory_space<vmem>>) semaphore(%arg18 : memref<!tpu.dma_semaphore, #tpu.memory_space<semaphore_mem>>)
      %dma_wait3A_316 = arith.constant 0 : i32
      %dma_wait3A_317 = tpu.memref_slice %arg7[%add3A_197, %dma_wait3A_316] : memref<80x128xi32, #tpu.memory_space<vmem>> -> memref<1x128xi32, #tpu.memory_space<vmem>>
      %dma_wait3A_318 = tpu.memref_squeeze %dma_wait3A_317 : memref<1x128xi32, #tpu.memory_space<vmem>> -> memref<128xi32, #tpu.memory_space<vmem>>
      %dma_wait3A_319 = arith.constant 0 : i32
      %dma_wait3A_320 = arith.constant 0 : i32
      %dma_wait3A_321 = tpu.memref_slice %arg16[%dma_wait3A_319, %dma_wait3A_320] : memref<10240x64xf32, #tpu.memory_space<vmem_shared>> -> memref<10240x64xf32, #tpu.memory_space<vmem_shared>>
      tpu.wait_indirect_dma semaphore(%arg27 : memref<!tpu.dma_semaphore, #tpu.memory_space<semaphore_mem>>) src(%arg10 : memref<128x64xf32, #tpu.memory_space<vmem>>) dst(%dma_wait3A_321 : memref<10240x64xf32, #tpu.memory_space<vmem_shared>>)
      %add3A_322 = arith.constant 8 : i32
      %add3A_323 = arith.addi %mul3A_155, %add3A_322 : i32
      %add3A_324 = arith.constant 2 : i32
      %add3A_325 = arith.addi %add3A_323, %add3A_324 : i32
      %dma_start3A_326 = arith.constant 0 : i32
      %dma_start3A_327 = tpu.memref_slice %arg6[%add3A_325, %dma_start3A_326] : memref<88x128xi32, #tpu.memory_space<vmem>> -> memref<1x128xi32, #tpu.memory_space<vmem>>
      %dma_start3A_328 = tpu.memref_squeeze %dma_start3A_327 : memref<1x128xi32, #tpu.memory_space<vmem>> -> memref<128xi32, #tpu.memory_space<vmem>>
      %dma_start3A_329 = arith.constant 0 : i32
      %dma_start3A_330 = arith.constant 0 : i32
      %dma_start3A_331 = tpu.memref_slice %arg2[%dma_start3A_329, %dma_start3A_330] : memref<10240x64xf32, #tpu.memory_space<hbm>> -> memref<10240x64xf32, #tpu.memory_space<hbm>>
      tpu.enqueue_indirect_dma source(%dma_start3A_331 : memref<10240x64xf32, #tpu.memory_space<hbm>>) target(%arg10 : memref<128x64xf32, #tpu.memory_space<vmem>>) offsets(%dma_start3A_328 : memref<128xi32, #tpu.memory_space<vmem>>) semaphore(%arg19 : memref<!tpu.dma_semaphore, #tpu.memory_space<semaphore_mem>>)
      %dma_wait3A_332 = arith.constant 0 : i32
      %dma_wait3A_333 = tpu.memref_slice %arg7[%add3A_213, %dma_wait3A_332] : memref<80x128xi32, #tpu.memory_space<vmem>> -> memref<1x128xi32, #tpu.memory_space<vmem>>
      %dma_wait3A_334 = tpu.memref_squeeze %dma_wait3A_333 : memref<1x128xi32, #tpu.memory_space<vmem>> -> memref<128xi32, #tpu.memory_space<vmem>>
      %dma_wait3A_335 = arith.constant 0 : i32
      %dma_wait3A_336 = arith.constant 0 : i32
      %dma_wait3A_337 = tpu.memref_slice %arg16[%dma_wait3A_335, %dma_wait3A_336] : memref<10240x64xf32, #tpu.memory_space<vmem_shared>> -> memref<10240x64xf32, #tpu.memory_space<vmem_shared>>
      tpu.wait_indirect_dma semaphore(%arg28 : memref<!tpu.dma_semaphore, #tpu.memory_space<semaphore_mem>>) src(%arg11 : memref<128x64xf32, #tpu.memory_space<vmem>>) dst(%dma_wait3A_337 : memref<10240x64xf32, #tpu.memory_space<vmem_shared>>)
      %add3A_338 = arith.constant 8 : i32
      %add3A_339 = arith.addi %mul3A_155, %add3A_338 : i32
      %add3A_340 = arith.constant 3 : i32
      %add3A_341 = arith.addi %add3A_339, %add3A_340 : i32
      %dma_start3A_342 = arith.constant 0 : i32
      %dma_start3A_343 = tpu.memref_slice %arg6[%add3A_341, %dma_start3A_342] : memref<88x128xi32, #tpu.memory_space<vmem>> -> memref<1x128xi32, #tpu.memory_space<vmem>>
      %dma_start3A_344 = tpu.memref_squeeze %dma_start3A_343 : memref<1x128xi32, #tpu.memory_space<vmem>> -> memref<128xi32, #tpu.memory_space<vmem>>
      %dma_start3A_345 = arith.constant 0 : i32
      %dma_start3A_346 = arith.constant 0 : i32
      %dma_start3A_347 = tpu.memref_slice %arg2[%dma_start3A_345, %dma_start3A_346] : memref<10240x64xf32, #tpu.memory_space<hbm>> -> memref<10240x64xf32, #tpu.memory_space<hbm>>
      tpu.enqueue_indirect_dma source(%dma_start3A_347 : memref<10240x64xf32, #tpu.memory_space<hbm>>) target(%arg11 : memref<128x64xf32, #tpu.memory_space<vmem>>) offsets(%dma_start3A_344 : memref<128xi32, #tpu.memory_space<vmem>>) semaphore(%arg20 : memref<!tpu.dma_semaphore, #tpu.memory_space<semaphore_mem>>)
      %dma_wait3A_348 = arith.constant 0 : i32
      %dma_wait3A_349 = tpu.memref_slice %arg7[%add3A_229, %dma_wait3A_348] : memref<80x128xi32, #tpu.memory_space<vmem>> -> memref<1x128xi32, #tpu.memory_space<vmem>>
      %dma_wait3A_350 = tpu.memref_squeeze %dma_wait3A_349 : memref<1x128xi32, #tpu.memory_space<vmem>> -> memref<128xi32, #tpu.memory_space<vmem>>
      %dma_wait3A_351 = arith.constant 0 : i32
      %dma_wait3A_352 = arith.constant 0 : i32
      %dma_wait3A_353 = tpu.memref_slice %arg16[%dma_wait3A_351, %dma_wait3A_352] : memref<10240x64xf32, #tpu.memory_space<vmem_shared>> -> memref<10240x64xf32, #tpu.memory_space<vmem_shared>>
      tpu.wait_indirect_dma semaphore(%arg29 : memref<!tpu.dma_semaphore, #tpu.memory_space<semaphore_mem>>) src(%arg12 : memref<128x64xf32, #tpu.memory_space<vmem>>) dst(%dma_wait3A_353 : memref<10240x64xf32, #tpu.memory_space<vmem_shared>>)
      %add3A_354 = arith.constant 8 : i32
      %add3A_355 = arith.addi %mul3A_155, %add3A_354 : i32
      %add3A_356 = arith.constant 4 : i32
      %add3A_357 = arith.addi %add3A_355, %add3A_356 : i32
      %dma_start3A_358 = arith.constant 0 : i32
      %dma_start3A_359 = tpu.memref_slice %arg6[%add3A_357, %dma_start3A_358] : memref<88x128xi32, #tpu.memory_space<vmem>> -> memref<1x128xi32, #tpu.memory_space<vmem>>
      %dma_start3A_360 = tpu.memref_squeeze %dma_start3A_359 : memref<1x128xi32, #tpu.memory_space<vmem>> -> memref<128xi32, #tpu.memory_space<vmem>>
      %dma_start3A_361 = arith.constant 0 : i32
      %dma_start3A_362 = arith.constant 0 : i32
      %dma_start3A_363 = tpu.memref_slice %arg2[%dma_start3A_361, %dma_start3A_362] : memref<10240x64xf32, #tpu.memory_space<hbm>> -> memref<10240x64xf32, #tpu.memory_space<hbm>>
      tpu.enqueue_indirect_dma source(%dma_start3A_363 : memref<10240x64xf32, #tpu.memory_space<hbm>>) target(%arg12 : memref<128x64xf32, #tpu.memory_space<vmem>>) offsets(%dma_start3A_360 : memref<128xi32, #tpu.memory_space<vmem>>) semaphore(%arg21 : memref<!tpu.dma_semaphore, #tpu.memory_space<semaphore_mem>>)
      %dma_wait3A_364 = arith.constant 0 : i32
      %dma_wait3A_365 = tpu.memref_slice %arg7[%add3A_245, %dma_wait3A_364] : memref<80x128xi32, #tpu.memory_space<vmem>> -> memref<1x128xi32, #tpu.memory_space<vmem>>
      %dma_wait3A_366 = tpu.memref_squeeze %dma_wait3A_365 : memref<1x128xi32, #tpu.memory_space<vmem>> -> memref<128xi32, #tpu.memory_space<vmem>>
      %dma_wait3A_367 = arith.constant 0 : i32
      %dma_wait3A_368 = arith.constant 0 : i32
      %dma_wait3A_369 = tpu.memref_slice %arg16[%dma_wait3A_367, %dma_wait3A_368] : memref<10240x64xf32, #tpu.memory_space<vmem_shared>> -> memref<10240x64xf32, #tpu.memory_space<vmem_shared>>
      tpu.wait_indirect_dma semaphore(%arg30 : memref<!tpu.dma_semaphore, #tpu.memory_space<semaphore_mem>>) src(%arg13 : memref<128x64xf32, #tpu.memory_space<vmem>>) dst(%dma_wait3A_369 : memref<10240x64xf32, #tpu.memory_space<vmem_shared>>)
      %add3A_370 = arith.constant 8 : i32
      %add3A_371 = arith.addi %mul3A_155, %add3A_370 : i32
      %add3A_372 = arith.constant 5 : i32
      %add3A_373 = arith.addi %add3A_371, %add3A_372 : i32
      %dma_start3A_374 = arith.constant 0 : i32
      %dma_start3A_375 = tpu.memref_slice %arg6[%add3A_373, %dma_start3A_374] : memref<88x128xi32, #tpu.memory_space<vmem>> -> memref<1x128xi32, #tpu.memory_space<vmem>>
      %dma_start3A_376 = tpu.memref_squeeze %dma_start3A_375 : memref<1x128xi32, #tpu.memory_space<vmem>> -> memref<128xi32, #tpu.memory_space<vmem>>
      %dma_start3A_377 = arith.constant 0 : i32
      %dma_start3A_378 = arith.constant 0 : i32
      %dma_start3A_379 = tpu.memref_slice %arg2[%dma_start3A_377, %dma_start3A_378] : memref<10240x64xf32, #tpu.memory_space<hbm>> -> memref<10240x64xf32, #tpu.memory_space<hbm>>
      tpu.enqueue_indirect_dma source(%dma_start3A_379 : memref<10240x64xf32, #tpu.memory_space<hbm>>) target(%arg13 : memref<128x64xf32, #tpu.memory_space<vmem>>) offsets(%dma_start3A_376 : memref<128xi32, #tpu.memory_space<vmem>>) semaphore(%arg22 : memref<!tpu.dma_semaphore, #tpu.memory_space<semaphore_mem>>)
      %dma_wait3A_380 = arith.constant 0 : i32
      %dma_wait3A_381 = tpu.memref_slice %arg7[%add3A_261, %dma_wait3A_380] : memref<80x128xi32, #tpu.memory_space<vmem>> -> memref<1x128xi32, #tpu.memory_space<vmem>>
      %dma_wait3A_382 = tpu.memref_squeeze %dma_wait3A_381 : memref<1x128xi32, #tpu.memory_space<vmem>> -> memref<128xi32, #tpu.memory_space<vmem>>
      %dma_wait3A_383 = arith.constant 0 : i32
      %dma_wait3A_384 = arith.constant 0 : i32
      %dma_wait3A_385 = tpu.memref_slice %arg16[%dma_wait3A_383, %dma_wait3A_384] : memref<10240x64xf32, #tpu.memory_space<vmem_shared>> -> memref<10240x64xf32, #tpu.memory_space<vmem_shared>>
      tpu.wait_indirect_dma semaphore(%arg31 : memref<!tpu.dma_semaphore, #tpu.memory_space<semaphore_mem>>) src(%arg14 : memref<128x64xf32, #tpu.memory_space<vmem>>) dst(%dma_wait3A_385 : memref<10240x64xf32, #tpu.memory_space<vmem_shared>>)
      %add3A_386 = arith.constant 8 : i32
      %add3A_387 = arith.addi %mul3A_155, %add3A_386 : i32
      %add3A_388 = arith.constant 6 : i32
      %add3A_389 = arith.addi %add3A_387, %add3A_388 : i32
      %dma_start3A_390 = arith.constant 0 : i32
      %dma_start3A_391 = tpu.memref_slice %arg6[%add3A_389, %dma_start3A_390] : memref<88x128xi32, #tpu.memory_space<vmem>> -> memref<1x128xi32, #tpu.memory_space<vmem>>
      %dma_start3A_392 = tpu.memref_squeeze %dma_start3A_391 : memref<1x128xi32, #tpu.memory_space<vmem>> -> memref<128xi32, #tpu.memory_space<vmem>>
      %dma_start3A_393 = arith.constant 0 : i32
      %dma_start3A_394 = arith.constant 0 : i32
      %dma_start3A_395 = tpu.memref_slice %arg2[%dma_start3A_393, %dma_start3A_394] : memref<10240x64xf32, #tpu.memory_space<hbm>> -> memref<10240x64xf32, #tpu.memory_space<hbm>>
      tpu.enqueue_indirect_dma source(%dma_start3A_395 : memref<10240x64xf32, #tpu.memory_space<hbm>>) target(%arg14 : memref<128x64xf32, #tpu.memory_space<vmem>>) offsets(%dma_start3A_392 : memref<128xi32, #tpu.memory_space<vmem>>) semaphore(%arg23 : memref<!tpu.dma_semaphore, #tpu.memory_space<semaphore_mem>>)
      %dma_wait3A_396 = arith.constant 0 : i32
      %dma_wait3A_397 = tpu.memref_slice %arg7[%add3A_277, %dma_wait3A_396] : memref<80x128xi32, #tpu.memory_space<vmem>> -> memref<1x128xi32, #tpu.memory_space<vmem>>
      %dma_wait3A_398 = tpu.memref_squeeze %dma_wait3A_397 : memref<1x128xi32, #tpu.memory_space<vmem>> -> memref<128xi32, #tpu.memory_space<vmem>>
      %dma_wait3A_399 = arith.constant 0 : i32
      %dma_wait3A_400 = arith.constant 0 : i32
      %dma_wait3A_401 = tpu.memref_slice %arg16[%dma_wait3A_399, %dma_wait3A_400] : memref<10240x64xf32, #tpu.memory_space<vmem_shared>> -> memref<10240x64xf32, #tpu.memory_space<vmem_shared>>
      tpu.wait_indirect_dma semaphore(%arg32 : memref<!tpu.dma_semaphore, #tpu.memory_space<semaphore_mem>>) src(%arg15 : memref<128x64xf32, #tpu.memory_space<vmem>>) dst(%dma_wait3A_401 : memref<10240x64xf32, #tpu.memory_space<vmem_shared>>)
      %add3A_402 = arith.constant 8 : i32
      %add3A_403 = arith.addi %mul3A_155, %add3A_402 : i32
      %add3A_404 = arith.constant 7 : i32
      %add3A_405 = arith.addi %add3A_403, %add3A_404 : i32
      %dma_start3A_406 = arith.constant 0 : i32
      %dma_start3A_407 = tpu.memref_slice %arg6[%add3A_405, %dma_start3A_406] : memref<88x128xi32, #tpu.memory_space<vmem>> -> memref<1x128xi32, #tpu.memory_space<vmem>>
      %dma_start3A_408 = tpu.memref_squeeze %dma_start3A_407 : memref<1x128xi32, #tpu.memory_space<vmem>> -> memref<128xi32, #tpu.memory_space<vmem>>
      %dma_start3A_409 = arith.constant 0 : i32
      %dma_start3A_410 = arith.constant 0 : i32
      %dma_start3A_411 = tpu.memref_slice %arg2[%dma_start3A_409, %dma_start3A_410] : memref<10240x64xf32, #tpu.memory_space<hbm>> -> memref<10240x64xf32, #tpu.memory_space<hbm>>
      tpu.enqueue_indirect_dma source(%dma_start3A_411 : memref<10240x64xf32, #tpu.memory_space<hbm>>) target(%arg15 : memref<128x64xf32, #tpu.memory_space<vmem>>) offsets(%dma_start3A_408 : memref<128xi32, #tpu.memory_space<vmem>>) semaphore(%arg24 : memref<!tpu.dma_semaphore, #tpu.memory_space<semaphore_mem>>)
    }
    %scan3A_92 = arith.constant 10 : i32
    %dma_wait3A = arith.constant 80 : i32
    %dma_wait3A_93 = arith.constant 0 : i32
    %dma_wait3A_94 = tpu.memref_slice %arg6[%dma_wait3A, %dma_wait3A_93] : memref<88x128xi32, #tpu.memory_space<vmem>> -> memref<1x128xi32, #tpu.memory_space<vmem>>
    %dma_wait3A_95 = tpu.memref_squeeze %dma_wait3A_94 : memref<1x128xi32, #tpu.memory_space<vmem>> -> memref<128xi32, #tpu.memory_space<vmem>>
    %dma_wait3A_96 = arith.constant 0 : i32
    %dma_wait3A_97 = arith.constant 0 : i32
    %dma_wait3A_98 = tpu.memref_slice %arg2[%dma_wait3A_96, %dma_wait3A_97] : memref<10240x64xf32, #tpu.memory_space<hbm>> -> memref<10240x64xf32, #tpu.memory_space<hbm>>
    tpu.wait_indirect_dma semaphore(%arg17 : memref<!tpu.dma_semaphore, #tpu.memory_space<semaphore_mem>>) src(%dma_wait3A_98 : memref<10240x64xf32, #tpu.memory_space<hbm>>) dst(%arg8 : memref<128x64xf32, #tpu.memory_space<vmem>>)
    %dma_wait3A_99 = arith.constant 81 : i32
    %dma_wait3A_100 = arith.constant 0 : i32
    %dma_wait3A_101 = tpu.memref_slice %arg6[%dma_wait3A_99, %dma_wait3A_100] : memref<88x128xi32, #tpu.memory_space<vmem>> -> memref<1x128xi32, #tpu.memory_space<vmem>>
    %dma_wait3A_102 = tpu.memref_squeeze %dma_wait3A_101 : memref<1x128xi32, #tpu.memory_space<vmem>> -> memref<128xi32, #tpu.memory_space<vmem>>
    %dma_wait3A_103 = arith.constant 0 : i32
    %dma_wait3A_104 = arith.constant 0 : i32
    %dma_wait3A_105 = tpu.memref_slice %arg2[%dma_wait3A_103, %dma_wait3A_104] : memref<10240x64xf32, #tpu.memory_space<hbm>> -> memref<10240x64xf32, #tpu.memory_space<hbm>>
    tpu.wait_indirect_dma semaphore(%arg18 : memref<!tpu.dma_semaphore, #tpu.memory_space<semaphore_mem>>) src(%dma_wait3A_105 : memref<10240x64xf32, #tpu.memory_space<hbm>>) dst(%arg9 : memref<128x64xf32, #tpu.memory_space<vmem>>)
    %dma_wait3A_106 = arith.constant 82 : i32
    %dma_wait3A_107 = arith.constant 0 : i32
    %dma_wait3A_108 = tpu.memref_slice %arg6[%dma_wait3A_106, %dma_wait3A_107] : memref<88x128xi32, #tpu.memory_space<vmem>> -> memref<1x128xi32, #tpu.memory_space<vmem>>
    %dma_wait3A_109 = tpu.memref_squeeze %dma_wait3A_108 : memref<1x128xi32, #tpu.memory_space<vmem>> -> memref<128xi32, #tpu.memory_space<vmem>>
    %dma_wait3A_110 = arith.constant 0 : i32
    %dma_wait3A_111 = arith.constant 0 : i32
    %dma_wait3A_112 = tpu.memref_slice %arg2[%dma_wait3A_110, %dma_wait3A_111] : memref<10240x64xf32, #tpu.memory_space<hbm>> -> memref<10240x64xf32, #tpu.memory_space<hbm>>
    tpu.wait_indirect_dma semaphore(%arg19 : memref<!tpu.dma_semaphore, #tpu.memory_space<semaphore_mem>>) src(%dma_wait3A_112 : memref<10240x64xf32, #tpu.memory_space<hbm>>) dst(%arg10 : memref<128x64xf32, #tpu.memory_space<vmem>>)
    %dma_wait3A_113 = arith.constant 83 : i32
    %dma_wait3A_114 = arith.constant 0 : i32
    %dma_wait3A_115 = tpu.memref_slice %arg6[%dma_wait3A_113, %dma_wait3A_114] : memref<88x128xi32, #tpu.memory_space<vmem>> -> memref<1x128xi32, #tpu.memory_space<vmem>>
    %dma_wait3A_116 = tpu.memref_squeeze %dma_wait3A_115 : memref<1x128xi32, #tpu.memory_space<vmem>> -> memref<128xi32, #tpu.memory_space<vmem>>
    %dma_wait3A_117 = arith.constant 0 : i32
    %dma_wait3A_118 = arith.constant 0 : i32
    %dma_wait3A_119 = tpu.memref_slice %arg2[%dma_wait3A_117, %dma_wait3A_118] : memref<10240x64xf32, #tpu.memory_space<hbm>> -> memref<10240x64xf32, #tpu.memory_space<hbm>>
    tpu.wait_indirect_dma semaphore(%arg20 : memref<!tpu.dma_semaphore, #tpu.memory_space<semaphore_mem>>) src(%dma_wait3A_119 : memref<10240x64xf32, #tpu.memory_space<hbm>>) dst(%arg11 : memref<128x64xf32, #tpu.memory_space<vmem>>)
    %dma_wait3A_120 = arith.constant 84 : i32
    %dma_wait3A_121 = arith.constant 0 : i32
    %dma_wait3A_122 = tpu.memref_slice %arg6[%dma_wait3A_120, %dma_wait3A_121] : memref<88x128xi32, #tpu.memory_space<vmem>> -> memref<1x128xi32, #tpu.memory_space<vmem>>
    %dma_wait3A_123 = tpu.memref_squeeze %dma_wait3A_122 : memref<1x128xi32, #tpu.memory_space<vmem>> -> memref<128xi32, #tpu.memory_space<vmem>>
    %dma_wait3A_124 = arith.constant 0 : i32
    %dma_wait3A_125 = arith.constant 0 : i32
    %dma_wait3A_126 = tpu.memref_slice %arg2[%dma_wait3A_124, %dma_wait3A_125] : memref<10240x64xf32, #tpu.memory_space<hbm>> -> memref<10240x64xf32, #tpu.memory_space<hbm>>
    tpu.wait_indirect_dma semaphore(%arg21 : memref<!tpu.dma_semaphore, #tpu.memory_space<semaphore_mem>>) src(%dma_wait3A_126 : memref<10240x64xf32, #tpu.memory_space<hbm>>) dst(%arg12 : memref<128x64xf32, #tpu.memory_space<vmem>>)
    %dma_wait3A_127 = arith.constant 85 : i32
    %dma_wait3A_128 = arith.constant 0 : i32
    %dma_wait3A_129 = tpu.memref_slice %arg6[%dma_wait3A_127, %dma_wait3A_128] : memref<88x128xi32, #tpu.memory_space<vmem>> -> memref<1x128xi32, #tpu.memory_space<vmem>>
    %dma_wait3A_130 = tpu.memref_squeeze %dma_wait3A_129 : memref<1x128xi32, #tpu.memory_space<vmem>> -> memref<128xi32, #tpu.memory_space<vmem>>
    %dma_wait3A_131 = arith.constant 0 : i32
    %dma_wait3A_132 = arith.constant 0 : i32
    %dma_wait3A_133 = tpu.memref_slice %arg2[%dma_wait3A_131, %dma_wait3A_132] : memref<10240x64xf32, #tpu.memory_space<hbm>> -> memref<10240x64xf32, #tpu.memory_space<hbm>>
    tpu.wait_indirect_dma semaphore(%arg22 : memref<!tpu.dma_semaphore, #tpu.memory_space<semaphore_mem>>) src(%dma_wait3A_133 : memref<10240x64xf32, #tpu.memory_space<hbm>>) dst(%arg13 : memref<128x64xf32, #tpu.memory_space<vmem>>)
    %dma_wait3A_134 = arith.constant 86 : i32
    %dma_wait3A_135 = arith.constant 0 : i32
    %dma_wait3A_136 = tpu.memref_slice %arg6[%dma_wait3A_134, %dma_wait3A_135] : memref<88x128xi32, #tpu.memory_space<vmem>> -> memref<1x128xi32, #tpu.memory_space<vmem>>
    %dma_wait3A_137 = tpu.memref_squeeze %dma_wait3A_136 : memref<1x128xi32, #tpu.memory_space<vmem>> -> memref<128xi32, #tpu.memory_space<vmem>>
    %dma_wait3A_138 = arith.constant 0 : i32
    %dma_wait3A_139 = arith.constant 0 : i32
    %dma_wait3A_140 = tpu.memref_slice %arg2[%dma_wait3A_138, %dma_wait3A_139] : memref<10240x64xf32, #tpu.memory_space<hbm>> -> memref<10240x64xf32, #tpu.memory_space<hbm>>
    tpu.wait_indirect_dma semaphore(%arg23 : memref<!tpu.dma_semaphore, #tpu.memory_space<semaphore_mem>>) src(%dma_wait3A_140 : memref<10240x64xf32, #tpu.memory_space<hbm>>) dst(%arg14 : memref<128x64xf32, #tpu.memory_space<vmem>>)
    %dma_wait3A_141 = arith.constant 87 : i32
    %dma_wait3A_142 = arith.constant 0 : i32
    %dma_wait3A_143 = tpu.memref_slice %arg6[%dma_wait3A_141, %dma_wait3A_142] : memref<88x128xi32, #tpu.memory_space<vmem>> -> memref<1x128xi32, #tpu.memory_space<vmem>>
    %dma_wait3A_144 = tpu.memref_squeeze %dma_wait3A_143 : memref<1x128xi32, #tpu.memory_space<vmem>> -> memref<128xi32, #tpu.memory_space<vmem>>
    %dma_wait3A_145 = arith.constant 0 : i32
    %dma_wait3A_146 = arith.constant 0 : i32
    %dma_wait3A_147 = tpu.memref_slice %arg2[%dma_wait3A_145, %dma_wait3A_146] : memref<10240x64xf32, #tpu.memory_space<hbm>> -> memref<10240x64xf32, #tpu.memory_space<hbm>>
    tpu.wait_indirect_dma semaphore(%arg24 : memref<!tpu.dma_semaphore, #tpu.memory_space<semaphore_mem>>) src(%dma_wait3A_147 : memref<10240x64xf32, #tpu.memory_space<hbm>>) dst(%arg15 : memref<128x64xf32, #tpu.memory_space<vmem>>)
    %barrier3A_148 = arith.constant 0 : index
    tpu.barrier barrier_id(%barrier3A_148)
    %mul3A_149 = arith.constant 640 : i32
    %mul3A_150 = arith.muli %arg1, %mul3A_149 : i32
    %mul3A_151 = arith.constant 640 : i32
    %mul3A_152 = arith.muli %arg1, %mul3A_151 : i32
    "tpu.region"() ({
      %run_scoped3A = tpu.sem_alloc : memref<!tpu.dma_semaphore, #tpu.memory_space<semaphore_mem>>
      %dma_start3A_153 = arith.constant 0 : i32
      %dma_start3A_154 = tpu.memref_slice %arg5[%arg0, %mul3A_152, %dma_start3A_153] : memref<2x10240x64xf32, #tpu.memory_space<hbm>> -> memref<1x640x64xf32, #tpu.memory_space<hbm>>
      %dma_start3A_155 = tpu.memref_squeeze %dma_start3A_154 : memref<1x640x64xf32, #tpu.memory_space<hbm>> -> memref<640x64xf32, #tpu.memory_space<hbm>>
      %dma_start3A_156 = arith.constant 0 : i32
      %dma_start3A_157 = tpu.memref_slice %arg16[%mul3A_150, %dma_start3A_156] : memref<10240x64xf32, #tpu.memory_space<vmem_shared>> -> memref<640x64xf32, #tpu.memory_space<vmem_shared>>
      tpu.enqueue_dma source(%dma_start3A_157 : memref<640x64xf32, #tpu.memory_space<vmem_shared>>) target(%dma_start3A_155 : memref<640x64xf32, #tpu.memory_space<hbm>>) target_semaphore(%run_scoped3A : memref<!tpu.dma_semaphore, #tpu.memory_space<semaphore_mem>>)
      %dma_wait3A_158 = arith.constant 0 : i32
      %dma_wait3A_159 = tpu.memref_slice %arg5[%arg0, %mul3A_152, %dma_wait3A_158] : memref<2x10240x64xf32, #tpu.memory_space<hbm>> -> memref<1x640x64xf32, #tpu.memory_space<hbm>>
      %dma_wait3A_160 = tpu.memref_squeeze %dma_wait3A_159 : memref<1x640x64xf32, #tpu.memory_space<hbm>> -> memref<640x64xf32, #tpu.memory_space<hbm>>
      %dma_wait3A_161 = arith.constant 0 : i32
      %dma_wait3A_162 = tpu.memref_slice %arg16[%mul3A_150, %dma_wait3A_161] : memref<10240x64xf32, #tpu.memory_space<vmem_shared>> -> memref<640x64xf32, #tpu.memory_space<vmem_shared>>
      tpu.wait_dma2 semaphore(%run_scoped3A : memref<!tpu.dma_semaphore, #tpu.memory_space<semaphore_mem>>) src(%dma_wait3A_162 : memref<640x64xf32, #tpu.memory_space<vmem_shared>>) dst(%dma_wait3A_160 : memref<640x64xf32, #tpu.memory_space<hbm>>)
      tpu.yield
    }) : () -> ()
    return
  }
}

module attributes {stable_mosaic.version = 14 : i64} {
  func.func @_tc_lin1(%arg0: memref<5120x256xf32, #tpu.memory_space<vmem>>, %arg1: memref<256x128xf32, #tpu.memory_space<vmem>>, %arg2: memref<5120x128xf32, #tpu.memory_space<vmem>>) attributes {dimension_semantics = [], scalar_prefetch = 0 : i64, scratch_operands = 0 : i64, tpu.core_type = #tpu.core_type<tc>} {
    %get3A = arith.constant 0 : index
    %get3A_0 = arith.constant 0 : index
    %get3A_1 = vector.load %arg0[%get3A, %get3A_0] : memref<5120x256xf32, #tpu.memory_space<vmem>>, vector<5120x256xf32>
    %get3A_2 = arith.constant 0 : index
    %get3A_3 = arith.constant 0 : index
    %get3A_4 = vector.load %arg1[%get3A_2, %get3A_3] : memref<256x128xf32, #tpu.memory_space<vmem>>, vector<256x128xf32>
    %dot_general3A = arith.constant dense<0.000000e+00> : vector<5120x128xf32>
    %dot_general3A_5 = tpu.matmul %get3A_1, %get3A_4, %dot_general3A {dimension_numbers = #tpu.dot_dimension_numbers<[1], [0], [0], [1], [0, 0, 1, 1], [], []>, transpose_lhs_hint = false} : vector<5120x256xf32>, vector<256x128xf32>, vector<5120x128xf32> -> vector<5120x128xf32>
    %swap3A = arith.constant 0 : index
    %swap3A_6 = arith.constant 0 : index
    %swap3A_7 = vector.load %arg2[%swap3A, %swap3A_6] : memref<5120x128xf32, #tpu.memory_space<vmem>>, vector<5120x128xf32>
    tpu.vector_store %arg2[%swap3A, %swap3A_6], %dot_general3A_5 {strides = array<i32>} : memref<5120x128xf32, #tpu.memory_space<vmem>>, vector<5120x128xf32>,
    return
  }
}

module attributes {stable_mosaic.version = 14 : i64} {
  func.func @_tc_scale(%arg0: memref<5120x128xf32, #tpu.memory_space<vmem>>, %arg1: memref<5120x128xf32, #tpu.memory_space<vmem>>, %arg2: memref<5120x128xf32, #tpu.memory_space<vmem>>) attributes {dimension_semantics = [], scalar_prefetch = 0 : i64, scratch_operands = 0 : i64, tpu.core_type = #tpu.core_type<tc>} {
    %get3A = arith.constant 0 : index
    %get3A_0 = arith.constant 0 : index
    %get3A_1 = vector.load %arg1[%get3A, %get3A_0] : memref<5120x128xf32, #tpu.memory_space<vmem>>, vector<5120x128xf32>
    %get3A_2 = arith.constant 0 : index
    %get3A_3 = arith.constant 0 : index
    %get3A_4 = vector.load %arg0[%get3A_2, %get3A_3] : memref<5120x128xf32, #tpu.memory_space<vmem>>, vector<5120x128xf32>
    %add3A = arith.constant 1.000000e+00 : f32
    %add3A_5 = vector.broadcast %add3A : f32 to vector<5120x128xf32>
    %add3A_6 = arith.addf %get3A_4, %add3A_5 : vector<5120x128xf32>
    %rsqrt3A = math.rsqrt %add3A_6 : vector<5120x128xf32>
    %mul3A = arith.mulf %get3A_1, %rsqrt3A : vector<5120x128xf32>
    %swap3A = arith.constant 0 : index
    %swap3A_7 = arith.constant 0 : index
    %swap3A_8 = vector.load %arg2[%swap3A, %swap3A_7] : memref<5120x128xf32, #tpu.memory_space<vmem>>, vector<5120x128xf32>
    tpu.vector_store %arg2[%swap3A, %swap3A_7], %mul3A {strides = array<i32>} : memref<5120x128xf32, #tpu.memory_space<vmem>>, vector<5120x128xf32>,
    return
  }
}

module attributes {stable_mosaic.version = 14 : i64} {
  func.func @_tc_mid(%arg0: memref<2x5120x128xf32, #tpu.memory_space<vmem>>, %arg1: memref<5120x128xf32, #tpu.memory_space<vmem>>, %arg2: memref<5120x128xf32, #tpu.memory_space<vmem>>, %arg3: memref<1x128xf32, #tpu.memory_space<vmem>>, %arg4: memref<1x128xf32, #tpu.memory_space<vmem>>, %arg5: memref<1x128xf32, #tpu.memory_space<vmem>>, %arg6: memref<1x128xf32, #tpu.memory_space<vmem>>, %arg7: memref<1x128xf32, #tpu.memory_space<vmem>>, %arg8: memref<128x128xf32, #tpu.memory_space<vmem>>, %arg9: memref<5120x128xf32, #tpu.memory_space<vmem>>) attributes {dimension_semantics = [], scalar_prefetch = 0 : i64, scratch_operands = 0 : i64, tpu.core_type = #tpu.core_type<tc>} {
    %get3A = arith.constant 0 : index
    %get3A_0 = arith.constant 0 : index
    %get3A_1 = vector.load %arg2[%get3A, %get3A_0] : memref<5120x128xf32, #tpu.memory_space<vmem>>, vector<5120x128xf32>
    %add3A = arith.constant 1.000000e+00 : f32
    %add3A_2 = vector.broadcast %add3A : f32 to vector<5120x128xf32>
    %add3A_3 = arith.addf %get3A_1, %add3A_2 : vector<5120x128xf32>
    %rsqrt3A = math.rsqrt %add3A_3 : vector<5120x128xf32>
    %get3A_4 = arith.constant 0 : index
    %get3A_5 = arith.constant 0 : index
    %get3A_6 = arith.constant 0 : index
    %get3A_7 = vector.load %arg0[%get3A_4, %get3A_5, %get3A_6] : memref<2x5120x128xf32, #tpu.memory_space<vmem>>, vector<1x5120x128xf32>
    %get3A_8 = vector.shape_cast %get3A_7 : vector<1x5120x128xf32> to vector<5120x128xf32>
    %get3A_9 = arith.constant 1 : index
    %get3A_10 = arith.constant 0 : index
    %get3A_11 = arith.constant 0 : index
    %get3A_12 = vector.load %arg0[%get3A_9, %get3A_10, %get3A_11] : memref<2x5120x128xf32, #tpu.memory_space<vmem>>, vector<1x5120x128xf32>
    %get3A_13 = vector.shape_cast %get3A_12 : vector<1x5120x128xf32> to vector<5120x128xf32>
    %add3A_14 = arith.addf %get3A_8, %get3A_13 : vector<5120x128xf32>
    %get3A_15 = arith.constant 0 : index
    %get3A_16 = arith.constant 0 : index
    %get3A_17 = vector.load %arg1[%get3A_15, %get3A_16] : memref<5120x128xf32, #tpu.memory_space<vmem>>, vector<5120x128xf32>
    %add3A_18 = arith.addf %add3A_14, %get3A_17 : vector<5120x128xf32>
    %mul3A = arith.mulf %rsqrt3A, %add3A_18 : vector<5120x128xf32>
    %get3A_19 = arith.constant 0 : index
    %get3A_20 = arith.constant 0 : index
    %get3A_21 = vector.load %arg3[%get3A_19, %get3A_20] : memref<1x128xf32, #tpu.memory_space<vmem>>, vector<1x128xf32>
    %add3A_22 = vector.broadcast %get3A_21 : vector<1x128xf32> to vector<5120x128xf32>
    %add3A_23 = arith.addf %mul3A, %add3A_22 : vector<5120x128xf32>
    %get3A_24 = arith.constant 0 : index
    %get3A_25 = arith.constant 0 : index
    %get3A_26 = vector.load %arg4[%get3A_24, %get3A_25] : memref<1x128xf32, #tpu.memory_space<vmem>>, vector<1x128xf32>
    %get3A_27 = arith.constant 0 : index
    %get3A_28 = arith.constant 0 : index
    %get3A_29 = vector.load %arg7[%get3A_27, %get3A_28] : memref<1x128xf32, #tpu.memory_space<vmem>>, vector<1x128xf32>
    %add3A_30 = arith.constant 9.99999974E-6 : f32
    %add3A_31 = vector.broadcast %add3A_30 : f32 to vector<1x128xf32>
    %add3A_32 = arith.addf %get3A_29, %add3A_31 : vector<1x128xf32>
    %rsqrt3A_33 = math.rsqrt %add3A_32 : vector<1x128xf32>
    %mul3A_34 = arith.mulf %get3A_26, %rsqrt3A_33 : vector<1x128xf32>
    %get3A_35 = arith.constant 0 : index
    %get3A_36 = arith.constant 0 : index
    %get3A_37 = vector.load %arg6[%get3A_35, %get3A_36] : memref<1x128xf32, #tpu.memory_space<vmem>>, vector<1x128xf32>
    %sub3A = vector.broadcast %get3A_37 : vector<1x128xf32> to vector<5120x128xf32>
    %sub3A_38 = arith.subf %add3A_23, %sub3A : vector<5120x128xf32>
    %mul3A_39 = vector.broadcast %mul3A_34 : vector<1x128xf32> to vector<5120x128xf32>
    %mul3A_40 = arith.mulf %sub3A_38, %mul3A_39 : vector<5120x128xf32>
    %get3A_41 = arith.constant 0 : index
    %get3A_42 = arith.constant 0 : index
    %get3A_43 = vector.load %arg5[%get3A_41, %get3A_42] : memref<1x128xf32, #tpu.memory_space<vmem>>, vector<1x128xf32>
    %add3A_44 = vector.broadcast %get3A_43 : vector<1x128xf32> to vector<5120x128xf32>
    %add3A_45 = arith.addf %mul3A_40, %add3A_44 : vector<5120x128xf32>
    %max3A = arith.constant 0.000000e+00 : f32
    %max3A_46 = vector.broadcast %max3A : f32 to vector<5120x128xf32>
    %max3A_47 = arith.maximumf %add3A_45, %max3A_46 : vector<5120x128xf32>
    %get3A_48 = arith.constant 0 : index
    %get3A_49 = arith.constant 0 : index
    %get3A_50 = vector.load %arg8[%get3A_48, %get3A_49] : memref<128x128xf32, #tpu.memory_space<vmem>>, vector<128x128xf32>
    %dot_general3A = arith.constant dense<0.000000e+00> : vector<5120x128xf32>
    %dot_general3A_51 = tpu.matmul %max3A_47, %get3A_50, %dot_general3A {dimension_numbers = #tpu.dot_dimension_numbers<[1], [0], [0], [1], [0, 0, 1, 1], [], []>, transpose_lhs_hint = false} : vector<5120x128xf32>, vector<128x128xf32>, vector<5120x128xf32> -> vector<5120x128xf32>
    %mul3A_52 = arith.mulf %dot_general3A_51, %rsqrt3A : vector<5120x128xf32>
    %swap3A = arith.constant 0 : index
    %swap3A_53 = arith.constant 0 : index
    %swap3A_54 = vector.load %arg9[%swap3A, %swap3A_53] : memref<5120x128xf32, #tpu.memory_space<vmem>>, vector<5120x128xf32>
    tpu.vector_store %arg9[%swap3A, %swap3A_53], %mul3A_52 {strides = array<i32>} : memref<5120x128xf32, #tpu.memory_space<vmem>>, vector<5120x128xf32>,
    return
  }
}

module attributes {stable_mosaic.version = 14 : i64} {
  func.func @_tc_head(%arg0: memref<2x5120x128xf32, #tpu.memory_space<vmem>>, %arg1: memref<5120x128xf32, #tpu.memory_space<vmem>>, %arg2: memref<5120x128xf32, #tpu.memory_space<vmem>>, %arg3: memref<1x128xf32, #tpu.memory_space<vmem>>, %arg4: memref<1x128xf32, #tpu.memory_space<vmem>>, %arg5: memref<1x128xf32, #tpu.memory_space<vmem>>, %arg6: memref<1x128xf32, #tpu.memory_space<vmem>>, %arg7: memref<1x128xf32, #tpu.memory_space<vmem>>, %arg8: memref<1x5120xi32, #tpu.memory_space<vmem>>, %arg9: memref<1x5120xi32, #tpu.memory_space<vmem>>, %arg10: memref<64x32xf32, #tpu.memory_space<vmem>>, %arg11: memref<1x32xf32, #tpu.memory_space<vmem>>, %arg12: memref<32x1xf32, #tpu.memory_space<vmem>>, %arg13: memref<1x1xf32, #tpu.memory_space<vmem>>, %arg14: memref<64x1xf32, #tpu.memory_space<vmem>>) attributes {dimension_semantics = [], scalar_prefetch = 0 : i64, scratch_operands = 0 : i64, tpu.core_type = #tpu.core_type<tc>} {
    %get3A = arith.constant 0 : index
    %get3A_0 = arith.constant 0 : index
    %get3A_1 = vector.load %arg2[%get3A, %get3A_0] : memref<5120x128xf32, #tpu.memory_space<vmem>>, vector<5120x128xf32>
    %add3A = arith.constant 1.000000e+00 : f32
    %add3A_2 = vector.broadcast %add3A : f32 to vector<5120x128xf32>
    %add3A_3 = arith.addf %get3A_1, %add3A_2 : vector<5120x128xf32>
    %rsqrt3A = math.rsqrt %add3A_3 : vector<5120x128xf32>
    %get3A_4 = arith.constant 0 : index
    %get3A_5 = arith.constant 0 : index
    %get3A_6 = arith.constant 0 : index
    %get3A_7 = vector.load %arg0[%get3A_4, %get3A_5, %get3A_6] : memref<2x5120x128xf32, #tpu.memory_space<vmem>>, vector<1x5120x128xf32>
    %get3A_8 = vector.shape_cast %get3A_7 : vector<1x5120x128xf32> to vector<5120x128xf32>
    %get3A_9 = arith.constant 1 : index
    %get3A_10 = arith.constant 0 : index
    %get3A_11 = arith.constant 0 : index
    %get3A_12 = vector.load %arg0[%get3A_9, %get3A_10, %get3A_11] : memref<2x5120x128xf32, #tpu.memory_space<vmem>>, vector<1x5120x128xf32>
    %get3A_13 = vector.shape_cast %get3A_12 : vector<1x5120x128xf32> to vector<5120x128xf32>
    %add3A_14 = arith.addf %get3A_8, %get3A_13 : vector<5120x128xf32>
    %get3A_15 = arith.constant 0 : index
    %get3A_16 = arith.constant 0 : index
    %get3A_17 = vector.load %arg1[%get3A_15, %get3A_16] : memref<5120x128xf32, #tpu.memory_space<vmem>>, vector<5120x128xf32>
    %add3A_18 = arith.addf %add3A_14, %get3A_17 : vector<5120x128xf32>
    %mul3A = arith.mulf %rsqrt3A, %add3A_18 : vector<5120x128xf32>
    %get3A_19 = arith.constant 0 : index
    %get3A_20 = arith.constant 0 : index
    %get3A_21 = vector.load %arg3[%get3A_19, %get3A_20] : memref<1x128xf32, #tpu.memory_space<vmem>>, vector<1x128xf32>
    %add3A_22 = vector.broadcast %get3A_21 : vector<1x128xf32> to vector<5120x128xf32>
    %add3A_23 = arith.addf %mul3A, %add3A_22 : vector<5120x128xf32>
    %get3A_24 = arith.constant 0 : index
    %get3A_25 = arith.constant 0 : index
    %get3A_26 = vector.load %arg4[%get3A_24, %get3A_25] : memref<1x128xf32, #tpu.memory_space<vmem>>, vector<1x128xf32>
    %get3A_27 = arith.constant 0 : index
    %get3A_28 = arith.constant 0 : index
    %get3A_29 = vector.load %arg7[%get3A_27, %get3A_28] : memref<1x128xf32, #tpu.memory_space<vmem>>, vector<1x128xf32>
    %add3A_30 = arith.constant 9.99999974E-6 : f32
    %add3A_31 = vector.broadcast %add3A_30 : f32 to vector<1x128xf32>
    %add3A_32 = arith.addf %get3A_29, %add3A_31 : vector<1x128xf32>
    %rsqrt3A_33 = math.rsqrt %add3A_32 : vector<1x128xf32>
    %mul3A_34 = arith.mulf %get3A_26, %rsqrt3A_33 : vector<1x128xf32>
    %get3A_35 = arith.constant 0 : index
    %get3A_36 = arith.constant 0 : index
    %get3A_37 = vector.load %arg6[%get3A_35, %get3A_36] : memref<1x128xf32, #tpu.memory_space<vmem>>, vector<1x128xf32>
    %sub3A = vector.broadcast %get3A_37 : vector<1x128xf32> to vector<5120x128xf32>
    %sub3A_38 = arith.subf %add3A_23, %sub3A : vector<5120x128xf32>
    %mul3A_39 = vector.broadcast %mul3A_34 : vector<1x128xf32> to vector<5120x128xf32>
    %mul3A_40 = arith.mulf %sub3A_38, %mul3A_39 : vector<5120x128xf32>
    %get3A_41 = arith.constant 0 : index
    %get3A_42 = arith.constant 0 : index
    %get3A_43 = vector.load %arg5[%get3A_41, %get3A_42] : memref<1x128xf32, #tpu.memory_space<vmem>>, vector<1x128xf32>
    %add3A_44 = vector.broadcast %get3A_43 : vector<1x128xf32> to vector<5120x128xf32>
    %add3A_45 = arith.addf %mul3A_40, %add3A_44 : vector<5120x128xf32>
    %max3A = arith.constant 0.000000e+00 : f32
    %max3A_46 = vector.broadcast %max3A : f32 to vector<5120x128xf32>
    %max3A_47 = arith.maximumf %add3A_45, %max3A_46 : vector<5120x128xf32>
    %iota3A = tpu.iota {dimensions = array<i32: 0>} : vector<64x5120xi32>
    %get3A_48 = arith.constant 0 : index
    %get3A_49 = arith.constant 0 : index
    %get3A_50 = vector.load %arg8[%get3A_48, %get3A_49] : memref<1x5120xi32, #tpu.memory_space<vmem>>, vector<1x5120xi32>
    %eq3A = vector.broadcast %get3A_50 : vector<1x5120xi32> to vector<64x5120xi32>
    %eq3A_51 = arith.cmpi eq, %iota3A, %eq3A : vector<64x5120xi32>
    %convert_element_type3A = arith.extui %eq3A_51 : vector<64x5120xi1> to vector<64x5120xi32>
    %convert_element_type3A_52 = arith.sitofp %convert_element_type3A : vector<64x5120xi32> to vector<64x5120xf32>
    %get3A_53 = arith.constant 0 : index
    %get3A_54 = arith.constant 0 : index
    %get3A_55 = vector.load %arg9[%get3A_53, %get3A_54] : memref<1x5120xi32, #tpu.memory_space<vmem>>, vector<1x5120xi32>
    %eq3A_56 = vector.broadcast %get3A_55 : vector<1x5120xi32> to vector<64x5120xi32>
    %eq3A_57 = arith.cmpi eq, %iota3A, %eq3A_56 : vector<64x5120xi32>
    %convert_element_type3A_58 = arith.extui %eq3A_57 : vector<64x5120xi1> to vector<64x5120xi32>
    %convert_element_type3A_59 = arith.sitofp %convert_element_type3A_58 : vector<64x5120xi32> to vector<64x5120xf32>
    %slice3A = vector.extract_strided_slice %max3A_47 {offsets = [0, 0], sizes = [5120, 64], strides = [1, 1]} : vector<5120x128xf32> to vector<5120x64xf32>
    %dot_general3A = arith.constant dense<0.000000e+00> : vector<64x64xf32>
    %dot_general3A_60 = tpu.matmul %convert_element_type3A_52, %slice3A, %dot_general3A {dimension_numbers = #tpu.dot_dimension_numbers<[1], [0], [0], [1], [0, 0, 1, 1], [], []>, transpose_lhs_hint = false} : vector<64x5120xf32>, vector<5120x64xf32>, vector<64x64xf32> -> vector<64x64xf32>
    %slice3A_61 = vector.extract_strided_slice %max3A_47 {offsets = [0, 64], sizes = [5120, 64], strides = [1, 1]} : vector<5120x128xf32> to vector<5120x64xf32>
    %dot_general3A_62 = arith.constant dense<0.000000e+00> : vector<64x64xf32>
    %dot_general3A_63 = tpu.matmul %convert_element_type3A_59, %slice3A_61, %dot_general3A_62 {dimension_numbers = #tpu.dot_dimension_numbers<[1], [0], [0], [1], [0, 0, 1, 1], [], []>, transpose_lhs_hint = false} : vector<64x5120xf32>, vector<5120x64xf32>, vector<64x64xf32> -> vector<64x64xf32>
    %add3A_64 = arith.addf %dot_general3A_60, %dot_general3A_63 : vector<64x64xf32>
    %broadcast_in_dim3A = arith.constant 1.000000e+00 : f32
    %broadcast_in_dim3A_65 = vector.broadcast %broadcast_in_dim3A : f32 to vector<5120x1xf32>
    %dot_general3A_66 = arith.constant dense<0.000000e+00> : vector<64x1xf32>
    %dot_general3A_67 = tpu.matmul %convert_element_type3A_52, %broadcast_in_dim3A_65, %dot_general3A_66 {dimension_numbers = #tpu.dot_dimension_numbers<[1], [0], [0], [1], [0, 0, 1, 1], [], []>, transpose_lhs_hint = false} : vector<64x5120xf32>, vector<5120x1xf32>, vector<64x1xf32> -> vector<64x1xf32>
    %dot_general3A_68 = arith.constant dense<0.000000e+00> : vector<64x1xf32>
    %dot_general3A_69 = tpu.matmul %convert_element_type3A_59, %broadcast_in_dim3A_65, %dot_general3A_68 {dimension_numbers = #tpu.dot_dimension_numbers<[1], [0], [0], [1], [0, 0, 1, 1], [], []>, transpose_lhs_hint = false} : vector<64x5120xf32>, vector<5120x1xf32>, vector<64x1xf32> -> vector<64x1xf32>
    %add3A_70 = arith.addf %dot_general3A_67, %dot_general3A_69 : vector<64x1xf32>
    %max3A_71 = arith.constant 1.000000e+00 : f32
    %max3A_72 = vector.broadcast %max3A_71 : f32 to vector<64x1xf32>
    %max3A_73 = arith.maximumf %add3A_70, %max3A_72 : vector<64x1xf32>
    %div3A = vector.broadcast %max3A_73 : vector<64x1xf32> to vector<64x64xf32>
    %div3A_74 = arith.divf %add3A_64, %div3A : vector<64x64xf32>
    %get3A_75 = arith.constant 0 : index
    %get3A_76 = arith.constant 0 : index
    %get3A_77 = vector.load %arg10[%get3A_75, %get3A_76] : memref<64x32xf32, #tpu.memory_space<vmem>>, vector<64x32xf32>
    %dot_general3A_78 = arith.constant dense<0.000000e+00> : vector<64x32xf32>
    %dot_general3A_79 = tpu.matmul %div3A_74, %get3A_77, %dot_general3A_78 {dimension_numbers = #tpu.dot_dimension_numbers<[1], [0], [0], [1], [0, 0, 1, 1], [], []>, transpose_lhs_hint = false} : vector<64x64xf32>, vector<64x32xf32>, vector<64x32xf32> -> vector<64x32xf32>
    %get3A_80 = arith.constant 0 : index
    %get3A_81 = arith.constant 0 : index
    %get3A_82 = vector.load %arg11[%get3A_80, %get3A_81] : memref<1x32xf32, #tpu.memory_space<vmem>>, vector<1x32xf32>
    %add3A_83 = vector.broadcast %get3A_82 : vector<1x32xf32> to vector<64x32xf32>
    %add3A_84 = arith.addf %dot_general3A_79, %add3A_83 : vector<64x32xf32>
    %max3A_85 = arith.constant 0.000000e+00 : f32
    %max3A_86 = vector.broadcast %max3A_85 : f32 to vector<64x32xf32>
    %max3A_87 = arith.maximumf %add3A_84, %max3A_86 : vector<64x32xf32>
    %get3A_88 = arith.constant 0 : index
    %get3A_89 = arith.constant 0 : index
    %get3A_90 = vector.load %arg12[%get3A_88, %get3A_89] : memref<32x1xf32, #tpu.memory_space<vmem>>, vector<32x1xf32>
    %dot_general3A_91 = arith.constant dense<0.000000e+00> : vector<64x1xf32>
    %dot_general3A_92 = tpu.matmul %max3A_87, %get3A_90, %dot_general3A_91 {dimension_numbers = #tpu.dot_dimension_numbers<[1], [0], [0], [1], [0, 0, 1, 1], [], []>, transpose_lhs_hint = false} : vector<64x32xf32>, vector<32x1xf32>, vector<64x1xf32> -> vector<64x1xf32>
    %get3A_93 = arith.constant 0 : index
    %get3A_94 = arith.constant 0 : index
    %get3A_95 = vector.load %arg13[%get3A_93, %get3A_94] : memref<1x1xf32, #tpu.memory_space<vmem>>, vector<1x1xf32>
    %add3A_96 = vector.broadcast %get3A_95 : vector<1x1xf32> to vector<64x1xf32>
    %add3A_97 = arith.addf %dot_general3A_92, %add3A_96 : vector<64x1xf32>
    %swap3A = arith.constant 0 : index
    %swap3A_98 = arith.constant 0 : index
    %swap3A_99 = vector.load %arg14[%swap3A, %swap3A_98] : memref<64x1xf32, #tpu.memory_space<vmem>>, vector<64x1xf32>
    tpu.vector_store %arg14[%swap3A, %swap3A_98], %add3A_97 {strides = array<i32>} : memref<64x1xf32, #tpu.memory_space<vmem>>, vector<64x1xf32>,
    return
  }
}

</mosaic_0001>

<sc_bundles>
// kernel: kernel.12.cloned.1.call-start
scs
__scs_entry_jumppad:
0x0: {  	(pc) =	sbr.rel $0x88, $3  }
0x1: {  	(tag) =	ssettag $0x0;
	lr =	simm.s32 $0x1  }
0x2: {  	[smem:$0x3F8E] =	sst lr;
	_ =	strace $0xD0000000  }
0x3: {  	_ = 	snop  }
0x4: {  	_ = 	snop  }
0x5: {  	_ = 	snop  }
0x6: {  	_ = 	snop  }
0x7: {  	_ = 	snop  }
__scs_overlays_trampoline_lowered:
0x8: {  	[smem:$0x3F9D] =	sst s0  }
0x9: {  	[smem:$0x3F9E] =	sst s1  }
0xa: {  	[smem:$0x3F9F] =	sst s2  }
0xb: {  	[smem:$0x3FA0] =	sst s3  }
0xc: {  	[smem:$0x3FA1] =	sst s4  }
0xd: {  	[smem:$0x3FA2] =	sst s5  }
0xe: {  	[smem:$0x3FA3] =	sst s6  }
0xf: {  	[smem:$0x3FA4] =	sst s7  }
0x10: {  	[smem:$0x3FA5] =	sst s8  }
0x11: {  	[smem:$0x3FA6] =	sst s9;
	s0 =	simm.s32 @!p0 $0x0  }
0x12: {  	s1 =	sld [smem:$0x3F8C];
	s0 =	simm.s32 @p0 $0x1  }
0x13: {  	[smem:$0x3FA7] =	sst s0;
	s0 =	simm.s32 @!p1 $0x0  }
0x14: {  	s2 =	sld [smem:$0x3F8B];
	s0 =	simm.s32 @p1 $0x1  }
0x15: {  	[smem:$0x3FA8] =	sst s0;
	s0 =	simm.s32 @!p2 $0x0  }
0x16: {  	s3 =	sld [smem:$0x3FDB];
	s0 =	simm.s32 @p2 $0x1  }
0x17: {  	s4 =	simm.s32 $0x1BF5;
	[smem:$0x3FAA] =	sst s0  }
0x18: {  	s0 =	sld [smem:$0x3F8D];
	_ =	swait.ge [sflag:s4], $0x0  }
0x19: {  	s7 =	sld [smem:$0x3F8E]  }
0x1a: {  	s8 =	sadd.s32 $0xFFFFE003, lr  }
0x1b: {  	s9 =	sadd.s32 $0xFFFFFEF7, lr;
	s5 =	simm.s32 $0xFFFFFFFF;
	p2 =	slt.u32 s8, $0xFFFFF086  }
0x1c: {  	p1 =	slt.u32 s9, $0xF7A;
	s5 =	simm.s32 @!p2 $0x0  }
0x1d: {  	s5 =	simm.s32 @p1 $0x1;
	p0 =	seq.s32 s7, s2  }
0x1e: {  	s7 =	smul.u32 @!p0 $0xF7A, s2;
	p2 =	seq.s32 @!p0 s5, $0x0  }
0x1f: {  	s9 =	smul.u32 $0xF7A, s1;
	s8 =	simm.s32 @!p0 $0x1BF5;
	p2 =	por !p2, p0  }
0x20: {  	[sflag:s8] =	ssyncset.s32 @!p0 $0xFFFFF086;
	s6 =	sadd.s32 @!p0 s3, s7;
	s7 =	simm.s32 @!p0 $0x108  }
0x21: {  	s3 =	sadd.s32 s3, s9;
	s6 =	sadd.s32 @!p0 $0x88, s6;
	s7 =	simm.s32 @p2 $0x1082  }
0x22: {  	[simem:s7], [sflag:s8] =	dma.local @!p0 [hbm:s6], $0xF7A  }
0x23: {  	s9 =	sor.u32 $0xD0000000, s2;
	s6 =	simm.s32 $0x108;
	_ =	swait.ge @!p0 [sflag:s8], $0x0  }
0x24: {  	s3 =	sadd.s32 $0x88, s3;
	s6 =	simm.s32 @!p1 $0x1082;
	[sflag:s4] =	ssyncset.s32 $0xFFFFF086  }
0x25: {  	[simem:s6], [sflag:s4] =	dma.local [hbm:s3], $0xF7A  }
0x26: {  	[smem:$0x3F8E] =	sst s1;
	(tag) =	ssettag s2;
	_ =	strace s9  }
0x27: {  	s1 =	sld [smem:$0x3F9E]  }
0x28: {  	s2 =	sld [smem:$0x3F9F]  }
0x29: {  	s4 =	sld [smem:$0x3FA1]  }
0x2a: {  	p0 =	seq.s32 s5, $0x0;
	s5 =	sld [smem:$0x3FA2]  }
0x2b: {  	s6 =	sld [smem:$0x3FA3]  }
0x2c: {  	s7 =	sld [smem:$0x3FA4]  }
0x2d: {  	s3 =	simm.s32 $0x108;
	s8 =	sld [smem:$0x3FA5]  }
0x2e: {  	s3 =	simm.s32 @!p0 $0x1082;
	s9 =	sld [smem:$0x3FA6]  }
0x2f: {  	lr =	sadd.s32 s0, s3;
	s0 =	sld [smem:$0x3F9D]  }
0x30: {  	s3 =	sld [smem:$0x3FA0]  }
0x31: {  	[smem:$0x3FA9] =	sst s10  }
0x32: {  	s10 =	sld [smem:$0x3FA7];
	_ =	sdelay $0x3  }
0x33: {  	p0 =	seq.s32 s10, $0x1;
	s10 =	sld [smem:$0x3FA9];
	_ =	sdelay $0x3  }
0x34: {  	[smem:$0x3FA9] =	sst s10  }
0x35: {  	s10 =	sld [smem:$0x3FA8];
	_ =	sdelay $0x3  }
0x36: {  	p1 =	seq.s32 s10, $0x1;
	s10 =	sld [smem:$0x3FA9];
	_ =	sdelay $0x3  }
0x37: {  	[smem:$0x3FA9] =	sst s10  }
0x38: {  	s10 =	sld [smem:$0x3FAA]  }
0x39: {  	_ = 	snop;
	(pc) =	sbr.ind lr, $3  }
0x3a: {  	_ = 	snop  }
0x3b: {  	_ = 	snop  }
0x3c: {  	p2 =	seq.s32 s10, $0x1;
	s10 =	sld [smem:$0x3FA9]  }
0x3d: {  	_ =	shalt  }
0x3e: {  	_ =	shalt  }
0x3f: {  	_ =	shalt  }
0x40: {  	_ =	shalt  }
0x41: {  	_ =	shalt  }
0x42: {  	_ =	shalt  }
0x43: {  	_ =	shalt  }
0x44: {  	_ =	shalt  }
0x45: {  	_ =	shalt  }
0x46: {  	_ =	shalt  }
0x47: {  	_ =	shalt  }
0x48: {  	_ =	shalt  }
0x49: {  	_ =	shalt  }
0x4a: {  	_ =	shalt  }
0x4b: {  	_ =	shalt  }
0x4c: {  	_ =	shalt  }
0x4d: {  	_ =	shalt  }
0x4e: {  	_ =	shalt  }
0x4f: {  	_ =	shalt  }
0x50: {  	_ =	shalt  }
0x51: {  	_ =	shalt  }
0x52: {  	_ =	shalt  }
0x53: {  	_ =	shalt  }
0x54: {  	_ =	shalt  }
0x55: {  	_ =	shalt  }
0x56: {  	_ =	shalt  }
0x57: {  	_ =	shalt  }
0x58: {  	_ =	shalt  }
0x59: {  	_ =	shalt  }
0x5a: {  	_ =	shalt  }
0x5b: {  	_ =	shalt  }
0x5c: {  	_ =	shalt  }
0x5d: {  	_ =	shalt  }
0x5e: {  	_ =	shalt  }
0x5f: {  	_ =	shalt  }
0x60: {  	_ =	shalt  }
0x61: {  	_ =	shalt  }
0x62: {  	_ =	shalt  }
0x63: {  	_ =	shalt  }
0x64: {  	_ =	shalt  }
0x65: {  	_ =	shalt  }
0x66: {  	_ =	shalt  }
0x67: {  	_ =	shalt  }
0x68: {  	_ =	shalt  }
0x69: {  	_ =	shalt  }
0x6a: {  	_ =	shalt  }
0x6b: {  	_ =	shalt  }
0x6c: {  	_ =	shalt  }
0x6d: {  	_ =	shalt  }
0x6e: {  	_ =	shalt  }
0x6f: {  	_ =	shalt  }
0x70: {  	_ =	shalt  }
0x71: {  	_ =	shalt  }
0x72: {  	_ =	shalt  }
0x73: {  	_ =	shalt  }
0x74: {  	_ =	shalt  }
0x75: {  	_ =	shalt  }
0x76: {  	_ =	shalt  }
0x77: {  	_ =	shalt  }
0x78: {  	_ =	shalt  }
0x79: {  	_ =	shalt  }
0x7a: {  	_ =	shalt  }
0x7b: {  	_ =	shalt  }
0x7c: {  	_ =	shalt  }
0x7d: {  	_ =	shalt  }
0x7e: {  	_ =	shalt  }
0x7f: {  	_ =	shalt  }
0x80: {  	_ =	shalt  }
0x81: {  	_ =	shalt  }
0x82: {  	_ =	shalt  }
0x83: {  	_ =	shalt  }
0x84: {  	_ =	shalt  }
0x85: {  	_ =	shalt  }
0x86: {  	_ =	shalt  }
0x87: {  	_ =	shalt  }
.Lfunc_end0:
.L_simem_size_0:
called_computation.1_lowered:
.L_overlay_start_0:
0x88: {  	s2 =	sld [smem:$0x3FD9]  }
0x89: {  	s3 =	sld [smem:$0x3FFE];
	_ =	sdelay $0x1  }
0x8a: {  	s1 =	srdreg.scid  }
0x8b: {  	s0 =	sand.u32 $0x1, s1  }
0x8c: {  	s16 =	sshll.u32 s0, $0xA;
	s2 =	sadd.s32 s3, s2  }
0x8d: {  	s2 =	sadd.s32 s2, s16  }
0x8e: {  	[smem:$0x3FB5] =	sst s2  }
0x8f: {  	_ = 	snop  }
0x90: {  	(tm) =	ssettm $0x1  }
0x91: {  	s17 =	sld [smem:$0x3FFB];
	_ =	sdelay $0x3  }
0x92: {  	_ =	strace s17  }
0x93: {  	s2 =	sld [smem:$0x3FFC];
	_ =	sdelay $0x3  }
0x94: {  	_ =	strace s2  }
0x95: {  	s2 =	sld [smem:$0x3FFD];
	_ =	sdelay $0x3  }
0x96: {  	_ =	strace s2  }
0x97: {  	_ =	strace $0x8FFFFFFF  }
0x98: {  	s18 =	sld [smem:$0x3FDB];
	_ =	sdelay $0x1  }
0x99: {  	s19 =	simm.s32 $_scs_section_size  }
0x9a: {  	s4 =	simm.s32 $_size__tile_overlayer_lowered;
	s5 =	simm.s32 $_tile_overlayer_lowered  }
0x9b: {  	s22 =	simm.s32 $0x1BFF;
	s21 =	sshll.u32 s5, $0x1;
	s2 =	sadd.s32 s19, s18  }
0x9c: {  	s6 =	simm.s32 $0x0;
	s20 =	sshll.u32 s4, $0x1;
	s4 =	sadd.s32 s21, s2  }
0x9d: {  	[timem:s6], [sflag:s22] =	dma.local [hbm:s4], s20  }
0x9e: {  	_ =	swait.ge [sflag:s22], s20  }
0x9f: {  	s3 =	ssub.s32 $0x0, s20;
	[sflag:s22] =	ssyncset.done $0x0  }
0xa0: {  	[sflag:s22] =	ssyncadd.s32 s3;
	_ =	sdelay $0x1  }
0xa1: {  	s23 =	simm.s32 $0x1B8B  }
0xa2: {  	_ =	swait.ge [sflag:s23], $0x1  }
0xa3: {  	[sflag:s23] =	ssyncset.done $0x0  }
0xa4: {  	s25 =	simm.s32 $0x1B8E;
	s24 =	sld [smem:$0x3FFE];
	[sflag:s23] =	ssyncadd.s32 $0xFFFFFFFF  }
0xa5: {  	s26 =	simm.s32 $execute0_lowered;
	[smem:$0x3FD2] =	sst s25  }
0xa6: {  	s4 =	sshll.u32 s26, $0x1;
	_ =	strace $0x80000049;
	[dreg:$0x1] =	wrdreg $0xFFFFFFFF  }
0xa7: {  	s28 =	simm.s32 $_size_execute0_lowered;
	s2 =	sadd.s32 s2, s4;
	[dreg:$0x0] =	wrdreg $0x0  }
0xa8: {  	s4 =	sshll.u32 s28, $0x1;
	[dreg:$0x2] =	wrdreg s2  }
0xa9: {  	[dreg:$0x3] =	wrdreg s4  }
0xaa: {  	[dreg:$0x4] =	wrdreg $0xC0  }
0xab: {  	_ =	task [dreg:s6], $0x5FFFF  }
0xac: {  	[dreg:$0x1] =	wrdreg $0xFFFFFFFF  }
0xad: {  	[dreg:$0x0] =	wrdreg $0x60  }
0xae: {  	[dreg:$0x2] =	wrdreg s24  }
0xaf: {  	[dreg:$0x3] =	wrdreg $0x154000  }
0xb0: {  	[dreg:$0x4] =	wrdreg $0x9  }
0xb1: {  	_ =	task.clear_ibuf [dreg:s6], $0x5FFFF;
	_ =	strace $0x90000049  }
0xb2: {  	s29 =	simm.s32 $0x9;
	_ =	strace $0x8000004B  }
0xb3: {  	_ =	swait.ge [sflag:s29], $0x1  }
0xb4: {  	[sflag:s29] =	ssyncadd.s32 $0xFFFFFFFF  }
0xb5: {  	_ =	strace $0x9000004B  }
0xb6: {  	_ =	sfence  }
0xb7: {  	s30 =	sld [smem:$0x0];
	_ =	sdelay $0x2  }
0xb8: {  	s31 =	sshll.u32 s1, $0xD;
	s1 =	sshrl.u32 s1, $0x2  }
0xb9: {  	s3 =	sand.u32 $0x4000, s31;
	s1 =	sadd.s32 s1, s30  }
0xba: {  	s0 =	sor.u32 s3, s0;
	s1 =	sshll.u32 s1, $0x11  }
0xbb: {  	s0 =	sor.u32 s1, s0  }
0xbc: {  	s0 =	sadd.s32 $0x8F2B, s0  }
0xbd: {  	[sflag:s0] =	ssyncadd.remote.s32 $0x1  }
0xbe: {  	_ =	sfence.sel $0xFFFF  }
0xbf: {  	[dreg:$0x0] =	wrdreg $0xFFFFFFFF;
	(pc) =	sbr.abs _section_cstart, $3  }
0xc0: {  	[dreg:$0x1] =	wrdreg $0xFFFFFFFF  }
0xc1: {  	_ =	task.clear_ibuf [dreg:s6], $0x2FFFF;
	_ =	strace $0x9FFFFFFF  }
0xc2: {  	(tm) =	ssettm $0x7FFFFFFF  }
0xc3: {  	_ =	shalt  }
tec
execute0_lowered:
.L_overlay_start_1:
0x0: {  	(tag) =	ssettag $0x1  }
0x1: {  	s0 =	rddreg [dreg:$0x0]  }
0x2: {  	s2 =	rddreg [dreg:$0x1];
	s1 =	srdreg.scid  }
0x3: {  	s7 =	stileid.u32;
	s4 =	simm.s32 $0x0;
	s14 =	simm.s32 $0x11  }
0x4: {  	s17 =	simm.s32 $0x5400;
	s18 =	simm.s32 $0x80;
	s19 =	simm.s32 $0x7400  }
0x5: {  	s28 =	simm.s32 $0xF400;
	s30 =	simm.s32 $0x11400;
	s15 =	simm.s32 $0x1  }
0x6: {  	s16 =	simm.s32 $0x2;
	s29 =	simm.s32 $0x8;
	s31 =	simm.s32 $0x9  }
0x7: {  	s9 =	simm.s32 $0xC;
	s10 =	simm.s32 $0xD;
	s11 =	simm.s32 $0xE  }
0x8: {  	s12 =	simm.s32 $0xF;
	s13 =	simm.s32 $0x10;
	s1 =	sand.u32 $0x1, s1  }
0x9: {  	s5 =	smul.u32 $0xA000, s7;
	[smem:$0x7FF] =	sst s4;
	s4 =	sadd.s32 $0x18600, s0  }
0xa: {  	s3 =	sshll.u32 s1, $0x4;
	s6 =	smul.u32 $0xA0000, s1;
	_ =	strace $0x8000004A  }
0xb: {  	s1 =	ssub.s32 $0x2, s1;
	s3 =	sor.u32 s7, s3;
	s7 =	smul.u32 $0x28000, s7  }
0xc: {  	s8 =	sshrl.u32 s1, $0x1;
	s3 =	smul.u32 $0x500, s3;
	s6 =	sadd.s32 s5, s6  }
0xd: {  	s1 =	ssub.s32 s1, s8;
	s5 =	sadd.s32 s5, s2;
	s8 =	simm.s32 $0xB  }
0xe: {  	s6 =	sshrl.u32 s6, $0x3;
	s20 =	sshrl.u32 s7, $0x2;
	[dreg:$0x5] =	wrdreg s5  }
0xf: {  	s26 =	smax.u32 s1, $0x1;
	s1 =	simm.s32 $0x7;
	s3 =	sadd.s32 s3, s0  }
0x10: {  	s5 =	simm.s32 $0x0;
	[dreg:$0xb] =	wrdreg s26;
	s21 =	sadd.s32 $0x4600, s3  }
0x11: {  	s22 =	sadd.s32 s20, s2;
	s3 =	sadd.s32 $0xE600, s3;
	[dreg:$0x3] =	wrdreg s21  }
0x12: {  	s0 =	sadd.s32 s6, s0;
	s23 =	sadd.s32 $0x2000, s22;
	[dreg:$0x4] =	wrdreg s3  }
0x13: {  	s20 =	simm.s32 $0x3;
	s24 =	sadd.s32 $0x4000, s22;
	[dreg:$0x6] =	wrdreg s23  }
0x14: {  	s26 =	simm.s32 $0x6;
	s25 =	sadd.s32 $0x6000, s22;
	[dreg:$0x7] =	wrdreg s24  }
0x15: {  	s6 =	simm.s32 $0xA;
	s0 =	sadd.s32 $0x2C600, s0;
	[dreg:$0x8] =	wrdreg s25  }
0x16: {  	s3 =	sadd.s32 $0x8000, s22;
	[dreg:$0xa] =	wrdreg s0;
	s21 =	simm.s32 $0x9400  }
0x17: {  	s23 =	simm.s32 $0xB400;
	s25 =	simm.s32 $0xD400;
	s0 =	simm.s32 $0x13400  }
0x18: {  	v0 =	vimm.f32 $0.0e+00;
	s22 =	simm.s32 $0x4;
	s24 =	simm.s32 $0x5;
	[dreg:$0x9] =	wrdreg s3  }
.LBB2_1:
0x19: {  	[dreg:$0xc] =	wrdreg s5  }
0x1a: {  	s3 =	simm.s32 $0x0;
	s5 =	rddreg [dreg:$0x3]  }
0x1b: {  	[tilespmem:s3], [sflag:$0x11] =	stream.linear.gather [hbm4b:s5+s3], $0x2800, $0x38;
	[tilespmem:$0x1F400] =	vst v63  }
0x1c: {  	_ =	swait.ge [sflag:s14], $0x2800  }
0x1d: {  	[sflag:s14] =	ssyncset.done $0x0  }
0x1e: {  	s7 =	simm.s32 $0x2800;
	[sflag:s14] =	ssyncadd.s32 $0xFFFFD800  }
0x1f: {  	[tilespmem:s7], [sflag:$0x11] =	stream.linear.gather [hbm4b:s5+s3], $0x400, $0x38;
	[tilespmem:$0x1F400] =	vst v63  }
0x20: {  	_ =	swait.ge [sflag:s14], $0x400  }
0x21: {  	[sflag:s14] =	ssyncset.done $0x0  }
0x22: {  	s7 =	simm.s32 $0x2C00;
	s5 =	rddreg [dreg:$0x4];
	[sflag:s14] =	ssyncadd.s32 $0xFFFFFC00  }
0x23: {  	[tilespmem:s7], [sflag:$0x11] =	stream.linear.gather [hbm4b:s5+s3], $0x2800, $0x38;
	[tilespmem:$0x1F400] =	vst v63  }
0x24: {  	_ =	swait.ge [sflag:s14], $0x2800  }
0x25: {  	[sflag:s14] =	ssyncset.done $0x0  }
0x26: {  	s7 =	simm.s32 $0x100;
	s5 =	simm.s32 $0x0;
	[sflag:s14] =	ssyncadd.s32 $0xFFFFD800  }
.LBB2_2:
0x27: {  	p0 =	sne.s32 s7, $0x7F00;
	[tilespmem:s5+$0x5430] =	vst v0;
	s3 =	smov.u32 s7;
	s7 =	sadd.s32 $0x100, s7  }
.Ltmp0:
0x28: {  	[tilespmem:s5+$0x5420] =	vst v0;
	(pc) =	sbr.rel @p0 .LBB2_2-.Ltmp0, $3  }
0x29: {  	[tilespmem:s5+$0x5400] =	vst v0  }
0x2a: {  	[tilespmem:s5+$0x5410] =	vst v0;
	_ =	sdelay $0x1  }
0x2b: {  	s5 =	sshra.s32 s3, $0x2  }
0x2c: {  	[tilespmem:s5+$0x5430] =	vst v0  }
0x2d: {  	[tilespmem:s5+$0x5420] =	vst v0  }
0x2e: {  	[tilespmem:s5+$0x5400] =	vst v0  }
0x2f: {  	[tilespmem:s5+$0x5410] =	vst v0;
	s3 =	rddreg [dreg:$0x5]  }
0x30: {  	[spmem:s3] =	stream.linear.scatter [tilespmem:s17], [sflag:$0x11], $0x2000, $0x38;
	[tilespmem:$0x1F400] =	vst v63  }
0x31: {  	_ =	swait.ge [sflag:s14], $0x2000  }
0x32: {  	[sflag:s14] =	ssyncset.done $0x0  }
0x33: {  	s5 =	rddreg [dreg:$0x6];
	[sflag:s14] =	ssyncadd.s32 $0xFFFFE000  }
0x34: {  	[spmem:s5] =	stream.linear.scatter [tilespmem:s17], [sflag:$0x11], $0x2000, $0x38;
	[tilespmem:$0x1F400] =	vst v63  }
0x35: {  	_ =	swait.ge [sflag:s14], $0x2000  }
0x36: {  	[sflag:s14] =	ssyncset.done $0x0  }
0x37: {  	s7 =	rddreg [dreg:$0x7];
	[sflag:s14] =	ssyncadd.s32 $0xFFFFE000  }
0x38: {  	[spmem:s7] =	stream.linear.scatter [tilespmem:s17], [sflag:$0x11], $0x2000, $0x38;
	[tilespmem:$0x1F400] =	vst v63  }
0x39: {  	_ =	swait.ge [sflag:s14], $0x2000  }
0x3a: {  	[sflag:s14] =	ssyncset.done $0x0  }
0x3b: {  	s5 =	rddreg [dreg:$0x8];
	[sflag:s14] =	ssyncadd.s32 $0xFFFFE000  }
0x3c: {  	[spmem:s5] =	stream.linear.scatter [tilespmem:s17], [sflag:$0x11], $0x2000, $0x38;
	[tilespmem:$0x1F400] =	vst v63  }
0x3d: {  	_ =	swait.ge [sflag:s14], $0x2000  }
0x3e: {  	[sflag:s14] =	ssyncset.done $0x0  }
0x3f: {  	s7 =	rddreg [dreg:$0x9];
	[sflag:s14] =	ssyncadd.s32 $0xFFFFE000  }
0x40: {  	[spmem:s7] =	stream.linear.scatter [tilespmem:s17], [sflag:$0x11], $0x2000, $0x38;
	[tilespmem:$0x1F400] =	vst v63  }
0x41: {  	_ =	swait.ge [sflag:s14], $0x2000  }
0x42: {  	[sflag:s14] =	ssyncset.done $0x0  }
0x43: {  	s5 =	simm.s32 $0x0;
	[sflag:s14] =	ssyncadd.s32 $0xFFFFE000  }
0x44: {  	[tilespmem:s17], [sflag:$0x1] =	stream.indirect.gather [hbm4b:s4+s18], $0x40, s5, s18, $0xb8;
	[tilespmem:$0x1F400] =	vst v63  }
0x45: {  	_ = 	snop  }
0x46: {  	[tilespmem:s19], [sflag:$0x2] =	stream.indirect.gather [hbm4b:s4+s18], $0x40, s18, s18, $0xb8;
	[tilespmem:$0x1F400] =	vst v63  }
0x47: {  	s7 =	simm.s32 $0x100  }
0x48: {  	[tilespmem:s21], [sflag:$0x3] =	stream.indirect.gather [hbm4b:s4+s18], $0x40, s7, s18, $0xb8;
	[tilespmem:$0x1F400] =	vst v63  }
0x49: {  	s5 =	simm.s32 $0x180  }
0x4a: {  	[tilespmem:s23], [sflag:$0x4] =	stream.indirect.gather [hbm4b:s4+s18], $0x40, s5, s18, $0xb8;
	[tilespmem:$0x1F400] =	vst v63  }
0x4b: {  	s7 =	simm.s32 $0x200  }
0x4c: {  	[tilespmem:s25], [sflag:$0x5] =	stream.indirect.gather [hbm4b:s4+s18], $0x40, s7, s18, $0xb8;
	[tilespmem:$0x1F400] =	vst v63  }
0x4d: {  	s5 =	simm.s32 $0x280  }
0x4e: {  	[tilespmem:s28], [sflag:$0x6] =	stream.indirect.gather [hbm4b:s4+s18], $0x40, s5, s18, $0xb8;
	[tilespmem:$0x1F400] =	vst v63  }
0x4f: {  	s7 =	simm.s32 $0x300  }
0x50: {  	[tilespmem:s30], [sflag:$0x7] =	stream.indirect.gather [hbm4b:s4+s18], $0x40, s7, s18, $0xb8;
	[tilespmem:$0x1F400] =	vst v63  }
0x51: {  	s5 =	simm.s32 $0x380  }
0x52: {  	[tilespmem:s0], [sflag:$0x8] =	stream.indirect.gather [hbm4b:s4+s18], $0x40, s5, s18, $0xb8;
	[tilespmem:$0x1F400] =	vst v63  }
0x53: {  	[bflag:$0x0] =	sbarrier.arrive $0xFFFF  }
0x54: {  	_ =	swait.ge [sflag:s15], $0x2000  }
0x55: {  	[sflag:s15] =	ssyncset.done $0x0  }
0x56: {  	s7 =	simm.s32 $0x2C00;
	[sflag:s15] =	ssyncadd.s32 $0xFFFFE000  }
0x57: {  	[spmem:s2] =	stream.indirect.scatter.add.f32 [tilespmem:s17], [sflag:$0x9], $0x40, s7, s18, $0xb8;
	[tilespmem:$0x1F400] =	vst v63  }
0x58: {  	_ =	swait.ge [sflag:s16], $0x2000  }
0x59: {  	[sflag:s16] =	ssyncset.done $0x0  }
0x5a: {  	s5 =	simm.s32 $0x2C80;
	[sflag:s16] =	ssyncadd.s32 $0xFFFFE000  }
0x5b: {  	[spmem:s2] =	stream.indirect.scatter.add.f32 [tilespmem:s19], [sflag:$0xA], $0x40, s5, s18, $0xb8;
	[tilespmem:$0x1F400] =	vst v63  }
0x5c: {  	_ =	swait.ge [sflag:s20], $0x2000  }
0x5d: {  	[sflag:s20] =	ssyncset.done $0x0  }
0x5e: {  	s7 =	simm.s32 $0x2D00;
	[sflag:s20] =	ssyncadd.s32 $0xFFFFE000  }
0x5f: {  	[spmem:s2] =	stream.indirect.scatter.add.f32 [tilespmem:s21], [sflag:$0xB], $0x40, s7, s18, $0xb8;
	[tilespmem:$0x1F400] =	vst v63  }
0x60: {  	_ =	swait.ge [sflag:s22], $0x2000  }
0x61: {  	[sflag:s22] =	ssyncset.done $0x0  }
0x62: {  	s5 =	simm.s32 $0x2D80;
	[sflag:s22] =	ssyncadd.s32 $0xFFFFE000  }
0x63: {  	[spmem:s2] =	stream.indirect.scatter.add.f32 [tilespmem:s23], [sflag:$0xC], $0x40, s5, s18, $0xb8;
	[tilespmem:$0x1F400] =	vst v63  }
0x64: {  	_ =	swait.ge [sflag:s24], $0x2000  }
0x65: {  	[sflag:s24] =	ssyncset.done $0x0  }
0x66: {  	s7 =	simm.s32 $0x2E00;
	[sflag:s24] =	ssyncadd.s32 $0xFFFFE000  }
0x67: {  	[spmem:s2] =	stream.indirect.scatter.add.f32 [tilespmem:s25], [sflag:$0xD], $0x40, s7, s18, $0xb8;
	[tilespmem:$0x1F400] =	vst v63  }
0x68: {  	_ =	swait.ge [sflag:s26], $0x2000  }
0x69: {  	[sflag:s26] =	ssyncset.done $0x0  }
0x6a: {  	s5 =	simm.s32 $0x2E80;
	[sflag:s26] =	ssyncadd.s32 $0xFFFFE000  }
0x6b: {  	[spmem:s2] =	stream.indirect.scatter.add.f32 [tilespmem:s28], [sflag:$0xE], $0x40, s5, s18, $0xb8;
	[tilespmem:$0x1F400] =	vst v63  }
0x6c: {  	_ =	swait.ge [sflag:s1], $0x2000  }
0x6d: {  	[sflag:s1] =	ssyncset.done $0x0  }
0x6e: {  	s7 =	simm.s32 $0x2F00;
	[sflag:s1] =	ssyncadd.s32 $0xFFFFE000  }
0x6f: {  	[spmem:s2] =	stream.indirect.scatter.add.f32 [tilespmem:s30], [sflag:$0xF], $0x40, s7, s18, $0xb8;
	[tilespmem:$0x1F400] =	vst v63  }
0x70: {  	_ =	swait.ge [sflag:s29], $0x2000  }
0x71: {  	[sflag:s29] =	ssyncset.done $0x0  }
0x72: {  	s5 =	simm.s32 $0x2F80;
	[sflag:s29] =	ssyncadd.s32 $0xFFFFE000  }
0x73: {  	[spmem:s2] =	stream.indirect.scatter.add.f32 [tilespmem:s0], [sflag:$0x10], $0x40, s5, s18, $0xb8;
	[tilespmem:$0x1F400] =	vst v63  }
0x74: {  	_ =	swait.ge [sflag:s31], $0x2000  }
0x75: {  	[sflag:s31] =	ssyncset.done $0x0  }
0x76: {  	s7 =	simm.s32 $0x400;
	[sflag:s31] =	ssyncadd.s32 $0xFFFFE000  }
0x77: {  	[tilespmem:s17], [sflag:$0x1] =	stream.indirect.gather [hbm4b:s4+s18], $0x40, s7, s18, $0xb8;
	[tilespmem:$0x1F400] =	vst v63  }
0x78: {  	_ =	swait.ge [sflag:s6], $0x2000  }
0x79: {  	[sflag:s6] =	ssyncset.done $0x0  }
0x7a: {  	s5 =	simm.s32 $0x480;
	[sflag:s6] =	ssyncadd.s32 $0xFFFFE000  }
0x7b: {  	[tilespmem:s19], [sflag:$0x2] =	stream.indirect.gather [hbm4b:s4+s18], $0x40, s5, s18, $0xb8;
	[tilespmem:$0x1F400] =	vst v63  }
0x7c: {  	_ =	swait.ge [sflag:s8], $0x2000  }
0x7d: {  	[sflag:s8] =	ssyncset.done $0x0  }
0x7e: {  	s7 =	simm.s32 $0x500;
	[sflag:s8] =	ssyncadd.s32 $0xFFFFE000  }
0x7f: {  	[tilespmem:s21], [sflag:$0x3] =	stream.indirect.gather [hbm4b:s4+s18], $0x40, s7, s18, $0xb8;
	[tilespmem:$0x1F400] =	vst v63  }
0x80: {  	_ =	swait.ge [sflag:s9], $0x2000  }
0x81: {  	[sflag:s9] =	ssyncset.done $0x0  }
0x82: {  	s5 =	simm.s32 $0x580;
	[sflag:s9] =	ssyncadd.s32 $0xFFFFE000  }
0x83: {  	[tilespmem:s23], [sflag:$0x4] =	stream.indirect.gather [hbm4b:s4+s18], $0x40, s5, s18, $0xb8;
	[tilespmem:$0x1F400] =	vst v63  }
0x84: {  	_ =	swait.ge [sflag:s10], $0x2000  }
0x85: {  	[sflag:s10] =	ssyncset.done $0x0  }
0x86: {  	s7 =	simm.s32 $0x600;
	[sflag:s10] =	ssyncadd.s32 $0xFFFFE000  }
0x87: {  	[tilespmem:s25], [sflag:$0x5] =	stream.indirect.gather [hbm4b:s4+s18], $0x40, s7, s18, $0xb8;
	[tilespmem:$0x1F400] =	vst v63  }
0x88: {  	_ =	swait.ge [sflag:s11], $0x2000  }
0x89: {  	[sflag:s11] =	ssyncset.done $0x0  }
0x8a: {  	s5 =	simm.s32 $0x680;
	[sflag:s11] =	ssyncadd.s32 $0xFFFFE000  }
0x8b: {  	[tilespmem:s28], [sflag:$0x6] =	stream.indirect.gather [hbm4b:s4+s18], $0x40, s5, s18, $0xb8;
	[tilespmem:$0x1F400] =	vst v63  }
0x8c: {  	_ =	swait.ge [sflag:s12], $0x2000  }
0x8d: {  	[sflag:s12] =	ssyncset.done $0x0  }
0x8e: {  	s7 =	simm.s32 $0x700;
	[sflag:s12] =	ssyncadd.s32 $0xFFFFE000  }
0x8f: {  	[tilespmem:s30], [sflag:$0x7] =	stream.indirect.gather [hbm4b:s4+s18], $0x40, s7, s18, $0xb8;
	[tilespmem:$0x1F400] =	vst v63  }
0x90: {  	_ =	swait.ge [sflag:s13], $0x2000  }
0x91: {  	[sflag:s13] =	ssyncset.done $0x0  }
0x92: {  	s5 =	simm.s32 $0x1000;
	s7 =	simm.s32 $0x780;
	[sflag:s13] =	ssyncadd.s32 $0xFFFFE000  }
.LBB2_4:
0x93: {  	[tilespmem:s0], [sflag:$0x8] =	stream.indirect.gather [hbm4b:s4+s18], $0x40, s7, s18, $0xb8;
	[tilespmem:$0x1F400] =	vst v63  }
0x94: {  	s3 =	smov.u32 s5  }
0x95: {  	p0 =	sne.s32 s5, $0x9000;
	s5 =	sadd.s32 $0x1000, s5;
	_ =	swait.ge [sflag:s15], $0x2000  }
0x96: {  	s7 =	sshra.s32 s3, $0x2;
	[sflag:s15] =	ssyncset.done $0x0  }
0x97: {  	s3 =	sadd.s32 $0x2C00, s7;
	[sflag:s15] =	ssyncadd.s32 $0xFFFFE000  }
0x98: {  	[spmem:s2] =	stream.indirect.scatter.add.f32 [tilespmem:s17], [sflag:$0x9], $0x40, s3, s18, $0xb8;
	[tilespmem:$0x1F400] =	vst v63  }
0x99: {  	_ =	swait.ge [sflag:s16], $0x2000  }
0x9a: {  	[sflag:s16] =	ssyncset.done $0x0  }
0x9b: {  	s3 =	sadd.s32 $0x2C80, s7;
	[sflag:s16] =	ssyncadd.s32 $0xFFFFE000  }
0x9c: {  	[spmem:s2] =	stream.indirect.scatter.add.f32 [tilespmem:s19], [sflag:$0xA], $0x40, s3, s18, $0xb8;
	[tilespmem:$0x1F400] =	vst v63  }
0x9d: {  	_ =	swait.ge [sflag:s20], $0x2000  }
0x9e: {  	[sflag:s20] =	ssyncset.done $0x0  }
0x9f: {  	s3 =	sadd.s32 $0x2D00, s7;
	[sflag:s20] =	ssyncadd.s32 $0xFFFFE000  }
0xa0: {  	[spmem:s2] =	stream.indirect.scatter.add.f32 [tilespmem:s21], [sflag:$0xB], $0x40, s3, s18, $0xb8;
	[tilespmem:$0x1F400] =	vst v63  }
0xa1: {  	_ =	swait.ge [sflag:s22], $0x2000  }
0xa2: {  	[sflag:s22] =	ssyncset.done $0x0  }
0xa3: {  	s3 =	sadd.s32 $0x2D80, s7;
	[sflag:s22] =	ssyncadd.s32 $0xFFFFE000  }
0xa4: {  	[spmem:s2] =	stream.indirect.scatter.add.f32 [tilespmem:s23], [sflag:$0xC], $0x40, s3, s18, $0xb8;
	[tilespmem:$0x1F400] =	vst v63  }
0xa5: {  	_ =	swait.ge [sflag:s24], $0x2000  }
0xa6: {  	[sflag:s24] =	ssyncset.done $0x0  }
0xa7: {  	s3 =	sadd.s32 $0x2E00, s7;
	[sflag:s24] =	ssyncadd.s32 $0xFFFFE000  }
0xa8: {  	[spmem:s2] =	stream.indirect.scatter.add.f32 [tilespmem:s25], [sflag:$0xD], $0x40, s3, s18, $0xb8;
	[tilespmem:$0x1F400] =	vst v63  }
0xa9: {  	_ =	swait.ge [sflag:s26], $0x2000  }
0xaa: {  	[sflag:s26] =	ssyncset.done $0x0  }
0xab: {  	s3 =	sadd.s32 $0x2E80, s7;
	[sflag:s26] =	ssyncadd.s32 $0xFFFFE000  }
0xac: {  	[spmem:s2] =	stream.indirect.scatter.add.f32 [tilespmem:s28], [sflag:$0xE], $0x40, s3, s18, $0xb8;
	[tilespmem:$0x1F400] =	vst v63  }
0xad: {  	_ =	swait.ge [sflag:s1], $0x2000  }
0xae: {  	[sflag:s1] =	ssyncset.done $0x0  }
0xaf: {  	s3 =	sadd.s32 $0x2F00, s7;
	[sflag:s1] =	ssyncadd.s32 $0xFFFFE000  }
0xb0: {  	[spmem:s2] =	stream.indirect.scatter.add.f32 [tilespmem:s30], [sflag:$0xF], $0x40, s3, s18, $0xb8;
	[tilespmem:$0x1F400] =	vst v63  }
0xb1: {  	_ =	swait.ge [sflag:s29], $0x2000  }
0xb2: {  	[sflag:s29] =	ssyncset.done $0x0  }
0xb3: {  	s3 =	sadd.s32 $0x2F80, s7;
	[sflag:s29] =	ssyncadd.s32 $0xFFFFE000  }
0xb4: {  	[spmem:s2] =	stream.indirect.scatter.add.f32 [tilespmem:s0], [sflag:$0x10], $0x40, s3, s18, $0xb8;
	[tilespmem:$0x1F400] =	vst v63  }
0xb5: {  	_ =	swait.ge [sflag:s31], $0x2000  }
0xb6: {  	[sflag:s31] =	ssyncset.done $0x0  }
0xb7: {  	s3 =	sadd.s32 $0x400, s7;
	[sflag:s31] =	ssyncadd.s32 $0xFFFFE000  }
0xb8: {  	[tilespmem:s17], [sflag:$0x1] =	stream.indirect.gather [hbm4b:s4+s18], $0x40, s3, s18, $0xb8;
	[tilespmem:$0x1F400] =	vst v63  }
0xb9: {  	_ =	swait.ge [sflag:s6], $0x2000  }
0xba: {  	[sflag:s6] =	ssyncset.done $0x0  }
0xbb: {  	s3 =	sadd.s32 $0x480, s7;
	[sflag:s6] =	ssyncadd.s32 $0xFFFFE000  }
0xbc: {  	[tilespmem:s19], [sflag:$0x2] =	stream.indirect.gather [hbm4b:s4+s18], $0x40, s3, s18, $0xb8;
	[tilespmem:$0x1F400] =	vst v63  }
0xbd: {  	_ =	swait.ge [sflag:s8], $0x2000  }
0xbe: {  	[sflag:s8] =	ssyncset.done $0x0  }
0xbf: {  	s3 =	sadd.s32 $0x500, s7;
	[sflag:s8] =	ssyncadd.s32 $0xFFFFE000  }
0xc0: {  	[tilespmem:s21], [sflag:$0x3] =	stream.indirect.gather [hbm4b:s4+s18], $0x40, s3, s18, $0xb8;
	[tilespmem:$0x1F400] =	vst v63  }
0xc1: {  	_ =	swait.ge [sflag:s9], $0x2000  }
0xc2: {  	[sflag:s9] =	ssyncset.done $0x0  }
0xc3: {  	s3 =	sadd.s32 $0x580, s7;
	[sflag:s9] =	ssyncadd.s32 $0xFFFFE000  }
0xc4: {  	[tilespmem:s23], [sflag:$0x4] =	stream.indirect.gather [hbm4b:s4+s18], $0x40, s3, s18, $0xb8;
	[tilespmem:$0x1F400] =	vst v63  }
0xc5: {  	_ =	swait.ge [sflag:s10], $0x2000  }
0xc6: {  	[sflag:s10] =	ssyncset.done $0x0  }
0xc7: {  	s3 =	sadd.s32 $0x600, s7;
	[sflag:s10] =	ssyncadd.s32 $0xFFFFE000  }
0xc8: {  	[tilespmem:s25], [sflag:$0x5] =	stream.indirect.gather [hbm4b:s4+s18], $0x40, s3, s18, $0xb8;
	[tilespmem:$0x1F400] =	vst v63  }
0xc9: {  	_ =	swait.ge [sflag:s11], $0x2000  }
0xca: {  	[sflag:s11] =	ssyncset.done $0x0  }
0xcb: {  	s3 =	sadd.s32 $0x680, s7;
	[sflag:s11] =	ssyncadd.s32 $0xFFFFE000  }
0xcc: {  	[tilespmem:s28], [sflag:$0x6] =	stream.indirect.gather [hbm4b:s4+s18], $0x40, s3, s18, $0xb8;
	[tilespmem:$0x1F400] =	vst v63  }
0xcd: {  	_ =	swait.ge [sflag:s12], $0x2000  }
0xce: {  	[sflag:s12] =	ssyncset.done $0x0  }
.Ltmp1:
0xcf: {  	s3 =	sadd.s32 $0x700, s7;
	[sflag:s12] =	ssyncadd.s32 $0xFFFFE000;
	(pc) =	sbr.rel @p0 .LBB2_4-.Ltmp1, $4  }
0xd0: {  	[tilespmem:s30], [sflag:$0x7] =	stream.indirect.gather [hbm4b:s4+s18], $0x40, s3, s18, $0xb8;
	[tilespmem:$0x1F400] =	vst v63  }
0xd1: {  	_ =	swait.ge [sflag:s13], $0x2000  }
0xd2: {  	[sflag:s13] =	ssyncset.done $0x0  }
0xd3: {  	s7 =	sadd.s32 $0x780, s7;
	[sflag:s13] =	ssyncadd.s32 $0xFFFFE000  }
0xd4: {  	[tilespmem:s0], [sflag:$0x8] =	stream.indirect.gather [hbm4b:s4+s18], $0x40, s7, s18, $0xb8;
	[tilespmem:$0x1F400] =	vst v63  }
0xd5: {  	_ =	swait.ge [sflag:s15], $0x2000  }
0xd6: {  	[sflag:s15] =	ssyncset.done $0x0  }
0xd7: {  	[sflag:s15] =	ssyncadd.s32 $0xFFFFE000  }
0xd8: {  	_ =	swait.ge [sflag:s16], $0x2000  }
0xd9: {  	[sflag:s16] =	ssyncset.done $0x0  }
0xda: {  	[sflag:s16] =	ssyncadd.s32 $0xFFFFE000  }
0xdb: {  	_ =	swait.ge [sflag:s20], $0x2000  }
0xdc: {  	[sflag:s20] =	ssyncset.done $0x0  }
0xdd: {  	[sflag:s20] =	ssyncadd.s32 $0xFFFFE000  }
0xde: {  	_ =	swait.ge [sflag:s22], $0x2000  }
0xdf: {  	[sflag:s22] =	ssyncset.done $0x0  }
0xe0: {  	[sflag:s22] =	ssyncadd.s32 $0xFFFFE000  }
0xe1: {  	_ =	swait.ge [sflag:s24], $0x2000  }
0xe2: {  	[sflag:s24] =	ssyncset.done $0x0  }
0xe3: {  	[sflag:s24] =	ssyncadd.s32 $0xFFFFE000  }
0xe4: {  	_ =	swait.ge [sflag:s26], $0x2000  }
0xe5: {  	[sflag:s26] =	ssyncset.done $0x0  }
0xe6: {  	[sflag:s26] =	ssyncadd.s32 $0xFFFFE000  }
0xe7: {  	_ =	swait.ge [sflag:s1], $0x2000  }
0xe8: {  	[sflag:s1] =	ssyncset.done $0x0  }
0xe9: {  	[sflag:s1] =	ssyncadd.s32 $0xFFFFE000  }
0xea: {  	_ =	swait.ge [sflag:s29], $0x2000  }
0xeb: {  	[sflag:s29] =	ssyncset.done $0x0  }
0xec: {  	[sflag:s29] =	ssyncadd.s32 $0xFFFFE000  }
0xed: {  	s3 =	stileid.u32;
	[bflag:$0x0] =	sbarrier.arrive $0xFFFF  }
0xee: {  	s3 =	sshll.u32 s3, $0x6;
	s5 =	rddreg [dreg:$0x5]  }
0xef: {  	s3 =	sor.u32 $0x1C11, s3;
	s7 =	rddreg [dreg:$0xa];
	s5 =	sshrl.u32 s5, $0x3  }
0xf0: {  	[hbm:s7], [sflag:s3] =	dma.local [spmem:s5], $0x1400  }
0xf1: {  	_ =	swait.ge [sflag:s14], $0x1400  }
0xf2: {  	s3 =	rddreg [dreg:$0xc]  }
0xf3: {  	s7 =	rddreg [dreg:$0xb];
	s5 =	sadd.s32 $0x1, s3  }
0xf4: {  	p0 =	sne.s32 s5, s7  }
.Ltmp2:
0xf5: {  	_ = 	snop;
	(pc) =	sbr.rel @p0 .LBB2_1-.Ltmp2, $3  }
0xf6: {  	_ =	sdelay $0x1  }
0xf7: {  	[sflag:s14] =	ssyncset.done $0x0  }
0xf8: {  	[sflag:s14] =	ssyncadd.s32 $0xFFFFEC00  }
0xf9: {  	_ =	sfence.sel $0x180000  }
0xfa: {  	[bflag:$0x0] =	sbarrier.arrive $0xFFFF  }
0xfb: {  	_ =	strace $0x9000004A  }
0xfc: {  	s0 =	stileid.u32;
	[bflag:$0x2] =	sbarrier.arrive $0xFFFF  }
0xfd: {  	p0 =	sne.s32 s0, $0x0;
	s0 =	rddreg [dreg:$0x2]  }
0xfe: {  	s0 =	sadd.s32 @!p0 $0x100000, s0  }
0xff: {  	[sflag:s0] =	ssyncadd.tile.s32 @!p0 $0x1;
	_ =	shalt  }
.Lfunc_end2:
_tile_overlayer_lowered:
.L_overlay_start_2:
0x100: {  	(tag) =	ssettag $0x2  }
0x101: {  	s0 =	rddreg [dreg:$0x0];
	s2 =	stileid.u32  }
0x102: {  	s1 =	rddreg [dreg:$0x1];
	p0 =	sne.s32 s2, $0x0  }
0x103: {  	s3 =	rddreg [dreg:$0x2];
	[bflag:$0x3] =	sbarrier.arrive $0xFFFF;
	s2 =	simm.s32 @!p0 $0x1C11  }
0x104: {  	[timem:s3], [sflag:s2] =	dma.local @!p0 [hbm:s0], s1  }
0x105: {  	s0 =	simm.s32 @!p0 $0x11  }
0x106: {  	_ =	swait.ge @!p0 [sflag:s0], s1  }
0x107: {  	s1 =	ssub.s32 @!p0 $0x0, s1;
	[sflag:s0] =	ssyncset.done @!p0 $0x0  }
0x108: {  	[sflag:s0] =	ssyncadd.s32 @!p0 s1  }
0x109: {  	[bflag:$0x3] =	sbarrier.arrive $0xFFFF  }
0x10a: {  	_ =	shalt  }

// kernel: kernel.15.cloned.1.call-start
scs
__scs_entry_jumppad:
0x0: {  	(pc) =	sbr.rel $0x88, $3  }
0x1: {  	(tag) =	ssettag $0x0;
	lr =	simm.s32 $0x1  }
0x2: {  	[smem:$0x3F8E] =	sst lr;
	_ =	strace $0xD0000000  }
0x3: {  	_ = 	snop  }
0x4: {  	_ = 	snop  }
0x5: {  	_ = 	snop  }
0x6: {  	_ = 	snop  }
0x7: {  	_ = 	snop  }
__scs_overlays_trampoline_lowered:
0x8: {  	[smem:$0x3F9D] =	sst s0  }
0x9: {  	[smem:$0x3F9E] =	sst s1  }
0xa: {  	[smem:$0x3F9F] =	sst s2  }
0xb: {  	[smem:$0x3FA0] =	sst s3  }
0xc: {  	[smem:$0x3FA1] =	sst s4  }
0xd: {  	[smem:$0x3FA2] =	sst s5  }
0xe: {  	[smem:$0x3FA3] =	sst s6  }
0xf: {  	[smem:$0x3FA4] =	sst s7  }
0x10: {  	[smem:$0x3FA5] =	sst s8  }
0x11: {  	[smem:$0x3FA6] =	sst s9;
	s0 =	simm.s32 @!p0 $0x0  }
0x12: {  	s1 =	sld [smem:$0x3F8C];
	s0 =	simm.s32 @p0 $0x1  }
0x13: {  	[smem:$0x3FA7] =	sst s0;
	s0 =	simm.s32 @!p1 $0x0  }
0x14: {  	s2 =	sld [smem:$0x3F8B];
	s0 =	simm.s32 @p1 $0x1  }
0x15: {  	[smem:$0x3FA8] =	sst s0;
	s0 =	simm.s32 @!p2 $0x0  }
0x16: {  	s3 =	sld [smem:$0x3FDB];
	s0 =	simm.s32 @p2 $0x1  }
0x17: {  	s4 =	simm.s32 $0x1BF5;
	[smem:$0x3FAA] =	sst s0  }
0x18: {  	s0 =	sld [smem:$0x3F8D];
	_ =	swait.ge [sflag:s4], $0x0  }
0x19: {  	s7 =	sld [smem:$0x3F8E]  }
0x1a: {  	s8 =	sadd.s32 $0xFFFFE003, lr  }
0x1b: {  	s9 =	sadd.s32 $0xFFFFFEF7, lr;
	s5 =	simm.s32 $0xFFFFFFFF;
	p2 =	slt.u32 s8, $0xFFFFF086  }
0x1c: {  	p1 =	slt.u32 s9, $0xF7A;
	s5 =	simm.s32 @!p2 $0x0  }
0x1d: {  	s5 =	simm.s32 @p1 $0x1;
	p0 =	seq.s32 s7, s2  }
0x1e: {  	s7 =	smul.u32 @!p0 $0xF7A, s2;
	p2 =	seq.s32 @!p0 s5, $0x0  }
0x1f: {  	s9 =	smul.u32 $0xF7A, s1;
	s8 =	simm.s32 @!p0 $0x1BF5;
	p2 =	por !p2, p0  }
0x20: {  	[sflag:s8] =	ssyncset.s32 @!p0 $0xFFFFF086;
	s6 =	sadd.s32 @!p0 s3, s7;
	s7 =	simm.s32 @!p0 $0x108  }
0x21: {  	s3 =	sadd.s32 s3, s9;
	s6 =	sadd.s32 @!p0 $0x88, s6;
	s7 =	simm.s32 @p2 $0x1082  }
0x22: {  	[simem:s7], [sflag:s8] =	dma.local @!p0 [hbm:s6], $0xF7A  }
0x23: {  	s9 =	sor.u32 $0xD0000000, s2;
	s6 =	simm.s32 $0x108;
	_ =	swait.ge @!p0 [sflag:s8], $0x0  }
0x24: {  	s3 =	sadd.s32 $0x88, s3;
	s6 =	simm.s32 @!p1 $0x1082;
	[sflag:s4] =	ssyncset.s32 $0xFFFFF086  }
0x25: {  	[simem:s6], [sflag:s4] =	dma.local [hbm:s3], $0xF7A  }
0x26: {  	[smem:$0x3F8E] =	sst s1;
	(tag) =	ssettag s2;
	_ =	strace s9  }
0x27: {  	s1 =	sld [smem:$0x3F9E]  }
0x28: {  	s2 =	sld [smem:$0x3F9F]  }
0x29: {  	s4 =	sld [smem:$0x3FA1]  }
0x2a: {  	p0 =	seq.s32 s5, $0x0;
	s5 =	sld [smem:$0x3FA2]  }
0x2b: {  	s6 =	sld [smem:$0x3FA3]  }
0x2c: {  	s7 =	sld [smem:$0x3FA4]  }
0x2d: {  	s3 =	simm.s32 $0x108;
	s8 =	sld [smem:$0x3FA5]  }
0x2e: {  	s3 =	simm.s32 @!p0 $0x1082;
	s9 =	sld [smem:$0x3FA6]  }
0x2f: {  	lr =	sadd.s32 s0, s3;
	s0 =	sld [smem:$0x3F9D]  }
0x30: {  	s3 =	sld [smem:$0x3FA0]  }
0x31: {  	[smem:$0x3FA9] =	sst s10  }
0x32: {  	s10 =	sld [smem:$0x3FA7];
	_ =	sdelay $0x3  }
0x33: {  	p0 =	seq.s32 s10, $0x1;
	s10 =	sld [smem:$0x3FA9];
	_ =	sdelay $0x3  }
0x34: {  	[smem:$0x3FA9] =	sst s10  }
0x35: {  	s10 =	sld [smem:$0x3FA8];
	_ =	sdelay $0x3  }
0x36: {  	p1 =	seq.s32 s10, $0x1;
	s10 =	sld [smem:$0x3FA9];
	_ =	sdelay $0x3  }
0x37: {  	[smem:$0x3FA9] =	sst s10  }
0x38: {  	s10 =	sld [smem:$0x3FAA]  }
0x39: {  	_ = 	snop;
	(pc) =	sbr.ind lr, $3  }
0x3a: {  	_ = 	snop  }
0x3b: {  	_ = 	snop  }
0x3c: {  	p2 =	seq.s32 s10, $0x1;
	s10 =	sld [smem:$0x3FA9]  }
0x3d: {  	_ =	shalt  }
0x3e: {  	_ =	shalt  }
0x3f: {  	_ =	shalt  }
0x40: {  	_ =	shalt  }
0x41: {  	_ =	shalt  }
0x42: {  	_ =	shalt  }
0x43: {  	_ =	shalt  }
0x44: {  	_ =	shalt  }
0x45: {  	_ =	shalt  }
0x46: {  	_ =	shalt  }
0x47: {  	_ =	shalt  }
0x48: {  	_ =	shalt  }
0x49: {  	_ =	shalt  }
0x4a: {  	_ =	shalt  }
0x4b: {  	_ =	shalt  }
0x4c: {  	_ =	shalt  }
0x4d: {  	_ =	shalt  }
0x4e: {  	_ =	shalt  }
0x4f: {  	_ =	shalt  }
0x50: {  	_ =	shalt  }
0x51: {  	_ =	shalt  }
0x52: {  	_ =	shalt  }
0x53: {  	_ =	shalt  }
0x54: {  	_ =	shalt  }
0x55: {  	_ =	shalt  }
0x56: {  	_ =	shalt  }
0x57: {  	_ =	shalt  }
0x58: {  	_ =	shalt  }
0x59: {  	_ =	shalt  }
0x5a: {  	_ =	shalt  }
0x5b: {  	_ =	shalt  }
0x5c: {  	_ =	shalt  }
0x5d: {  	_ =	shalt  }
0x5e: {  	_ =	shalt  }
0x5f: {  	_ =	shalt  }
0x60: {  	_ =	shalt  }
0x61: {  	_ =	shalt  }
0x62: {  	_ =	shalt  }
0x63: {  	_ =	shalt  }
0x64: {  	_ =	shalt  }
0x65: {  	_ =	shalt  }
0x66: {  	_ =	shalt  }
0x67: {  	_ =	shalt  }
0x68: {  	_ =	shalt  }
0x69: {  	_ =	shalt  }
0x6a: {  	_ =	shalt  }
0x6b: {  	_ =	shalt  }
0x6c: {  	_ =	shalt  }
0x6d: {  	_ =	shalt  }
0x6e: {  	_ =	shalt  }
0x6f: {  	_ =	shalt  }
0x70: {  	_ =	shalt  }
0x71: {  	_ =	shalt  }
0x72: {  	_ =	shalt  }
0x73: {  	_ =	shalt  }
0x74: {  	_ =	shalt  }
0x75: {  	_ =	shalt  }
0x76: {  	_ =	shalt  }
0x77: {  	_ =	shalt  }
0x78: {  	_ =	shalt  }
0x79: {  	_ =	shalt  }
0x7a: {  	_ =	shalt  }
0x7b: {  	_ =	shalt  }
0x7c: {  	_ =	shalt  }
0x7d: {  	_ =	shalt  }
0x7e: {  	_ =	shalt  }
0x7f: {  	_ =	shalt  }
0x80: {  	_ =	shalt  }
0x81: {  	_ =	shalt  }
0x82: {  	_ =	shalt  }
0x83: {  	_ =	shalt  }
0x84: {  	_ =	shalt  }
0x85: {  	_ =	shalt  }
0x86: {  	_ =	shalt  }
0x87: {  	_ =	shalt  }
.Lfunc_end0:
.L_simem_size_0:
called_computation.2_lowered:
.L_overlay_start_0:
0x88: {  	s2 =	sld [smem:$0x3FD9]  }
0x89: {  	s3 =	sld [smem:$0x3FFE];
	_ =	sdelay $0x1  }
0x8a: {  	s1 =	srdreg.scid  }
0x8b: {  	s0 =	sand.u32 $0x1, s1  }
0x8c: {  	s16 =	sshll.u32 s0, $0xA;
	s2 =	sadd.s32 s3, s2  }
0x8d: {  	s2 =	sadd.s32 s2, s16  }
0x8e: {  	[smem:$0x3FB5] =	sst s2  }
0x8f: {  	_ = 	snop  }
0x90: {  	(tm) =	ssettm $0x1  }
0x91: {  	s17 =	sld [smem:$0x3FFB];
	_ =	sdelay $0x3  }
0x92: {  	_ =	strace s17  }
0x93: {  	s2 =	sld [smem:$0x3FFC];
	_ =	sdelay $0x3  }
0x94: {  	_ =	strace s2  }
0x95: {  	s2 =	sld [smem:$0x3FFD];
	_ =	sdelay $0x3  }
0x96: {  	_ =	strace s2  }
0x97: {  	_ =	strace $0x8FFFFFFF  }
0x98: {  	s18 =	sld [smem:$0x3FDB];
	_ =	sdelay $0x1  }
0x99: {  	s19 =	simm.s32 $_scs_section_size  }
0x9a: {  	s4 =	simm.s32 $_size__tile_overlayer_lowered;
	s5 =	simm.s32 $_tile_overlayer_lowered  }
0x9b: {  	s22 =	simm.s32 $0x1BFF;
	s21 =	sshll.u32 s5, $0x1;
	s2 =	sadd.s32 s19, s18  }
0x9c: {  	s6 =	simm.s32 $0x0;
	s20 =	sshll.u32 s4, $0x1;
	s4 =	sadd.s32 s21, s2  }
0x9d: {  	[timem:s6], [sflag:s22] =	dma.local [hbm:s4], s20  }
0x9e: {  	_ =	swait.ge [sflag:s22], s20  }
0x9f: {  	s3 =	ssub.s32 $0x0, s20;
	[sflag:s22] =	ssyncset.done $0x0  }
0xa0: {  	[sflag:s22] =	ssyncadd.s32 s3;
	_ =	sdelay $0x1  }
0xa1: {  	s23 =	simm.s32 $0x1B8B  }
0xa2: {  	_ =	swait.ge [sflag:s23], $0x1  }
0xa3: {  	[sflag:s23] =	ssyncset.done $0x0  }
0xa4: {  	s25 =	simm.s32 $0x1B8E;
	s24 =	sld [smem:$0x3FFE];
	[sflag:s23] =	ssyncadd.s32 $0xFFFFFFFF  }
0xa5: {  	s26 =	simm.s32 $execute0_lowered;
	[smem:$0x3FD2] =	sst s25  }
0xa6: {  	s4 =	sshll.u32 s26, $0x1;
	_ =	strace $0x8000004C;
	[dreg:$0x1] =	wrdreg $0xFFFFFFFF  }
0xa7: {  	s28 =	simm.s32 $_size_execute0_lowered;
	s2 =	sadd.s32 s2, s4;
	[dreg:$0x0] =	wrdreg $0x0  }
0xa8: {  	s4 =	sshll.u32 s28, $0x1;
	[dreg:$0x2] =	wrdreg s2  }
0xa9: {  	[dreg:$0x3] =	wrdreg s4  }
0xaa: {  	[dreg:$0x4] =	wrdreg $0xC0  }
0xab: {  	_ =	task [dreg:s6], $0x5FFFF  }
0xac: {  	[dreg:$0x1] =	wrdreg $0xFFFFFFFF  }
0xad: {  	[dreg:$0x0] =	wrdreg $0x60  }
0xae: {  	[dreg:$0x2] =	wrdreg s24  }
0xaf: {  	[dreg:$0x3] =	wrdreg $0x154000  }
0xb0: {  	[dreg:$0x4] =	wrdreg $0x9  }
0xb1: {  	_ =	task.clear_ibuf [dreg:s6], $0x5FFFF;
	_ =	strace $0x9000004C  }
0xb2: {  	s29 =	simm.s32 $0x9;
	_ =	strace $0x8000004E  }
0xb3: {  	_ =	swait.ge [sflag:s29], $0x1  }
0xb4: {  	[sflag:s29] =	ssyncadd.s32 $0xFFFFFFFF  }
0xb5: {  	_ =	strace $0x9000004E  }
0xb6: {  	_ =	sfence  }
0xb7: {  	s30 =	sld [smem:$0x0];
	_ =	sdelay $0x2  }
0xb8: {  	s31 =	sshll.u32 s1, $0xD;
	s1 =	sshrl.u32 s1, $0x2  }
0xb9: {  	s3 =	sand.u32 $0x4000, s31;
	s1 =	sadd.s32 s1, s30  }
0xba: {  	s0 =	sor.u32 s3, s0;
	s1 =	sshll.u32 s1, $0x11  }
0xbb: {  	s0 =	sor.u32 s1, s0  }
0xbc: {  	s0 =	sadd.s32 $0x8F2B, s0  }
0xbd: {  	[sflag:s0] =	ssyncadd.remote.s32 $0x1  }
0xbe: {  	_ =	sfence.sel $0xFFFF  }
0xbf: {  	[dreg:$0x0] =	wrdreg $0xFFFFFFFF;
	(pc) =	sbr.abs _section_cstart, $3  }
0xc0: {  	[dreg:$0x1] =	wrdreg $0xFFFFFFFF  }
0xc1: {  	_ =	task.clear_ibuf [dreg:s6], $0x2FFFF;
	_ =	strace $0x9FFFFFFF  }
0xc2: {  	(tm) =	ssettm $0x7FFFFFFF  }
0xc3: {  	_ =	shalt  }
tec
execute0_lowered:
.L_overlay_start_1:
0x0: {  	(tag) =	ssettag $0x1  }
0x1: {  	s0 =	rddreg [dreg:$0x0]  }
0x2: {  	s2 =	rddreg [dreg:$0x1];
	s1 =	srdreg.scid  }
0x3: {  	s7 =	stileid.u32;
	s4 =	simm.s32 $0x0;
	s14 =	simm.s32 $0x11  }
0x4: {  	s17 =	simm.s32 $0x5400;
	s18 =	simm.s32 $0x80;
	s19 =	simm.s32 $0x7400  }
0x5: {  	s28 =	simm.s32 $0xF400;
	s30 =	simm.s32 $0x11400;
	s15 =	simm.s32 $0x1  }
0x6: {  	s16 =	simm.s32 $0x2;
	s29 =	simm.s32 $0x8;
	s31 =	simm.s32 $0x9  }
0x7: {  	s9 =	simm.s32 $0xC;
	s10 =	simm.s32 $0xD;
	s11 =	simm.s32 $0xE  }
0x8: {  	s12 =	simm.s32 $0xF;
	s13 =	simm.s32 $0x10;
	s1 =	sand.u32 $0x1, s1  }
0x9: {  	s5 =	smul.u32 $0xA000, s7;
	[smem:$0x7FF] =	sst s4;
	s4 =	sadd.s32 $0x18600, s0  }
0xa: {  	s3 =	sshll.u32 s1, $0x4;
	s6 =	smul.u32 $0xA0000, s1;
	_ =	strace $0x8000004D  }
0xb: {  	s1 =	ssub.s32 $0x2, s1;
	s3 =	sor.u32 s7, s3;
	s7 =	smul.u32 $0x28000, s7  }
0xc: {  	s8 =	sshrl.u32 s1, $0x1;
	s3 =	smul.u32 $0x500, s3;
	s6 =	sadd.s32 s5, s6  }
0xd: {  	s1 =	ssub.s32 s1, s8;
	s5 =	sadd.s32 s5, s2;
	s8 =	simm.s32 $0xB  }
0xe: {  	s6 =	sshrl.u32 s6, $0x3;
	s20 =	sshrl.u32 s7, $0x2;
	[dreg:$0x5] =	wrdreg s5  }
0xf: {  	s26 =	smax.u32 s1, $0x1;
	s1 =	simm.s32 $0x7;
	s3 =	sadd.s32 s3, s0  }
0x10: {  	s5 =	simm.s32 $0x0;
	[dreg:$0xb] =	wrdreg s26;
	s21 =	sadd.s32 $0x4600, s3  }
0x11: {  	s22 =	sadd.s32 s20, s2;
	s3 =	sadd.s32 $0xE600, s3;
	[dreg:$0x3] =	wrdreg s21  }
0x12: {  	s0 =	sadd.s32 s6, s0;
	s23 =	sadd.s32 $0x2000, s22;
	[dreg:$0x4] =	wrdreg s3  }
0x13: {  	s20 =	simm.s32 $0x3;
	s24 =	sadd.s32 $0x4000, s22;
	[dreg:$0x6] =	wrdreg s23  }
0x14: {  	s26 =	simm.s32 $0x6;
	s25 =	sadd.s32 $0x6000, s22;
	[dreg:$0x7] =	wrdreg s24  }
0x15: {  	s6 =	simm.s32 $0xA;
	s0 =	sadd.s32 $0x2C600, s0;
	[dreg:$0x8] =	wrdreg s25  }
0x16: {  	s3 =	sadd.s32 $0x8000, s22;
	[dreg:$0xa] =	wrdreg s0;
	s21 =	simm.s32 $0x9400  }
0x17: {  	s23 =	simm.s32 $0xB400;
	s25 =	simm.s32 $0xD400;
	s0 =	simm.s32 $0x13400  }
0x18: {  	v0 =	vimm.f32 $0.0e+00;
	s22 =	simm.s32 $0x4;
	s24 =	simm.s32 $0x5;
	[dreg:$0x9] =	wrdreg s3  }
.LBB2_1:
0x19: {  	[dreg:$0xc] =	wrdreg s5  }
0x1a: {  	s3 =	simm.s32 $0x0;
	s5 =	rddreg [dreg:$0x3]  }
0x1b: {  	[tilespmem:s3], [sflag:$0x11] =	stream.linear.gather [hbm4b:s5+s3], $0x2800, $0x38;
	[tilespmem:$0x1F400] =	vst v63  }
0x1c: {  	_ =	swait.ge [sflag:s14], $0x2800  }
0x1d: {  	[sflag:s14] =	ssyncset.done $0x0  }
0x1e: {  	s7 =	simm.s32 $0x2800;
	[sflag:s14] =	ssyncadd.s32 $0xFFFFD800  }
0x1f: {  	[tilespmem:s7], [sflag:$0x11] =	stream.linear.gather [hbm4b:s5+s3], $0x400, $0x38;
	[tilespmem:$0x1F400] =	vst v63  }
0x20: {  	_ =	swait.ge [sflag:s14], $0x400  }
0x21: {  	[sflag:s14] =	ssyncset.done $0x0  }
0x22: {  	s7 =	simm.s32 $0x2C00;
	s5 =	rddreg [dreg:$0x4];
	[sflag:s14] =	ssyncadd.s32 $0xFFFFFC00  }
0x23: {  	[tilespmem:s7], [sflag:$0x11] =	stream.linear.gather [hbm4b:s5+s3], $0x2800, $0x38;
	[tilespmem:$0x1F400] =	vst v63  }
0x24: {  	_ =	swait.ge [sflag:s14], $0x2800  }
0x25: {  	[sflag:s14] =	ssyncset.done $0x0  }
0x26: {  	s7 =	simm.s32 $0x100;
	s5 =	simm.s32 $0x0;
	[sflag:s14] =	ssyncadd.s32 $0xFFFFD800  }
.LBB2_2:
0x27: {  	p0 =	sne.s32 s7, $0x7F00;
	[tilespmem:s5+$0x5430] =	vst v0;
	s3 =	smov.u32 s7;
	s7 =	sadd.s32 $0x100, s7  }
.Ltmp0:
0x28: {  	[tilespmem:s5+$0x5420] =	vst v0;
	(pc) =	sbr.rel @p0 .LBB2_2-.Ltmp0, $3  }
0x29: {  	[tilespmem:s5+$0x5400] =	vst v0  }
0x2a: {  	[tilespmem:s5+$0x5410] =	vst v0;
	_ =	sdelay $0x1  }
0x2b: {  	s5 =	sshra.s32 s3, $0x2  }
0x2c: {  	[tilespmem:s5+$0x5430] =	vst v0  }
0x2d: {  	[tilespmem:s5+$0x5420] =	vst v0  }
0x2e: {  	[tilespmem:s5+$0x5400] =	vst v0  }
0x2f: {  	[tilespmem:s5+$0x5410] =	vst v0;
	s3 =	rddreg [dreg:$0x5]  }
0x30: {  	[spmem:s3] =	stream.linear.scatter [tilespmem:s17], [sflag:$0x11], $0x2000, $0x38;
	[tilespmem:$0x1F400] =	vst v63  }
0x31: {  	_ =	swait.ge [sflag:s14], $0x2000  }
0x32: {  	[sflag:s14] =	ssyncset.done $0x0  }
0x33: {  	s5 =	rddreg [dreg:$0x6];
	[sflag:s14] =	ssyncadd.s32 $0xFFFFE000  }
0x34: {  	[spmem:s5] =	stream.linear.scatter [tilespmem:s17], [sflag:$0x11], $0x2000, $0x38;
	[tilespmem:$0x1F400] =	vst v63  }
0x35: {  	_ =	swait.ge [sflag:s14], $0x2000  }
0x36: {  	[sflag:s14] =	ssyncset.done $0x0  }
0x37: {  	s7 =	rddreg [dreg:$0x7];
	[sflag:s14] =	ssyncadd.s32 $0xFFFFE000  }
0x38: {  	[spmem:s7] =	stream.linear.scatter [tilespmem:s17], [sflag:$0x11], $0x2000, $0x38;
	[tilespmem:$0x1F400] =	vst v63  }
0x39: {  	_ =	swait.ge [sflag:s14], $0x2000  }
0x3a: {  	[sflag:s14] =	ssyncset.done $0x0  }
0x3b: {  	s5 =	rddreg [dreg:$0x8];
	[sflag:s14] =	ssyncadd.s32 $0xFFFFE000  }
0x3c: {  	[spmem:s5] =	stream.linear.scatter [tilespmem:s17], [sflag:$0x11], $0x2000, $0x38;
	[tilespmem:$0x1F400] =	vst v63  }
0x3d: {  	_ =	swait.ge [sflag:s14], $0x2000  }
0x3e: {  	[sflag:s14] =	ssyncset.done $0x0  }
0x3f: {  	s7 =	rddreg [dreg:$0x9];
	[sflag:s14] =	ssyncadd.s32 $0xFFFFE000  }
0x40: {  	[spmem:s7] =	stream.linear.scatter [tilespmem:s17], [sflag:$0x11], $0x2000, $0x38;
	[tilespmem:$0x1F400] =	vst v63  }
0x41: {  	_ =	swait.ge [sflag:s14], $0x2000  }
0x42: {  	[sflag:s14] =	ssyncset.done $0x0  }
0x43: {  	s5 =	simm.s32 $0x0;
	[sflag:s14] =	ssyncadd.s32 $0xFFFFE000  }
0x44: {  	[tilespmem:s17], [sflag:$0x1] =	stream.indirect.gather [hbm4b:s4+s18], $0x40, s5, s18, $0xb8;
	[tilespmem:$0x1F400] =	vst v63  }
0x45: {  	_ = 	snop  }
0x46: {  	[tilespmem:s19], [sflag:$0x2] =	stream.indirect.gather [hbm4b:s4+s18], $0x40, s18, s18, $0xb8;
	[tilespmem:$0x1F400] =	vst v63  }
0x47: {  	s7 =	simm.s32 $0x100  }
0x48: {  	[tilespmem:s21], [sflag:$0x3] =	stream.indirect.gather [hbm4b:s4+s18], $0x40, s7, s18, $0xb8;
	[tilespmem:$0x1F400] =	vst v63  }
0x49: {  	s5 =	simm.s32 $0x180  }
0x4a: {  	[tilespmem:s23], [sflag:$0x4] =	stream.indirect.gather [hbm4b:s4+s18], $0x40, s5, s18, $0xb8;
	[tilespmem:$0x1F400] =	vst v63  }
0x4b: {  	s7 =	simm.s32 $0x200  }
0x4c: {  	[tilespmem:s25], [sflag:$0x5] =	stream.indirect.gather [hbm4b:s4+s18], $0x40, s7, s18, $0xb8;
	[tilespmem:$0x1F400] =	vst v63  }
0x4d: {  	s5 =	simm.s32 $0x280  }
0x4e: {  	[tilespmem:s28], [sflag:$0x6] =	stream.indirect.gather [hbm4b:s4+s18], $0x40, s5, s18, $0xb8;
	[tilespmem:$0x1F400] =	vst v63  }
0x4f: {  	s7 =	simm.s32 $0x300  }
0x50: {  	[tilespmem:s30], [sflag:$0x7] =	stream.indirect.gather [hbm4b:s4+s18], $0x40, s7, s18, $0xb8;
	[tilespmem:$0x1F400] =	vst v63  }
0x51: {  	s5 =	simm.s32 $0x380  }
0x52: {  	[tilespmem:s0], [sflag:$0x8] =	stream.indirect.gather [hbm4b:s4+s18], $0x40, s5, s18, $0xb8;
	[tilespmem:$0x1F400] =	vst v63  }
0x53: {  	[bflag:$0x0] =	sbarrier.arrive $0xFFFF  }
0x54: {  	_ =	swait.ge [sflag:s15], $0x2000  }
0x55: {  	[sflag:s15] =	ssyncset.done $0x0  }
0x56: {  	s7 =	simm.s32 $0x2C00;
	[sflag:s15] =	ssyncadd.s32 $0xFFFFE000  }
0x57: {  	[spmem:s2] =	stream.indirect.scatter.add.f32 [tilespmem:s17], [sflag:$0x9], $0x40, s7, s18, $0xb8;
	[tilespmem:$0x1F400] =	vst v63  }
0x58: {  	_ =	swait.ge [sflag:s16], $0x2000  }
0x59: {  	[sflag:s16] =	ssyncset.done $0x0  }
0x5a: {  	s5 =	simm.s32 $0x2C80;
	[sflag:s16] =	ssyncadd.s32 $0xFFFFE000  }
0x5b: {  	[spmem:s2] =	stream.indirect.scatter.add.f32 [tilespmem:s19], [sflag:$0xA], $0x40, s5, s18, $0xb8;
	[tilespmem:$0x1F400] =	vst v63  }
0x5c: {  	_ =	swait.ge [sflag:s20], $0x2000  }
0x5d: {  	[sflag:s20] =	ssyncset.done $0x0  }
0x5e: {  	s7 =	simm.s32 $0x2D00;
	[sflag:s20] =	ssyncadd.s32 $0xFFFFE000  }
0x5f: {  	[spmem:s2] =	stream.indirect.scatter.add.f32 [tilespmem:s21], [sflag:$0xB], $0x40, s7, s18, $0xb8;
	[tilespmem:$0x1F400] =	vst v63  }
0x60: {  	_ =	swait.ge [sflag:s22], $0x2000  }
0x61: {  	[sflag:s22] =	ssyncset.done $0x0  }
0x62: {  	s5 =	simm.s32 $0x2D80;
	[sflag:s22] =	ssyncadd.s32 $0xFFFFE000  }
0x63: {  	[spmem:s2] =	stream.indirect.scatter.add.f32 [tilespmem:s23], [sflag:$0xC], $0x40, s5, s18, $0xb8;
	[tilespmem:$0x1F400] =	vst v63  }
0x64: {  	_ =	swait.ge [sflag:s24], $0x2000  }
0x65: {  	[sflag:s24] =	ssyncset.done $0x0  }
0x66: {  	s7 =	simm.s32 $0x2E00;
	[sflag:s24] =	ssyncadd.s32 $0xFFFFE000  }
0x67: {  	[spmem:s2] =	stream.indirect.scatter.add.f32 [tilespmem:s25], [sflag:$0xD], $0x40, s7, s18, $0xb8;
	[tilespmem:$0x1F400] =	vst v63  }
0x68: {  	_ =	swait.ge [sflag:s26], $0x2000  }
0x69: {  	[sflag:s26] =	ssyncset.done $0x0  }
0x6a: {  	s5 =	simm.s32 $0x2E80;
	[sflag:s26] =	ssyncadd.s32 $0xFFFFE000  }
0x6b: {  	[spmem:s2] =	stream.indirect.scatter.add.f32 [tilespmem:s28], [sflag:$0xE], $0x40, s5, s18, $0xb8;
	[tilespmem:$0x1F400] =	vst v63  }
0x6c: {  	_ =	swait.ge [sflag:s1], $0x2000  }
0x6d: {  	[sflag:s1] =	ssyncset.done $0x0  }
0x6e: {  	s7 =	simm.s32 $0x2F00;
	[sflag:s1] =	ssyncadd.s32 $0xFFFFE000  }
0x6f: {  	[spmem:s2] =	stream.indirect.scatter.add.f32 [tilespmem:s30], [sflag:$0xF], $0x40, s7, s18, $0xb8;
	[tilespmem:$0x1F400] =	vst v63  }
0x70: {  	_ =	swait.ge [sflag:s29], $0x2000  }
0x71: {  	[sflag:s29] =	ssyncset.done $0x0  }
0x72: {  	s5 =	simm.s32 $0x2F80;
	[sflag:s29] =	ssyncadd.s32 $0xFFFFE000  }
0x73: {  	[spmem:s2] =	stream.indirect.scatter.add.f32 [tilespmem:s0], [sflag:$0x10], $0x40, s5, s18, $0xb8;
	[tilespmem:$0x1F400] =	vst v63  }
0x74: {  	_ =	swait.ge [sflag:s31], $0x2000  }
0x75: {  	[sflag:s31] =	ssyncset.done $0x0  }
0x76: {  	s7 =	simm.s32 $0x400;
	[sflag:s31] =	ssyncadd.s32 $0xFFFFE000  }
0x77: {  	[tilespmem:s17], [sflag:$0x1] =	stream.indirect.gather [hbm4b:s4+s18], $0x40, s7, s18, $0xb8;
	[tilespmem:$0x1F400] =	vst v63  }
0x78: {  	_ =	swait.ge [sflag:s6], $0x2000  }
0x79: {  	[sflag:s6] =	ssyncset.done $0x0  }
0x7a: {  	s5 =	simm.s32 $0x480;
	[sflag:s6] =	ssyncadd.s32 $0xFFFFE000  }
0x7b: {  	[tilespmem:s19], [sflag:$0x2] =	stream.indirect.gather [hbm4b:s4+s18], $0x40, s5, s18, $0xb8;
	[tilespmem:$0x1F400] =	vst v63  }
0x7c: {  	_ =	swait.ge [sflag:s8], $0x2000  }
0x7d: {  	[sflag:s8] =	ssyncset.done $0x0  }
0x7e: {  	s7 =	simm.s32 $0x500;
	[sflag:s8] =	ssyncadd.s32 $0xFFFFE000  }
0x7f: {  	[tilespmem:s21], [sflag:$0x3] =	stream.indirect.gather [hbm4b:s4+s18], $0x40, s7, s18, $0xb8;
	[tilespmem:$0x1F400] =	vst v63  }
0x80: {  	_ =	swait.ge [sflag:s9], $0x2000  }
0x81: {  	[sflag:s9] =	ssyncset.done $0x0  }
0x82: {  	s5 =	simm.s32 $0x580;
	[sflag:s9] =	ssyncadd.s32 $0xFFFFE000  }
0x83: {  	[tilespmem:s23], [sflag:$0x4] =	stream.indirect.gather [hbm4b:s4+s18], $0x40, s5, s18, $0xb8;
	[tilespmem:$0x1F400] =	vst v63  }
0x84: {  	_ =	swait.ge [sflag:s10], $0x2000  }
0x85: {  	[sflag:s10] =	ssyncset.done $0x0  }
0x86: {  	s7 =	simm.s32 $0x600;
	[sflag:s10] =	ssyncadd.s32 $0xFFFFE000  }
0x87: {  	[tilespmem:s25], [sflag:$0x5] =	stream.indirect.gather [hbm4b:s4+s18], $0x40, s7, s18, $0xb8;
	[tilespmem:$0x1F400] =	vst v63  }
0x88: {  	_ =	swait.ge [sflag:s11], $0x2000  }
0x89: {  	[sflag:s11] =	ssyncset.done $0x0  }
0x8a: {  	s5 =	simm.s32 $0x680;
	[sflag:s11] =	ssyncadd.s32 $0xFFFFE000  }
0x8b: {  	[tilespmem:s28], [sflag:$0x6] =	stream.indirect.gather [hbm4b:s4+s18], $0x40, s5, s18, $0xb8;
	[tilespmem:$0x1F400] =	vst v63  }
0x8c: {  	_ =	swait.ge [sflag:s12], $0x2000  }
0x8d: {  	[sflag:s12] =	ssyncset.done $0x0  }
0x8e: {  	s7 =	simm.s32 $0x700;
	[sflag:s12] =	ssyncadd.s32 $0xFFFFE000  }
0x8f: {  	[tilespmem:s30], [sflag:$0x7] =	stream.indirect.gather [hbm4b:s4+s18], $0x40, s7, s18, $0xb8;
	[tilespmem:$0x1F400] =	vst v63  }
0x90: {  	_ =	swait.ge [sflag:s13], $0x2000  }
0x91: {  	[sflag:s13] =	ssyncset.done $0x0  }
0x92: {  	s5 =	simm.s32 $0x1000;
	s7 =	simm.s32 $0x780;
	[sflag:s13] =	ssyncadd.s32 $0xFFFFE000  }
.LBB2_4:
0x93: {  	[tilespmem:s0], [sflag:$0x8] =	stream.indirect.gather [hbm4b:s4+s18], $0x40, s7, s18, $0xb8;
	[tilespmem:$0x1F400] =	vst v63  }
0x94: {  	s3 =	smov.u32 s5  }
0x95: {  	p0 =	sne.s32 s5, $0x9000;
	s5 =	sadd.s32 $0x1000, s5;
	_ =	swait.ge [sflag:s15], $0x2000  }
0x96: {  	s7 =	sshra.s32 s3, $0x2;
	[sflag:s15] =	ssyncset.done $0x0  }
0x97: {  	s3 =	sadd.s32 $0x2C00, s7;
	[sflag:s15] =	ssyncadd.s32 $0xFFFFE000  }
0x98: {  	[spmem:s2] =	stream.indirect.scatter.add.f32 [tilespmem:s17], [sflag:$0x9], $0x40, s3, s18, $0xb8;
	[tilespmem:$0x1F400] =	vst v63  }
0x99: {  	_ =	swait.ge [sflag:s16], $0x2000  }
0x9a: {  	[sflag:s16] =	ssyncset.done $0x0  }
0x9b: {  	s3 =	sadd.s32 $0x2C80, s7;
	[sflag:s16] =	ssyncadd.s32 $0xFFFFE000  }
0x9c: {  	[spmem:s2] =	stream.indirect.scatter.add.f32 [tilespmem:s19], [sflag:$0xA], $0x40, s3, s18, $0xb8;
	[tilespmem:$0x1F400] =	vst v63  }
0x9d: {  	_ =	swait.ge [sflag:s20], $0x2000  }
0x9e: {  	[sflag:s20] =	ssyncset.done $0x0  }
0x9f: {  	s3 =	sadd.s32 $0x2D00, s7;
	[sflag:s20] =	ssyncadd.s32 $0xFFFFE000  }
0xa0: {  	[spmem:s2] =	stream.indirect.scatter.add.f32 [tilespmem:s21], [sflag:$0xB], $0x40, s3, s18, $0xb8;
	[tilespmem:$0x1F400] =	vst v63  }
0xa1: {  	_ =	swait.ge [sflag:s22], $0x2000  }
0xa2: {  	[sflag:s22] =	ssyncset.done $0x0  }
0xa3: {  	s3 =	sadd.s32 $0x2D80, s7;
	[sflag:s22] =	ssyncadd.s32 $0xFFFFE000  }
0xa4: {  	[spmem:s2] =	stream.indirect.scatter.add.f32 [tilespmem:s23], [sflag:$0xC], $0x40, s3, s18, $0xb8;
	[tilespmem:$0x1F400] =	vst v63  }
0xa5: {  	_ =	swait.ge [sflag:s24], $0x2000  }
0xa6: {  	[sflag:s24] =	ssyncset.done $0x0  }
0xa7: {  	s3 =	sadd.s32 $0x2E00, s7;
	[sflag:s24] =	ssyncadd.s32 $0xFFFFE000  }
0xa8: {  	[spmem:s2] =	stream.indirect.scatter.add.f32 [tilespmem:s25], [sflag:$0xD], $0x40, s3, s18, $0xb8;
	[tilespmem:$0x1F400] =	vst v63  }
0xa9: {  	_ =	swait.ge [sflag:s26], $0x2000  }
0xaa: {  	[sflag:s26] =	ssyncset.done $0x0  }
0xab: {  	s3 =	sadd.s32 $0x2E80, s7;
	[sflag:s26] =	ssyncadd.s32 $0xFFFFE000  }
0xac: {  	[spmem:s2] =	stream.indirect.scatter.add.f32 [tilespmem:s28], [sflag:$0xE], $0x40, s3, s18, $0xb8;
	[tilespmem:$0x1F400] =	vst v63  }
0xad: {  	_ =	swait.ge [sflag:s1], $0x2000  }
0xae: {  	[sflag:s1] =	ssyncset.done $0x0  }
0xaf: {  	s3 =	sadd.s32 $0x2F00, s7;
	[sflag:s1] =	ssyncadd.s32 $0xFFFFE000  }
0xb0: {  	[spmem:s2] =	stream.indirect.scatter.add.f32 [tilespmem:s30], [sflag:$0xF], $0x40, s3, s18, $0xb8;
	[tilespmem:$0x1F400] =	vst v63  }
0xb1: {  	_ =	swait.ge [sflag:s29], $0x2000  }
0xb2: {  	[sflag:s29] =	ssyncset.done $0x0  }
0xb3: {  	s3 =	sadd.s32 $0x2F80, s7;
	[sflag:s29] =	ssyncadd.s32 $0xFFFFE000  }
0xb4: {  	[spmem:s2] =	stream.indirect.scatter.add.f32 [tilespmem:s0], [sflag:$0x10], $0x40, s3, s18, $0xb8;
	[tilespmem:$0x1F400] =	vst v63  }
0xb5: {  	_ =	swait.ge [sflag:s31], $0x2000  }
0xb6: {  	[sflag:s31] =	ssyncset.done $0x0  }
0xb7: {  	s3 =	sadd.s32 $0x400, s7;
	[sflag:s31] =	ssyncadd.s32 $0xFFFFE000  }
0xb8: {  	[tilespmem:s17], [sflag:$0x1] =	stream.indirect.gather [hbm4b:s4+s18], $0x40, s3, s18, $0xb8;
	[tilespmem:$0x1F400] =	vst v63  }
0xb9: {  	_ =	swait.ge [sflag:s6], $0x2000  }
0xba: {  	[sflag:s6] =	ssyncset.done $0x0  }
0xbb: {  	s3 =	sadd.s32 $0x480, s7;
	[sflag:s6] =	ssyncadd.s32 $0xFFFFE000  }
0xbc: {  	[tilespmem:s19], [sflag:$0x2] =	stream.indirect.gather [hbm4b:s4+s18], $0x40, s3, s18, $0xb8;
	[tilespmem:$0x1F400] =	vst v63  }
0xbd: {  	_ =	swait.ge [sflag:s8], $0x2000  }
0xbe: {  	[sflag:s8] =	ssyncset.done $0x0  }
0xbf: {  	s3 =	sadd.s32 $0x500, s7;
	[sflag:s8] =	ssyncadd.s32 $0xFFFFE000  }
0xc0: {  	[tilespmem:s21], [sflag:$0x3] =	stream.indirect.gather [hbm4b:s4+s18], $0x40, s3, s18, $0xb8;
	[tilespmem:$0x1F400] =	vst v63  }
0xc1: {  	_ =	swait.ge [sflag:s9], $0x2000  }
0xc2: {  	[sflag:s9] =	ssyncset.done $0x0  }
0xc3: {  	s3 =	sadd.s32 $0x580, s7;
	[sflag:s9] =	ssyncadd.s32 $0xFFFFE000  }
0xc4: {  	[tilespmem:s23], [sflag:$0x4] =	stream.indirect.gather [hbm4b:s4+s18], $0x40, s3, s18, $0xb8;
	[tilespmem:$0x1F400] =	vst v63  }
0xc5: {  	_ =	swait.ge [sflag:s10], $0x2000  }
0xc6: {  	[sflag:s10] =	ssyncset.done $0x0  }
0xc7: {  	s3 =	sadd.s32 $0x600, s7;
	[sflag:s10] =	ssyncadd.s32 $0xFFFFE000  }
0xc8: {  	[tilespmem:s25], [sflag:$0x5] =	stream.indirect.gather [hbm4b:s4+s18], $0x40, s3, s18, $0xb8;
	[tilespmem:$0x1F400] =	vst v63  }
0xc9: {  	_ =	swait.ge [sflag:s11], $0x2000  }
0xca: {  	[sflag:s11] =	ssyncset.done $0x0  }
0xcb: {  	s3 =	sadd.s32 $0x680, s7;
	[sflag:s11] =	ssyncadd.s32 $0xFFFFE000  }
0xcc: {  	[tilespmem:s28], [sflag:$0x6] =	stream.indirect.gather [hbm4b:s4+s18], $0x40, s3, s18, $0xb8;
	[tilespmem:$0x1F400] =	vst v63  }
0xcd: {  	_ =	swait.ge [sflag:s12], $0x2000  }
0xce: {  	[sflag:s12] =	ssyncset.done $0x0  }
.Ltmp1:
0xcf: {  	s3 =	sadd.s32 $0x700, s7;
	[sflag:s12] =	ssyncadd.s32 $0xFFFFE000;
	(pc) =	sbr.rel @p0 .LBB2_4-.Ltmp1, $4  }
0xd0: {  	[tilespmem:s30], [sflag:$0x7] =	stream.indirect.gather [hbm4b:s4+s18], $0x40, s3, s18, $0xb8;
	[tilespmem:$0x1F400] =	vst v63  }
0xd1: {  	_ =	swait.ge [sflag:s13], $0x2000  }
0xd2: {  	[sflag:s13] =	ssyncset.done $0x0  }
0xd3: {  	s7 =	sadd.s32 $0x780, s7;
	[sflag:s13] =	ssyncadd.s32 $0xFFFFE000  }
0xd4: {  	[tilespmem:s0], [sflag:$0x8] =	stream.indirect.gather [hbm4b:s4+s18], $0x40, s7, s18, $0xb8;
	[tilespmem:$0x1F400] =	vst v63  }
0xd5: {  	_ =	swait.ge [sflag:s15], $0x2000  }
0xd6: {  	[sflag:s15] =	ssyncset.done $0x0  }
0xd7: {  	[sflag:s15] =	ssyncadd.s32 $0xFFFFE000  }
0xd8: {  	_ =	swait.ge [sflag:s16], $0x2000  }
0xd9: {  	[sflag:s16] =	ssyncset.done $0x0  }
0xda: {  	[sflag:s16] =	ssyncadd.s32 $0xFFFFE000  }
0xdb: {  	_ =	swait.ge [sflag:s20], $0x2000  }
0xdc: {  	[sflag:s20] =	ssyncset.done $0x0  }
0xdd: {  	[sflag:s20] =	ssyncadd.s32 $0xFFFFE000  }
0xde: {  	_ =	swait.ge [sflag:s22], $0x2000  }
0xdf: {  	[sflag:s22] =	ssyncset.done $0x0  }
0xe0: {  	[sflag:s22] =	ssyncadd.s32 $0xFFFFE000  }
0xe1: {  	_ =	swait.ge [sflag:s24], $0x2000  }
0xe2: {  	[sflag:s24] =	ssyncset.done $0x0  }
0xe3: {  	[sflag:s24] =	ssyncadd.s32 $0xFFFFE000  }
0xe4: {  	_ =	swait.ge [sflag:s26], $0x2000  }
0xe5: {  	[sflag:s26] =	ssyncset.done $0x0  }
0xe6: {  	[sflag:s26] =	ssyncadd.s32 $0xFFFFE000  }
0xe7: {  	_ =	swait.ge [sflag:s1], $0x2000  }
0xe8: {  	[sflag:s1] =	ssyncset.done $0x0  }
0xe9: {  	[sflag:s1] =	ssyncadd.s32 $0xFFFFE000  }
0xea: {  	_ =	swait.ge [sflag:s29], $0x2000  }
0xeb: {  	[sflag:s29] =	ssyncset.done $0x0  }
0xec: {  	[sflag:s29] =	ssyncadd.s32 $0xFFFFE000  }
0xed: {  	s3 =	stileid.u32;
	[bflag:$0x0] =	sbarrier.arrive $0xFFFF  }
0xee: {  	s3 =	sshll.u32 s3, $0x6;
	s5 =	rddreg [dreg:$0x5]  }
0xef: {  	s3 =	sor.u32 $0x1C11, s3;
	s7 =	rddreg [dreg:$0xa];
	s5 =	sshrl.u32 s5, $0x3  }
0xf0: {  	[hbm:s7], [sflag:s3] =	dma.local [spmem:s5], $0x1400  }
0xf1: {  	_ =	swait.ge [sflag:s14], $0x1400  }
0xf2: {  	s3 =	rddreg [dreg:$0xc]  }
0xf3: {  	s7 =	rddreg [dreg:$0xb];
	s5 =	sadd.s32 $0x1, s3  }
0xf4: {  	p0 =	sne.s32 s5, s7  }
.Ltmp2:
0xf5: {  	_ = 	snop;
	(pc) =	sbr.rel @p0 .LBB2_1-.Ltmp2, $3  }
0xf6: {  	_ =	sdelay $0x1  }
0xf7: {  	[sflag:s14] =	ssyncset.done $0x0  }
0xf8: {  	[sflag:s14] =	ssyncadd.s32 $0xFFFFEC00  }
0xf9: {  	_ =	sfence.sel $0x180000  }
0xfa: {  	[bflag:$0x0] =	sbarrier.arrive $0xFFFF  }
0xfb: {  	_ =	strace $0x9000004D  }
0xfc: {  	s0 =	stileid.u32;
	[bflag:$0x2] =	sbarrier.arrive $0xFFFF  }
0xfd: {  	p0 =	sne.s32 s0, $0x0;
	s0 =	rddreg [dreg:$0x2]  }
0xfe: {  	s0 =	sadd.s32 @!p0 $0x100000, s0  }
0xff: {  	[sflag:s0] =	ssyncadd.tile.s32 @!p0 $0x1;
	_ =	shalt  }
.Lfunc_end2:
_tile_overlayer_lowered:
.L_overlay_start_2:
0x100: {  	(tag) =	ssettag $0x2  }
0x101: {  	s0 =	rddreg [dreg:$0x0];
	s2 =	stileid.u32  }
0x102: {  	s1 =	rddreg [dreg:$0x1];
	p0 =	sne.s32 s2, $0x0  }
0x103: {  	s3 =	rddreg [dreg:$0x2];
	[bflag:$0x3] =	sbarrier.arrive $0xFFFF;
	s2 =	simm.s32 @!p0 $0x1C11  }
0x104: {  	[timem:s3], [sflag:s2] =	dma.local @!p0 [hbm:s0], s1  }
0x105: {  	s0 =	simm.s32 @!p0 $0x11  }
0x106: {  	_ =	swait.ge @!p0 [sflag:s0], s1  }
0x107: {  	s1 =	ssub.s32 @!p0 $0x0, s1;
	[sflag:s0] =	ssyncset.done @!p0 $0x0  }
0x108: {  	[sflag:s0] =	ssyncadd.s32 @!p0 s1  }
0x109: {  	[bflag:$0x3] =	sbarrier.arrive $0xFFFF  }
0x10a: {  	_ =	shalt  }

// kernel: kernel.9.cloned.1.call-start
scs
__scs_entry_jumppad:
0x0: {  	(pc) =	sbr.rel $0x88, $3  }
0x1: {  	(tag) =	ssettag $0x0;
	lr =	simm.s32 $0x1  }
0x2: {  	[smem:$0x3F8E] =	sst lr;
	_ =	strace $0xD0000000  }
0x3: {  	_ = 	snop  }
0x4: {  	_ = 	snop  }
0x5: {  	_ = 	snop  }
0x6: {  	_ = 	snop  }
0x7: {  	_ = 	snop  }
__scs_overlays_trampoline_lowered:
0x8: {  	[smem:$0x3F9D] =	sst s0  }
0x9: {  	[smem:$0x3F9E] =	sst s1  }
0xa: {  	[smem:$0x3F9F] =	sst s2  }
0xb: {  	[smem:$0x3FA0] =	sst s3  }
0xc: {  	[smem:$0x3FA1] =	sst s4  }
0xd: {  	[smem:$0x3FA2] =	sst s5  }
0xe: {  	[smem:$0x3FA3] =	sst s6  }
0xf: {  	[smem:$0x3FA4] =	sst s7  }
0x10: {  	[smem:$0x3FA5] =	sst s8  }
0x11: {  	[smem:$0x3FA6] =	sst s9;
	s0 =	simm.s32 @!p0 $0x0  }
0x12: {  	s1 =	sld [smem:$0x3F8C];
	s0 =	simm.s32 @p0 $0x1  }
0x13: {  	[smem:$0x3FA7] =	sst s0;
	s0 =	simm.s32 @!p1 $0x0  }
0x14: {  	s2 =	sld [smem:$0x3F8B];
	s0 =	simm.s32 @p1 $0x1  }
0x15: {  	[smem:$0x3FA8] =	sst s0;
	s0 =	simm.s32 @!p2 $0x0  }
0x16: {  	s3 =	sld [smem:$0x3FDB];
	s0 =	simm.s32 @p2 $0x1  }
0x17: {  	s4 =	simm.s32 $0x1BF5;
	[smem:$0x3FAA] =	sst s0  }
0x18: {  	s0 =	sld [smem:$0x3F8D];
	_ =	swait.ge [sflag:s4], $0x0  }
0x19: {  	s7 =	sld [smem:$0x3F8E]  }
0x1a: {  	s8 =	sadd.s32 $0xFFFFE003, lr  }
0x1b: {  	s9 =	sadd.s32 $0xFFFFFEF7, lr;
	s5 =	simm.s32 $0xFFFFFFFF;
	p2 =	slt.u32 s8, $0xFFFFF086  }
0x1c: {  	p1 =	slt.u32 s9, $0xF7A;
	s5 =	simm.s32 @!p2 $0x0  }
0x1d: {  	s5 =	simm.s32 @p1 $0x1;
	p0 =	seq.s32 s7, s2  }
0x1e: {  	s7 =	smul.u32 @!p0 $0xF7A, s2;
	p2 =	seq.s32 @!p0 s5, $0x0  }
0x1f: {  	s9 =	smul.u32 $0xF7A, s1;
	s8 =	simm.s32 @!p0 $0x1BF5;
	p2 =	por !p2, p0  }
0x20: {  	[sflag:s8] =	ssyncset.s32 @!p0 $0xFFFFF086;
	s6 =	sadd.s32 @!p0 s3, s7;
	s7 =	simm.s32 @!p0 $0x108  }
0x21: {  	s3 =	sadd.s32 s3, s9;
	s6 =	sadd.s32 @!p0 $0x88, s6;
	s7 =	simm.s32 @p2 $0x1082  }
0x22: {  	[simem:s7], [sflag:s8] =	dma.local @!p0 [hbm:s6], $0xF7A  }
0x23: {  	s9 =	sor.u32 $0xD0000000, s2;
	s6 =	simm.s32 $0x108;
	_ =	swait.ge @!p0 [sflag:s8], $0x0  }
0x24: {  	s3 =	sadd.s32 $0x88, s3;
	s6 =	simm.s32 @!p1 $0x1082;
	[sflag:s4] =	ssyncset.s32 $0xFFFFF086  }
0x25: {  	[simem:s6], [sflag:s4] =	dma.local [hbm:s3], $0xF7A  }
0x26: {  	[smem:$0x3F8E] =	sst s1;
	(tag) =	ssettag s2;
	_ =	strace s9  }
0x27: {  	s1 =	sld [smem:$0x3F9E]  }
0x28: {  	s2 =	sld [smem:$0x3F9F]  }
0x29: {  	s4 =	sld [smem:$0x3FA1]  }
0x2a: {  	p0 =	seq.s32 s5, $0x0;
	s5 =	sld [smem:$0x3FA2]  }
0x2b: {  	s6 =	sld [smem:$0x3FA3]  }
0x2c: {  	s7 =	sld [smem:$0x3FA4]  }
0x2d: {  	s3 =	simm.s32 $0x108;
	s8 =	sld [smem:$0x3FA5]  }
0x2e: {  	s3 =	simm.s32 @!p0 $0x1082;
	s9 =	sld [smem:$0x3FA6]  }
0x2f: {  	lr =	sadd.s32 s0, s3;
	s0 =	sld [smem:$0x3F9D]  }
0x30: {  	s3 =	sld [smem:$0x3FA0]  }
0x31: {  	[smem:$0x3FA9] =	sst s10  }
0x32: {  	s10 =	sld [smem:$0x3FA7];
	_ =	sdelay $0x3  }
0x33: {  	p0 =	seq.s32 s10, $0x1;
	s10 =	sld [smem:$0x3FA9];
	_ =	sdelay $0x3  }
0x34: {  	[smem:$0x3FA9] =	sst s10  }
0x35: {  	s10 =	sld [smem:$0x3FA8];
	_ =	sdelay $0x3  }
0x36: {  	p1 =	seq.s32 s10, $0x1;
	s10 =	sld [smem:$0x3FA9];
	_ =	sdelay $0x3  }
0x37: {  	[smem:$0x3FA9] =	sst s10  }
0x38: {  	s10 =	sld [smem:$0x3FAA]  }
0x39: {  	_ = 	snop;
	(pc) =	sbr.ind lr, $3  }
0x3a: {  	_ = 	snop  }
0x3b: {  	_ = 	snop  }
0x3c: {  	p2 =	seq.s32 s10, $0x1;
	s10 =	sld [smem:$0x3FA9]  }
0x3d: {  	_ =	shalt  }
0x3e: {  	_ =	shalt  }
0x3f: {  	_ =	shalt  }
0x40: {  	_ =	shalt  }
0x41: {  	_ =	shalt  }
0x42: {  	_ =	shalt  }
0x43: {  	_ =	shalt  }
0x44: {  	_ =	shalt  }
0x45: {  	_ =	shalt  }
0x46: {  	_ =	shalt  }
0x47: {  	_ =	shalt  }
0x48: {  	_ =	shalt  }
0x49: {  	_ =	shalt  }
0x4a: {  	_ =	shalt  }
0x4b: {  	_ =	shalt  }
0x4c: {  	_ =	shalt  }
0x4d: {  	_ =	shalt  }
0x4e: {  	_ =	shalt  }
0x4f: {  	_ =	shalt  }
0x50: {  	_ =	shalt  }
0x51: {  	_ =	shalt  }
0x52: {  	_ =	shalt  }
0x53: {  	_ =	shalt  }
0x54: {  	_ =	shalt  }
0x55: {  	_ =	shalt  }
0x56: {  	_ =	shalt  }
0x57: {  	_ =	shalt  }
0x58: {  	_ =	shalt  }
0x59: {  	_ =	shalt  }
0x5a: {  	_ =	shalt  }
0x5b: {  	_ =	shalt  }
0x5c: {  	_ =	shalt  }
0x5d: {  	_ =	shalt  }
0x5e: {  	_ =	shalt  }
0x5f: {  	_ =	shalt  }
0x60: {  	_ =	shalt  }
0x61: {  	_ =	shalt  }
0x62: {  	_ =	shalt  }
0x63: {  	_ =	shalt  }
0x64: {  	_ =	shalt  }
0x65: {  	_ =	shalt  }
0x66: {  	_ =	shalt  }
0x67: {  	_ =	shalt  }
0x68: {  	_ =	shalt  }
0x69: {  	_ =	shalt  }
0x6a: {  	_ =	shalt  }
0x6b: {  	_ =	shalt  }
0x6c: {  	_ =	shalt  }
0x6d: {  	_ =	shalt  }
0x6e: {  	_ =	shalt  }
0x6f: {  	_ =	shalt  }
0x70: {  	_ =	shalt  }
0x71: {  	_ =	shalt  }
0x72: {  	_ =	shalt  }
0x73: {  	_ =	shalt  }
0x74: {  	_ =	shalt  }
0x75: {  	_ =	shalt  }
0x76: {  	_ =	shalt  }
0x77: {  	_ =	shalt  }
0x78: {  	_ =	shalt  }
0x79: {  	_ =	shalt  }
0x7a: {  	_ =	shalt  }
0x7b: {  	_ =	shalt  }
0x7c: {  	_ =	shalt  }
0x7d: {  	_ =	shalt  }
0x7e: {  	_ =	shalt  }
0x7f: {  	_ =	shalt  }
0x80: {  	_ =	shalt  }
0x81: {  	_ =	shalt  }
0x82: {  	_ =	shalt  }
0x83: {  	_ =	shalt  }
0x84: {  	_ =	shalt  }
0x85: {  	_ =	shalt  }
0x86: {  	_ =	shalt  }
0x87: {  	_ =	shalt  }
.Lfunc_end0:
.L_simem_size_0:
called_computation_lowered:
.L_overlay_start_0:
0x88: {  	s2 =	sld [smem:$0x3FD9]  }
0x89: {  	s3 =	sld [smem:$0x3FFE];
	_ =	sdelay $0x1  }
0x8a: {  	s1 =	srdreg.scid  }
0x8b: {  	s0 =	sand.u32 $0x1, s1  }
0x8c: {  	s16 =	sshll.u32 s0, $0xA;
	s2 =	sadd.s32 s3, s2  }
0x8d: {  	s2 =	sadd.s32 s2, s16  }
0x8e: {  	[smem:$0x3FB5] =	sst s2  }
0x8f: {  	_ = 	snop  }
0x90: {  	(tm) =	ssettm $0x1  }
0x91: {  	s17 =	sld [smem:$0x3FFB];
	_ =	sdelay $0x3  }
0x92: {  	_ =	strace s17  }
0x93: {  	s2 =	sld [smem:$0x3FFC];
	_ =	sdelay $0x3  }
0x94: {  	_ =	strace s2  }
0x95: {  	s2 =	sld [smem:$0x3FFD];
	_ =	sdelay $0x3  }
0x96: {  	_ =	strace s2  }
0x97: {  	_ =	strace $0x8FFFFFFF  }
0x98: {  	s18 =	sld [smem:$0x3FDB];
	_ =	sdelay $0x1  }
0x99: {  	s19 =	simm.s32 $_scs_section_size  }
0x9a: {  	s4 =	simm.s32 $_size__tile_overlayer_lowered;
	s5 =	simm.s32 $_tile_overlayer_lowered  }
0x9b: {  	s22 =	simm.s32 $0x1BFF;
	s21 =	sshll.u32 s5, $0x1;
	s2 =	sadd.s32 s19, s18  }
0x9c: {  	s6 =	simm.s32 $0x0;
	s20 =	sshll.u32 s4, $0x1;
	s4 =	sadd.s32 s21, s2  }
0x9d: {  	[timem:s6], [sflag:s22] =	dma.local [hbm:s4], s20  }
0x9e: {  	_ =	swait.ge [sflag:s22], s20  }
0x9f: {  	s3 =	ssub.s32 $0x0, s20;
	[sflag:s22] =	ssyncset.done $0x0  }
0xa0: {  	[sflag:s22] =	ssyncadd.s32 s3;
	_ =	sdelay $0x1  }
0xa1: {  	s23 =	simm.s32 $0x1B8B  }
0xa2: {  	_ =	swait.ge [sflag:s23], $0x1  }
0xa3: {  	[sflag:s23] =	ssyncset.done $0x0  }
0xa4: {  	s25 =	simm.s32 $0x1B8E;
	s24 =	sld [smem:$0x3FFE];
	[sflag:s23] =	ssyncadd.s32 $0xFFFFFFFF  }
0xa5: {  	s26 =	simm.s32 $execute0_lowered;
	[smem:$0x3FD2] =	sst s25  }
0xa6: {  	s4 =	sshll.u32 s26, $0x1;
	_ =	strace $0x80000046;
	[dreg:$0x1] =	wrdreg $0xFFFFFFFF  }
0xa7: {  	s28 =	simm.s32 $_size_execute0_lowered;
	s2 =	sadd.s32 s2, s4;
	[dreg:$0x0] =	wrdreg $0x0  }
0xa8: {  	s4 =	sshll.u32 s28, $0x1;
	[dreg:$0x2] =	wrdreg s2  }
0xa9: {  	[dreg:$0x3] =	wrdreg s4  }
0xaa: {  	[dreg:$0x4] =	wrdreg $0xC0  }
0xab: {  	_ =	task [dreg:s6], $0x5FFFF  }
0xac: {  	[dreg:$0x1] =	wrdreg $0xFFFFFFFF  }
0xad: {  	[dreg:$0x0] =	wrdreg $0x60  }
0xae: {  	[dreg:$0x2] =	wrdreg s24  }
0xaf: {  	[dreg:$0x3] =	wrdreg $0x38000  }
0xb0: {  	[dreg:$0x4] =	wrdreg $0x9  }
0xb1: {  	_ =	task.clear_ibuf [dreg:s6], $0x5FFFF;
	_ =	strace $0x90000046  }
0xb2: {  	s29 =	simm.s32 $0x9;
	_ =	strace $0x80000048  }
0xb3: {  	_ =	swait.ge [sflag:s29], $0x1  }
0xb4: {  	[sflag:s29] =	ssyncadd.s32 $0xFFFFFFFF  }
0xb5: {  	_ =	strace $0x90000048  }
0xb6: {  	_ =	sfence  }
0xb7: {  	s30 =	sld [smem:$0x0];
	_ =	sdelay $0x2  }
0xb8: {  	s31 =	sshll.u32 s1, $0xD;
	s1 =	sshrl.u32 s1, $0x2  }
0xb9: {  	s3 =	sand.u32 $0x4000, s31;
	s1 =	sadd.s32 s1, s30  }
0xba: {  	s0 =	sor.u32 s3, s0;
	s1 =	sshll.u32 s1, $0x11  }
0xbb: {  	s0 =	sor.u32 s1, s0  }
0xbc: {  	s0 =	sadd.s32 $0x8F2B, s0  }
0xbd: {  	[sflag:s0] =	ssyncadd.remote.s32 $0x1  }
0xbe: {  	_ =	sfence.sel $0xFFFF  }
0xbf: {  	[dreg:$0x0] =	wrdreg $0xFFFFFFFF;
	(pc) =	sbr.abs _section_cstart, $3  }
0xc0: {  	[dreg:$0x1] =	wrdreg $0xFFFFFFFF  }
0xc1: {  	_ =	task.clear_ibuf [dreg:s6], $0x2FFFF;
	_ =	strace $0x9FFFFFFF  }
0xc2: {  	(tm) =	ssettm $0x7FFFFFFF  }
0xc3: {  	_ =	shalt  }
tec
execute0_lowered:
.L_overlay_start_1:
0x0: {  	(tag) =	ssettag $0x1  }
0x1: {  	s4 =	rddreg [dreg:$0x0];
	s0 =	srdreg.scid  }
0x2: {  	s2 =	rddreg [dreg:$0x1];
	s1 =	stileid.u32  }
0x3: {  	s3 =	simm.s32 $0x0;
	s12 =	simm.s32 $0x1;
	s13 =	simm.s32 $0x3000  }
0x4: {  	s14 =	simm.s32 $0x80;
	s15 =	simm.s32 $0x2800;
	s18 =	simm.s32 $0x0  }
0x5: {  	s5 =	sand.u32 $0x1, s0;
	s0 =	rddreg [dreg:$0x2];
	s7 =	smul.u32 $0x2800, s1  }
0x6: {  	[smem:$0x7FF] =	sst s3;
	s9 =	smul.u32 $0xA000, s1;
	s16 =	sshll.u32 s1, $0x6  }
0x7: {  	s6 =	sshll.u32 s5, $0x4;
	s8 =	smul.u32 $0x28000, s5;
	_ =	strace $0x80000047  }
0x8: {  	s5 =	ssub.s32 $0x2, s5;
	s16 =	sor.u32 $0x1C01, s16;
	s6 =	sor.u32 s1, s6  }
0x9: {  	s30 =	sshrl.u32 s5, $0x1;
	s31 =	sshrl.u32 s9, $0x2;
	s6 =	smul.u32 $0x500, s6  }
0xa: {  	s8 =	sadd.s32 s7, s8;
	s11 =	ssub.s32 s5, s30;
	s9 =	sadd.s32 s31, s2  }
0xb: {  	s5 =	sadd.s32 s7, s2;
	s8 =	sshrl.u32 s8, $0x3;
	s7 =	sadd.s32 $0x1000, s9  }
0xc: {  	s11 =	smax.u32 s11, $0x1;
	s17 =	sshrl.u32 s5, $0x3;
	s6 =	sadd.s32 s6, s4  }
0xd: {  	s10 =	sadd.s32 s8, s4;
	s8 =	sadd.s32 $0x1800, s9;
	s4 =	sadd.s32 $0xE600, s6  }
0xe: {  	v0 =	vimm.f32 $1.000000000e+00;
	v1 =	vimm.f32 $0.0e+00;
	s6 =	sadd.s32 $0x800, s9;
	s9 =	sadd.s32 $0x2000, s9;
	s10 =	sadd.s32 $0x18600, s10  }
.LBB2_1:
0xf: {  	[tilespmem:s3], [sflag:$0x1] =	stream.linear.gather [hbm4b:s4+s3], $0x2800, $0x38;
	[tilespmem:$0x6000] =	vst v63  }
0x10: {  	_ =	swait.ge [sflag:s12], $0x2800  }
0x11: {  	[sflag:s12] =	ssyncset.done $0x0  }
0x12: {  	s19 =	simm.s32 $0x40;
	s20 =	simm.s32 $0x0;
	[sflag:s12] =	ssyncadd.s32 $0xFFFFD800  }
.LBB2_2:
0x13: {  	p0 =	sne.s32 s19, $0x1FC0;
	[tilespmem:s20+$0x2800] =	vst v0;
	s21 =	smov.u32 s19;
	s19 =	sadd.s32 $0x40, s19  }
.Ltmp0:
0x14: {  	[tilespmem:s20+$0x3000] =	vst v1;
	(pc) =	sbr.rel @p0 .LBB2_2-.Ltmp0, $2  }
0x15: {  	_ =	sdelay $0x2  }
0x16: {  	s20 =	sshra.s32 s21, $0x2  }
0x17: {  	[tilespmem:s20+$0x2800] =	vst v0  }
0x18: {  	[tilespmem:s20+$0x3000] =	vst v1  }
0x19: {  	[spmem:s5] =	stream.linear.scatter [tilespmem:s13], [sflag:$0x1], $0x800, $0x38;
	[tilespmem:$0x6000] =	vst v63  }
0x1a: {  	_ =	swait.ge [sflag:s12], $0x800  }
0x1b: {  	[sflag:s12] =	ssyncset.done $0x0  }
0x1c: {  	[sflag:s12] =	ssyncadd.s32 $0xFFFFF800  }
0x1d: {  	[spmem:s6] =	stream.linear.scatter [tilespmem:s13], [sflag:$0x1], $0x800, $0x38;
	[tilespmem:$0x6000] =	vst v63  }
0x1e: {  	_ =	swait.ge [sflag:s12], $0x800  }
0x1f: {  	[sflag:s12] =	ssyncset.done $0x0  }
0x20: {  	[sflag:s12] =	ssyncadd.s32 $0xFFFFF800  }
0x21: {  	[spmem:s7] =	stream.linear.scatter [tilespmem:s13], [sflag:$0x1], $0x800, $0x38;
	[tilespmem:$0x6000] =	vst v63  }
0x22: {  	_ =	swait.ge [sflag:s12], $0x800  }
0x23: {  	[sflag:s12] =	ssyncset.done $0x0  }
0x24: {  	[sflag:s12] =	ssyncadd.s32 $0xFFFFF800  }
0x25: {  	[spmem:s8] =	stream.linear.scatter [tilespmem:s13], [sflag:$0x1], $0x800, $0x38;
	[tilespmem:$0x6000] =	vst v63  }
0x26: {  	_ =	swait.ge [sflag:s12], $0x800  }
0x27: {  	[sflag:s12] =	ssyncset.done $0x0  }
0x28: {  	[sflag:s12] =	ssyncadd.s32 $0xFFFFF800  }
0x29: {  	[spmem:s9] =	stream.linear.scatter [tilespmem:s13], [sflag:$0x1], $0x800, $0x38;
	[tilespmem:$0x6000] =	vst v63  }
0x2a: {  	_ =	swait.ge [sflag:s12], $0x800  }
0x2b: {  	[sflag:s12] =	ssyncset.done $0x0  }
0x2c: {  	[sflag:s12] =	ssyncadd.s32 $0xFFFFF800  }
0x2d: {  	s19 =	simm.s32 $0x0;
	[bflag:$0x0] =	sbarrier.arrive $0xFFFF  }
0x2e: {  	[spmem:s2] =	stream.indirect.scatter.add.f32 [tilespmem:s15], [sflag:$0x1], $0x10, s19, s14, $0xb8;
	[tilespmem:$0x6000] =	vst v63  }
0x2f: {  	_ =	swait.ge [sflag:s12], $0x800  }
0x30: {  	s19 =	simm.s32 $0x200;
	[sflag:s12] =	ssyncset.done $0x0  }
.LBB2_4:
0x31: {  	s20 =	sshra.s32 s19, $0x2;
	[sflag:s12] =	ssyncadd.s32 $0xFFFFF800;
	p0 =	sne.s32 s19, $0x9E00  }
0x32: {  	[spmem:s2] =	stream.indirect.scatter.add.f32 [tilespmem:s15], [sflag:$0x1], $0x10, s20, s14, $0xb8;
	[tilespmem:$0x6000] =	vst v63  }
.Ltmp1:
0x33: {  	_ = 	snop;
	(pc) =	sbr.rel @p0 .LBB2_4-.Ltmp1, $4  }
0x34: {  	_ = 	snop  }
0x35: {  	s19 =	sadd.s32 $0x200, s19  }
0x36: {  	_ =	swait.ge [sflag:s12], $0x800  }
0x37: {  	[sflag:s12] =	ssyncset.done $0x0  }
0x38: {  	s18 =	sadd.s32 $0x1, s18  }
0x39: {  	[sflag:s12] =	ssyncadd.s32 $0xFFFFF800;
	p0 =	sne.s32 s18, s11  }
.Ltmp2:
0x3a: {  	[bflag:$0x0] =	sbarrier.arrive $0xFFFF;
	(pc) =	sbr.rel @p0 .LBB2_1-.Ltmp2, $4  }
0x3b: {  	[hbm:s10], [sflag:s16] =	dma.local [spmem:s17], $0x500  }
0x3c: {  	_ =	swait.ge [sflag:s12], $0x500  }
0x3d: {  	[sflag:s12] =	ssyncset.done $0x0  }
0x3e: {  	[sflag:s12] =	ssyncadd.s32 $0xFFFFFB00  }
0x3f: {  	_ =	sfence.sel $0x180000  }
0x40: {  	[bflag:$0x0] =	sbarrier.arrive $0xFFFF  }
0x41: {  	p0 =	sne.s32 s1, $0x0;
	_ =	strace $0x90000047  }
0x42: {  	s0 =	sadd.s32 @!p0 $0x100000, s0;
	[bflag:$0x2] =	sbarrier.arrive $0xFFFF  }
0x43: {  	[sflag:s0] =	ssyncadd.tile.s32 @!p0 $0x1;
	_ =	shalt  }
.Lfunc_end2:
_tile_overlayer_lowered:
.L_overlay_start_2:
0x44: {  	(tag) =	ssettag $0x2  }
0x45: {  	s0 =	rddreg [dreg:$0x0];
	s2 =	stileid.u32  }
0x46: {  	s1 =	rddreg [dreg:$0x1];
	p0 =	sne.s32 s2, $0x0  }
0x47: {  	s3 =	rddreg [dreg:$0x2];
	[bflag:$0x3] =	sbarrier.arrive $0xFFFF;
	s2 =	simm.s32 @!p0 $0x1C01  }
0x48: {  	[timem:s3], [sflag:s2] =	dma.local @!p0 [hbm:s0], s1  }
0x49: {  	s0 =	simm.s32 @!p0 $0x1  }
0x4a: {  	_ =	swait.ge @!p0 [sflag:s0], s1  }
0x4b: {  	s1 =	ssub.s32 @!p0 $0x0, s1;
	[sflag:s0] =	ssyncset.done @!p0 $0x0  }
0x4c: {  	[sflag:s0] =	ssyncadd.s32 @!p0 s1  }
0x4d: {  	[bflag:$0x3] =	sbarrier.arrive $0xFFFF  }
0x4e: {  	_ =	shalt  }

</sc_bundles>
